<compile_context>
chip_gen: v7x
topology: tpu7x:2x2x1
jax: 0.10.2.dev20260603
libtpu: 0.0.44.dev20260713+nightly
codegen_flags: <defaults>
</compile_context>

<pallas_src>
import functools

import jax
import jax.numpy as jnp
from jax import lax
from jax.experimental import pallas as pl
from jax.experimental.pallas import tpu as pltpu
from jax.experimental.pallas import tpu_sc as plsc

N = 10000
E = 320000
D = 128

NC = 2
NS = 16
NW = NC * NS

CH = 128
NCHUNK = 80
EPT = CH * NCHUNK
E_PAD = EPT * NW

AGG_ROWS = 10112
AGG_PT = AGG_ROWS // NS
W0 = 80
W1 = 80
NW1 = NS * W1
NCHT = NS * (W0 + W1)
DEG_PAD = 10240
DEG_PT = DEG_PAD // NS

_mesh = plsc.VectorSubcoreMesh(core_axis_name="c", subcore_axis_name="s")


@functools.partial(
    pl.kernel,
    out_type=jax.ShapeDtypeStruct((NC, DEG_PAD), jnp.float32),
    mesh=_mesh,
    scratch_types=[
        pltpu.VMEM((NCHUNK, CH), jnp.int32),
        pltpu.VMEM((CH,), jnp.float32),
        pltpu.VMEM((DEG_PT,), jnp.float32),
        pltpu.VMEM_SHARED((DEG_PAD,), jnp.float32),
        pltpu.SemaphoreType.DMA,
    ],
)
def _deg_kernel(dst_hbm, out_hbm, dst_v, ones_v, zer_v, deg_sh, sem):
    cid = lax.axis_index("c")
    sid = lax.axis_index("s")
    wid = sid * NC + cid
    for i in range(CH // 16):
        ones_v[pl.ds(i * 16, 16)] = jnp.ones((16,), jnp.float32)
    for i in range(DEG_PT // 16):
        zer_v[pl.ds(i * 16, 16)] = jnp.zeros((16,), jnp.float32)
    pltpu.sync_copy(zer_v, deg_sh.at[pl.ds(sid * DEG_PT, DEG_PT)])
    pltpu.sync_copy(dst_hbm.at[wid], dst_v)
    plsc.subcore_barrier()

    def fire(i, carry):
        pltpu.async_copy(ones_v, deg_sh.at[dst_v.at[i]], sem, add=True)
        return carry

    lax.fori_loop(0, NCHUNK, fire, 0)

    def drain(i, carry):
        pltpu.make_async_copy(ones_v, deg_sh.at[dst_v.at[i]], sem).wait()
        return carry

    lax.fori_loop(0, NCHUNK, drain, 0)
    plsc.subcore_barrier()
    pltpu.sync_copy(
        deg_sh.at[pl.ds(sid * DEG_PT, DEG_PT)],
        out_hbm.at[cid, pl.ds(sid * DEG_PT, DEG_PT)],
    )


@functools.partial(
    pl.kernel,
    out_type=jax.ShapeDtypeStruct((NC, AGG_ROWS, D), jnp.float32),
    mesh=_mesh,
    scratch_types=[
        pltpu.VMEM((W0, CH), jnp.int32),
        pltpu.VMEM((2, CH), jnp.int32),
        pltpu.VMEM((CH, D), jnp.float32),
        pltpu.VMEM((CH, D), jnp.float32),
        pltpu.VMEM_SHARED((AGG_ROWS, D), jnp.float32),
        pltpu.SemaphoreType.DMA,
        pltpu.SemaphoreType.DMA,
        pltpu.SemaphoreType.DMA,
        pltpu.SemaphoreType.DMA,
    ],
)
def _agg_kernel(hs_hbm, src_hbm, dst_hbm, zeros_hbm, out_hbm,
                src_v, dst_v, r0, r1, agg_sh,
                sem0, sem1, semd0, semd1):
    cid = lax.axis_index("c")
    sid = lax.axis_index("s")
    base = jnp.where(cid == 0, NW1 + sid * W0, sid * W1)
    nch = jnp.where(cid == 0, W0, W1)
    pltpu.sync_copy(zeros_hbm, agg_sh.at[pl.ds(sid * AGG_PT, AGG_PT)])

    @pl.when(cid == 0)
    def _():
        pltpu.sync_copy(src_hbm.at[pl.ds(NW1 + sid * W0, W0)],
                        src_v.at[pl.ds(0, W0)])

    @pl.when(cid == 1)
    def _():
        pltpu.sync_copy(src_hbm.at[pl.ds(sid * W1, W1)],
                        src_v.at[pl.ds(0, W1)])

    plsc.subcore_barrier()

    pltpu.async_copy(hs_hbm.at[src_v.at[0]], r0, sem0)
    pltpu.async_copy(dst_hbm.at[base], dst_v.at[0], semd0)

    def pair(i, carry):
        c0 = 2 * i
        pltpu.async_copy(hs_hbm.at[src_v.at[c0 + 1]], r1, sem1)
        pltpu.async_copy(dst_hbm.at[base + c0 + 1], dst_v.at[1], semd1)
        pltpu.make_async_copy(hs_hbm.at[src_v.at[c0]], r0, sem0).wait()
        pltpu.make_async_copy(dst_hbm.at[base + c0], dst_v.at[0],
                              semd0).wait()
        pltpu.sync_copy(r0, agg_sh.at[dst_v.at[0]], add=True)

        @pl.when(c0 + 2 < nch)
        def _():
            pltpu.async_copy(hs_hbm.at[src_v.at[c0 + 2]], r0, sem0)
            pltpu.async_copy(dst_hbm.at[base + c0 + 2], dst_v.at[0], semd0)

        pltpu.make_async_copy(hs_hbm.at[src_v.at[c0 + 1]], r1, sem1).wait()
        pltpu.make_async_copy(dst_hbm.at[base + c0 + 1], dst_v.at[1],
                              semd1).wait()
        pltpu.sync_copy(r1, agg_sh.at[dst_v.at[1]], add=True)
        return carry

    lax.fori_loop(0, nch // 2, pair, 0)
    plsc.subcore_barrier()
    pltpu.sync_copy(
        agg_sh.at[pl.ds(sid * AGG_PT, AGG_PT)],
        out_hbm.at[cid, pl.ds(sid * AGG_PT, AGG_PT)],
    )


def _spow(d_a, e):
    return jnp.where(
        d_a > 0.0, jnp.exp(e * jnp.log(jnp.maximum(d_a, 1e-12))), 0.0
    )


def _l1_body(g1_ref, x_ref, w1_ref, b1_ref, dega_ref, degb_ref, h_ref, hs_ref):
    h = jnp.dot(x_ref[...], w1_ref[...], preferred_element_type=jnp.float32)
    h = h + b1_ref[...]
    a = g1_ref[6]
    d_a = dega_ref[...] + degb_ref[...] + a
    h_ref[...] = h
    hs_ref[...] = h * _spow(d_a, g1_ref[5])


def _mid_body(g1_ref, g2_ref, h1_ref, hs1_ref, a1a_ref, a1b_ref,
              dega_ref, degb_ref, w2_ref, b2_ref, h2_ref, hs2_ref):
    m1, m2, m3 = g1_ref[0], g1_ref[1], g1_ref[2]
    e1, e2, a = g1_ref[3], g1_ref[4], g1_ref[6]
    deg = dega_ref[...] + degb_ref[...]
    d_a = deg + a
    h1 = h1_ref[...]
    agg = a1a_ref[...] + a1b_ref[...] + a * hs1_ref[...]
    out1 = m1 * _spow(d_a, e1) * h1 + m2 * (_spow(d_a, e2) * agg) + m3 * h1
    r = jnp.maximum(out1, 0.0)
    h2 = jnp.dot(r, w2_ref[...], preferred_element_type=jnp.float32)
    h2 = h2 + b2_ref[...]
    d_a2 = deg + g2_ref[6]
    h2_ref[...] = h2
    hs2_ref[...] = h2 * _spow(d_a2, g2_ref[5])


def _fin_body(g2_ref, h2_ref, hs2_ref, a2a_ref, a2b_ref,
              dega_ref, degb_ref, out_ref):
    m1, m2, m3 = g2_ref[0], g2_ref[1], g2_ref[2]
    e1, e2, a = g2_ref[3], g2_ref[4], g2_ref[6]
    d_a = dega_ref[...] + degb_ref[...] + a
    h2 = h2_ref[...]
    agg = a2a_ref[...] + a2b_ref[...] + a * hs2_ref[...]
    out_ref[...] = (
        m1 * _spow(d_a, e1) * h2 + m2 * (_spow(d_a, e2) * agg) + m3 * h2
    )


_B = 1000
_GRID = N // _B

_smem = pl.BlockSpec(memory_space=pltpu.SMEM)


def _row_spec(width=D):
    return pl.BlockSpec((_B, width), lambda i: (i, 0))


def _full_spec(shape):
    return pl.BlockSpec(shape, lambda i: (0, 0))


_l1_call = pl.pallas_call(
    _l1_body,
    grid=(_GRID,),
    in_specs=[
        _smem,
        _row_spec(),
        _full_spec((D, D)),
        _full_spec((1, D)),
        _row_spec(1),
        _row_spec(1),
    ],
    out_specs=[_row_spec(), _row_spec()],
    out_shape=[
        jax.ShapeDtypeStruct((N, D), jnp.float32),
        jax.ShapeDtypeStruct((N, D), jnp.float32),
    ],
)

_mid_call = pl.pallas_call(
    _mid_body,
    grid=(_GRID,),
    in_specs=[
        _smem,
        _smem,
        _row_spec(),
        _row_spec(),
        _row_spec(),
        _row_spec(),
        _row_spec(1),
        _row_spec(1),
        _full_spec((D, D)),
        _full_spec((1, D)),
    ],
    out_specs=[_row_spec(), _row_spec()],
    out_shape=[
        jax.ShapeDtypeStruct((N, D), jnp.float32),
        jax.ShapeDtypeStruct((N, D), jnp.float32),
    ],
)

_fin_call = pl.pallas_call(
    _fin_body,
    grid=(_GRID,),
    in_specs=[
        _smem,
        _row_spec(),
        _row_spec(),
        _row_spec(),
        _row_spec(),
        _row_spec(1),
        _row_spec(1),
    ],
    out_specs=_row_spec(),
    out_shape=jax.ShapeDtypeStruct((N, D), jnp.float32),
)


@jax.jit
def kernel(x, W1, b1, W2, b2, g1, g2, edge_index):
    src = edge_index[0].astype(jnp.int32)
    dst = edge_index[1].astype(jnp.int32)
    pad = E_PAD - E
    pidx = jnp.arange(pad, dtype=jnp.int32)
    srcp = jnp.concatenate([src, pidx % N])
    dstp = jnp.concatenate([dst, N + pidx % (AGG_ROWS - N)])
    dst_deg = dstp.reshape(NW, NCHUNK, CH)
    src_agg = srcp.reshape(NCHT, CH)
    dst_agg = dstp.reshape(NCHT, CH)

    degp = _deg_kernel(dst_deg)
    dega = degp[0].reshape(DEG_PAD, 1)
    degb = degp[1].reshape(DEG_PAD, 1)

    zeros_agg = jnp.zeros((AGG_PT, D), jnp.float32)
    b1r = b1.reshape(1, D)
    b2r = b2.reshape(1, D)

    h1, hs1 = _l1_call(g1, x, W1, b1r, dega, degb)
    agg1 = _agg_kernel(hs1, src_agg, dst_agg, zeros_agg)
    h2, hs2 = _mid_call(g1, g2, h1, hs1, agg1[0], agg1[1],
                        dega, degb, W2, b2r)
    agg2 = _agg_kernel(hs2, src_agg, dst_agg, zeros_agg)
    return _fin_call(g2, h2, hs2, agg2[0], agg2[1], dega, degb)

# --- scband reference (transcript-rebuilt; emitter-appended) ---
"""Pipeline reference for scband-gcn-two-gso-11493332484239 (READ-ONLY COPY).

The authoritative reference and input builder live on the scoring server;
editing this copy changes nothing except your own understanding.
"""

import jax, jax.numpy as jnp
import numpy as np

N_NODES = 10000
N_EDGES = 320000
D_IN = 128
D_HID = 128
D_OUT = 128


def _xavier(key, fan_in, fan_out):
    lim = np.sqrt(6.0 / (fan_in + fan_out))
    return jax.random.uniform(key, (fan_in, fan_out), jnp.float32, -lim, lim)


def setup_inputs(seed: int = 0) -> dict:
    key = jax.random.key(seed)
    ks = jax.random.split(key, 6)
    x = jax.random.normal(ks[0], (N_NODES, D_IN), jnp.float32)
    edge_index = jax.random.randint(ks[1], (2, N_EDGES), 0, N_NODES, dtype=jnp.int32)
    W1 = _xavier(ks[2], D_IN, D_HID)
    b1 = jnp.zeros((D_HID,), jnp.float32)
    W2 = _xavier(ks[3], D_HID, D_OUT)
    b2 = jnp.zeros((D_OUT,), jnp.float32)
    # PGSO params [m1, m2, m3, e1, e2, e3, a]
    # gso_1 = SYMLAPLACIAN: S = I - D^{-1/2} A D^{-1/2}
    g1 = jnp.array([0.0, -1.0, 1.0, 0.0, -0.5, -0.5, 0.0], jnp.float32)
    # gso_2 = NORMADJ: S = (D+I)^{-1/2} (A+I) (D+I)^{-1/2}
    g2 = jnp.array([0.0, 1.0, 0.0, 0.0, -0.5, -0.5, 1.0], jnp.float32)
    return {"x": x, "W1": W1, "b1": b1, "W2": W2, "b2": b2, "g1": g1, "g2": g2, "edge_index": edge_index}


def _pgso_apply(h, edge_index, g):
    # Parameterized GSO: S = m1*D_a^{e1} + m2 * D_a^{e2} (A + a*I) D_a^{e3} + m3*I, D_a = D + a*I
    m1, m2, m3, e1, e2, e3, a = g[0], g[1], g[2], g[3], g[4], g[5], g[6]
    src, dst = edge_index[0], edge_index[1]
    n = h.shape[0]
    deg = jnp.zeros((n,), h.dtype).at[dst].add(1.0)
    d_a = deg + a
    def spow(e):
        return jnp.where(d_a > 0, jnp.power(jnp.maximum(d_a, 1e-12), e), 0.0)
    d_e1 = spow(e1)
    d_e2 = spow(e2)
    d_e3 = spow(e3)
    hs = h * d_e3[:, None]
    agg = jnp.zeros_like(h).at[dst].add(hs[src])
    agg = agg + a * hs
    return m1 * d_e1[:, None] * h + m2 * (d_e2[:, None] * agg) + m3 * h


def reference(x, W1, b1, W2, b2, g1, g2, edge_index):
    # Layer 1: GCNConv with learnable GSO #1, then ReLU (dropout inactive in eval)
    h = x @ W1 + b1
    h = _pgso_apply(h, edge_index, g1)
    h = jax.nn.relu(h)
    # Layer 2: GCNConv with learnable GSO #2
    h = h @ W2 + b2
    out = _pgso_apply(h, edge_index, g2)
    return out


if False:  # reference __main__ guard neutralized (emitter)
    out = reference(**setup_inputs())
    print(out.shape)

if __name__ == "__main__":
    import jax
    _d = setup_inputs()
    print(jax.jit(kernel)(*tuple(_d.values())))

</pallas_src>

<mosaic_0001>
#map = affine_map<(d0, d1) -> (0, 0, 0)>
#map1 = affine_map<(d0, d1) -> (0, 0)>
module attributes {stable_mosaic.version = 14 : i64} {
  func.func @_deg_kernel(%arg0: i32, %arg1: i32, %arg2: memref<32x80x128xi32, #tpu.memory_space<hbm>>, %arg3: memref<2x10240xf32, #tpu.memory_space<hbm>>, %arg4: memref<80x128xi32, #tpu.memory_space<vmem>>, %arg5: memref<128xf32, #tpu.memory_space<vmem>>, %arg6: memref<640xf32, #tpu.memory_space<vmem>>, %arg7: memref<10240xf32, #tpu.memory_space<vmem_shared>>, %arg8: memref<!tpu.dma_semaphore, #tpu.memory_space<semaphore_mem>>) attributes {dimension_semantics = [#tpu.dimension_semantics<core_parallel>, #tpu.dimension_semantics<subcore_parallel>], iteration_bounds = array<i64: 2, 16>, scalar_prefetch = 0 : i64, scratch_operands = 5 : i64, tpu.core_type = #tpu.core_type<sc_vector_subcore>, window_params = [{transform_indices = #map}, {transform_indices = #map1}]} {
    %mul3A = arith.constant 2 : i32
    %mul3A_0 = arith.muli %arg1, %mul3A : i32
    %add3A = arith.addi %mul3A_0, %arg0 : i32
    %broadcast_in_dim3A = arith.constant 1.000000e+00 : f32
    %broadcast_in_dim3A_1 = vector.broadcast %broadcast_in_dim3A : f32 to vector<16xf32>
    %swap3A = arith.constant 0 : index
    %swap3A_2 = tpu.vector_load %arg5[%swap3A] {strides = array<i32>} : memref<128xf32, #tpu.memory_space<vmem>>, vector<16xf32>,
    %swap3A_3 = vector.shape_cast %swap3A_2 : vector<16xf32> to vector<16xf32>
    %swap3A_4 = vector.shape_cast %broadcast_in_dim3A_1 : vector<16xf32> to vector<16xf32>
    tpu.vector_store %arg5[%swap3A], %swap3A_4 {strides = array<i32>} : memref<128xf32, #tpu.memory_space<vmem>>, vector<16xf32>,
    %broadcast_in_dim3A_5 = arith.constant 1.000000e+00 : f32
    %broadcast_in_dim3A_6 = vector.broadcast %broadcast_in_dim3A_5 : f32 to vector<16xf32>
    %swap3A_7 = arith.constant 16 : index
    %swap3A_8 = tpu.vector_load %arg5[%swap3A_7] {strides = array<i32>} : memref<128xf32, #tpu.memory_space<vmem>>, vector<16xf32>,
    %swap3A_9 = vector.shape_cast %swap3A_8 : vector<16xf32> to vector<16xf32>
    %swap3A_10 = vector.shape_cast %broadcast_in_dim3A_6 : vector<16xf32> to vector<16xf32>
    tpu.vector_store %arg5[%swap3A_7], %swap3A_10 {strides = array<i32>} : memref<128xf32, #tpu.memory_space<vmem>>, vector<16xf32>,
    %broadcast_in_dim3A_11 = arith.constant 1.000000e+00 : f32
    %broadcast_in_dim3A_12 = vector.broadcast %broadcast_in_dim3A_11 : f32 to vector<16xf32>
    %swap3A_13 = arith.constant 32 : index
    %swap3A_14 = tpu.vector_load %arg5[%swap3A_13] {strides = array<i32>} : memref<128xf32, #tpu.memory_space<vmem>>, vector<16xf32>,
    %swap3A_15 = vector.shape_cast %swap3A_14 : vector<16xf32> to vector<16xf32>
    %swap3A_16 = vector.shape_cast %broadcast_in_dim3A_12 : vector<16xf32> to vector<16xf32>
    tpu.vector_store %arg5[%swap3A_13], %swap3A_16 {strides = array<i32>} : memref<128xf32, #tpu.memory_space<vmem>>, vector<16xf32>,
    %broadcast_in_dim3A_17 = arith.constant 1.000000e+00 : f32
    %broadcast_in_dim3A_18 = vector.broadcast %broadcast_in_dim3A_17 : f32 to vector<16xf32>
    %swap3A_19 = arith.constant 48 : index
    %swap3A_20 = tpu.vector_load %arg5[%swap3A_19] {strides = array<i32>} : memref<128xf32, #tpu.memory_space<vmem>>, vector<16xf32>,
    %swap3A_21 = vector.shape_cast %swap3A_20 : vector<16xf32> to vector<16xf32>
    %swap3A_22 = vector.shape_cast %broadcast_in_dim3A_18 : vector<16xf32> to vector<16xf32>
    tpu.vector_store %arg5[%swap3A_19], %swap3A_22 {strides = array<i32>} : memref<128xf32, #tpu.memory_space<vmem>>, vector<16xf32>,
    %broadcast_in_dim3A_23 = arith.constant 1.000000e+00 : f32
    %broadcast_in_dim3A_24 = vector.broadcast %broadcast_in_dim3A_23 : f32 to vector<16xf32>
    %swap3A_25 = arith.constant 64 : index
    %swap3A_26 = tpu.vector_load %arg5[%swap3A_25] {strides = array<i32>} : memref<128xf32, #tpu.memory_space<vmem>>, vector<16xf32>,
    %swap3A_27 = vector.shape_cast %swap3A_26 : vector<16xf32> to vector<16xf32>
    %swap3A_28 = vector.shape_cast %broadcast_in_dim3A_24 : vector<16xf32> to vector<16xf32>
    tpu.vector_store %arg5[%swap3A_25], %swap3A_28 {strides = array<i32>} : memref<128xf32, #tpu.memory_space<vmem>>, vector<16xf32>,
    %broadcast_in_dim3A_29 = arith.constant 1.000000e+00 : f32
    %broadcast_in_dim3A_30 = vector.broadcast %broadcast_in_dim3A_29 : f32 to vector<16xf32>
    %swap3A_31 = arith.constant 80 : index
    %swap3A_32 = tpu.vector_load %arg5[%swap3A_31] {strides = array<i32>} : memref<128xf32, #tpu.memory_space<vmem>>, vector<16xf32>,
    %swap3A_33 = vector.shape_cast %swap3A_32 : vector<16xf32> to vector<16xf32>
    %swap3A_34 = vector.shape_cast %broadcast_in_dim3A_30 : vector<16xf32> to vector<16xf32>
    tpu.vector_store %arg5[%swap3A_31], %swap3A_34 {strides = array<i32>} : memref<128xf32, #tpu.memory_space<vmem>>, vector<16xf32>,
    %broadcast_in_dim3A_35 = arith.constant 1.000000e+00 : f32
    %broadcast_in_dim3A_36 = vector.broadcast %broadcast_in_dim3A_35 : f32 to vector<16xf32>
    %swap3A_37 = arith.constant 96 : index
    %swap3A_38 = tpu.vector_load %arg5[%swap3A_37] {strides = array<i32>} : memref<128xf32, #tpu.memory_space<vmem>>, vector<16xf32>,
    %swap3A_39 = vector.shape_cast %swap3A_38 : vector<16xf32> to vector<16xf32>
    %swap3A_40 = vector.shape_cast %broadcast_in_dim3A_36 : vector<16xf32> to vector<16xf32>
    tpu.vector_store %arg5[%swap3A_37], %swap3A_40 {strides = array<i32>} : memref<128xf32, #tpu.memory_space<vmem>>, vector<16xf32>,
    %broadcast_in_dim3A_41 = arith.constant 1.000000e+00 : f32
    %broadcast_in_dim3A_42 = vector.broadcast %broadcast_in_dim3A_41 : f32 to vector<16xf32>
    %swap3A_43 = arith.constant 112 : index
    %swap3A_44 = tpu.vector_load %arg5[%swap3A_43] {strides = array<i32>} : memref<128xf32, #tpu.memory_space<vmem>>, vector<16xf32>,
    %swap3A_45 = vector.shape_cast %swap3A_44 : vector<16xf32> to vector<16xf32>
    %swap3A_46 = vector.shape_cast %broadcast_in_dim3A_42 : vector<16xf32> to vector<16xf32>
    tpu.vector_store %arg5[%swap3A_43], %swap3A_46 {strides = array<i32>} : memref<128xf32, #tpu.memory_space<vmem>>, vector<16xf32>,
    %broadcast_in_dim3A_47 = arith.constant 0.000000e+00 : f32
    %broadcast_in_dim3A_48 = vector.broadcast %broadcast_in_dim3A_47 : f32 to vector<16xf32>
    %swap3A_49 = arith.constant 0 : index
    %swap3A_50 = tpu.vector_load %arg6[%swap3A_49] {strides = array<i32>} : memref<640xf32, #tpu.memory_space<vmem>>, vector<16xf32>,
    %swap3A_51 = vector.shape_cast %swap3A_50 : vector<16xf32> to vector<16xf32>
    %swap3A_52 = vector.shape_cast %broadcast_in_dim3A_48 : vector<16xf32> to vector<16xf32>
    tpu.vector_store %arg6[%swap3A_49], %swap3A_52 {strides = array<i32>} : memref<640xf32, #tpu.memory_space<vmem>>, vector<16xf32>,
    %broadcast_in_dim3A_53 = arith.constant 0.000000e+00 : f32
    %broadcast_in_dim3A_54 = vector.broadcast %broadcast_in_dim3A_53 : f32 to vector<16xf32>
    %swap3A_55 = arith.constant 16 : index
    %swap3A_56 = tpu.vector_load %arg6[%swap3A_55] {strides = array<i32>} : memref<640xf32, #tpu.memory_space<vmem>>, vector<16xf32>,
    %swap3A_57 = vector.shape_cast %swap3A_56 : vector<16xf32> to vector<16xf32>
    %swap3A_58 = vector.shape_cast %broadcast_in_dim3A_54 : vector<16xf32> to vector<16xf32>
    tpu.vector_store %arg6[%swap3A_55], %swap3A_58 {strides = array<i32>} : memref<640xf32, #tpu.memory_space<vmem>>, vector<16xf32>,
    %broadcast_in_dim3A_59 = arith.constant 0.000000e+00 : f32
    %broadcast_in_dim3A_60 = vector.broadcast %broadcast_in_dim3A_59 : f32 to vector<16xf32>
    %swap3A_61 = arith.constant 32 : index
    %swap3A_62 = tpu.vector_load %arg6[%swap3A_61] {strides = array<i32>} : memref<640xf32, #tpu.memory_space<vmem>>, vector<16xf32>,
    %swap3A_63 = vector.shape_cast %swap3A_62 : vector<16xf32> to vector<16xf32>
    %swap3A_64 = vector.shape_cast %broadcast_in_dim3A_60 : vector<16xf32> to vector<16xf32>
    tpu.vector_store %arg6[%swap3A_61], %swap3A_64 {strides = array<i32>} : memref<640xf32, #tpu.memory_space<vmem>>, vector<16xf32>,
    %broadcast_in_dim3A_65 = arith.constant 0.000000e+00 : f32
    %broadcast_in_dim3A_66 = vector.broadcast %broadcast_in_dim3A_65 : f32 to vector<16xf32>
    %swap3A_67 = arith.constant 48 : index
    %swap3A_68 = tpu.vector_load %arg6[%swap3A_67] {strides = array<i32>} : memref<640xf32, #tpu.memory_space<vmem>>, vector<16xf32>,
    %swap3A_69 = vector.shape_cast %swap3A_68 : vector<16xf32> to vector<16xf32>
    %swap3A_70 = vector.shape_cast %broadcast_in_dim3A_66 : vector<16xf32> to vector<16xf32>
    tpu.vector_store %arg6[%swap3A_67], %swap3A_70 {strides = array<i32>} : memref<640xf32, #tpu.memory_space<vmem>>, vector<16xf32>,
    %broadcast_in_dim3A_71 = arith.constant 0.000000e+00 : f32
    %broadcast_in_dim3A_72 = vector.broadcast %broadcast_in_dim3A_71 : f32 to vector<16xf32>
    %swap3A_73 = arith.constant 64 : index
    %swap3A_74 = tpu.vector_load %arg6[%swap3A_73] {strides = array<i32>} : memref<640xf32, #tpu.memory_space<vmem>>, vector<16xf32>,
    %swap3A_75 = vector.shape_cast %swap3A_74 : vector<16xf32> to vector<16xf32>
    %swap3A_76 = vector.shape_cast %broadcast_in_dim3A_72 : vector<16xf32> to vector<16xf32>
    tpu.vector_store %arg6[%swap3A_73], %swap3A_76 {strides = array<i32>} : memref<640xf32, #tpu.memory_space<vmem>>, vector<16xf32>,
    %broadcast_in_dim3A_77 = arith.constant 0.000000e+00 : f32
    %broadcast_in_dim3A_78 = vector.broadcast %broadcast_in_dim3A_77 : f32 to vector<16xf32>
    %swap3A_79 = arith.constant 80 : index
    %swap3A_80 = tpu.vector_load %arg6[%swap3A_79] {strides = array<i32>} : memref<640xf32, #tpu.memory_space<vmem>>, vector<16xf32>,
    %swap3A_81 = vector.shape_cast %swap3A_80 : vector<16xf32> to vector<16xf32>
    %swap3A_82 = vector.shape_cast %broadcast_in_dim3A_78 : vector<16xf32> to vector<16xf32>
    tpu.vector_store %arg6[%swap3A_79], %swap3A_82 {strides = array<i32>} : memref<640xf32, #tpu.memory_space<vmem>>, vector<16xf32>,
    %broadcast_in_dim3A_83 = arith.constant 0.000000e+00 : f32
    %broadcast_in_dim3A_84 = vector.broadcast %broadcast_in_dim3A_83 : f32 to vector<16xf32>
    %swap3A_85 = arith.constant 96 : index
    %swap3A_86 = tpu.vector_load %arg6[%swap3A_85] {strides = array<i32>} : memref<640xf32, #tpu.memory_space<vmem>>, vector<16xf32>,
    %swap3A_87 = vector.shape_cast %swap3A_86 : vector<16xf32> to vector<16xf32>
    %swap3A_88 = vector.shape_cast %broadcast_in_dim3A_84 : vector<16xf32> to vector<16xf32>
    tpu.vector_store %arg6[%swap3A_85], %swap3A_88 {strides = array<i32>} : memref<640xf32, #tpu.memory_space<vmem>>, vector<16xf32>,
    %broadcast_in_dim3A_89 = arith.constant 0.000000e+00 : f32
    %broadcast_in_dim3A_90 = vector.broadcast %broadcast_in_dim3A_89 : f32 to vector<16xf32>
    %swap3A_91 = arith.constant 112 : index
    %swap3A_92 = tpu.vector_load %arg6[%swap3A_91] {strides = array<i32>} : memref<640xf32, #tpu.memory_space<vmem>>, vector<16xf32>,
    %swap3A_93 = vector.shape_cast %swap3A_92 : vector<16xf32> to vector<16xf32>
    %swap3A_94 = vector.shape_cast %broadcast_in_dim3A_90 : vector<16xf32> to vector<16xf32>
    tpu.vector_store %arg6[%swap3A_91], %swap3A_94 {strides = array<i32>} : memref<640xf32, #tpu.memory_space<vmem>>, vector<16xf32>,
    %broadcast_in_dim3A_95 = arith.constant 0.000000e+00 : f32
    %broadcast_in_dim3A_96 = vector.broadcast %broadcast_in_dim3A_95 : f32 to vector<16xf32>
    %swap3A_97 = arith.constant 128 : index
    %swap3A_98 = tpu.vector_load %arg6[%swap3A_97] {strides = array<i32>} : memref<640xf32, #tpu.memory_space<vmem>>, vector<16xf32>,
    %swap3A_99 = vector.shape_cast %swap3A_98 : vector<16xf32> to vector<16xf32>
    %swap3A_100 = vector.shape_cast %broadcast_in_dim3A_96 : vector<16xf32> to vector<16xf32>
    tpu.vector_store %arg6[%swap3A_97], %swap3A_100 {strides = array<i32>} : memref<640xf32, #tpu.memory_space<vmem>>, vector<16xf32>,
    %broadcast_in_dim3A_101 = arith.constant 0.000000e+00 : f32
    %broadcast_in_dim3A_102 = vector.broadcast %broadcast_in_dim3A_101 : f32 to vector<16xf32>
    %swap3A_103 = arith.constant 144 : index
    %swap3A_104 = tpu.vector_load %arg6[%swap3A_103] {strides = array<i32>} : memref<640xf32, #tpu.memory_space<vmem>>, vector<16xf32>,
    %swap3A_105 = vector.shape_cast %swap3A_104 : vector<16xf32> to vector<16xf32>
    %swap3A_106 = vector.shape_cast %broadcast_in_dim3A_102 : vector<16xf32> to vector<16xf32>
    tpu.vector_store %arg6[%swap3A_103], %swap3A_106 {strides = array<i32>} : memref<640xf32, #tpu.memory_space<vmem>>, vector<16xf32>,
    %broadcast_in_dim3A_107 = arith.constant 0.000000e+00 : f32
    %broadcast_in_dim3A_108 = vector.broadcast %broadcast_in_dim3A_107 : f32 to vector<16xf32>
    %swap3A_109 = arith.constant 160 : index
    %swap3A_110 = tpu.vector_load %arg6[%swap3A_109] {strides = array<i32>} : memref<640xf32, #tpu.memory_space<vmem>>, vector<16xf32>,
    %swap3A_111 = vector.shape_cast %swap3A_110 : vector<16xf32> to vector<16xf32>
    %swap3A_112 = vector.shape_cast %broadcast_in_dim3A_108 : vector<16xf32> to vector<16xf32>
    tpu.vector_store %arg6[%swap3A_109], %swap3A_112 {strides = array<i32>} : memref<640xf32, #tpu.memory_space<vmem>>, vector<16xf32>,
    %broadcast_in_dim3A_113 = arith.constant 0.000000e+00 : f32
    %broadcast_in_dim3A_114 = vector.broadcast %broadcast_in_dim3A_113 : f32 to vector<16xf32>
    %swap3A_115 = arith.constant 176 : index
    %swap3A_116 = tpu.vector_load %arg6[%swap3A_115] {strides = array<i32>} : memref<640xf32, #tpu.memory_space<vmem>>, vector<16xf32>,
    %swap3A_117 = vector.shape_cast %swap3A_116 : vector<16xf32> to vector<16xf32>
    %swap3A_118 = vector.shape_cast %broadcast_in_dim3A_114 : vector<16xf32> to vector<16xf32>
    tpu.vector_store %arg6[%swap3A_115], %swap3A_118 {strides = array<i32>} : memref<640xf32, #tpu.memory_space<vmem>>, vector<16xf32>,
    %broadcast_in_dim3A_119 = arith.constant 0.000000e+00 : f32
    %broadcast_in_dim3A_120 = vector.broadcast %broadcast_in_dim3A_119 : f32 to vector<16xf32>
    %swap3A_121 = arith.constant 192 : index
    %swap3A_122 = tpu.vector_load %arg6[%swap3A_121] {strides = array<i32>} : memref<640xf32, #tpu.memory_space<vmem>>, vector<16xf32>,
    %swap3A_123 = vector.shape_cast %swap3A_122 : vector<16xf32> to vector<16xf32>
    %swap3A_124 = vector.shape_cast %broadcast_in_dim3A_120 : vector<16xf32> to vector<16xf32>
    tpu.vector_store %arg6[%swap3A_121], %swap3A_124 {strides = array<i32>} : memref<640xf32, #tpu.memory_space<vmem>>, vector<16xf32>,
    %broadcast_in_dim3A_125 = arith.constant 0.000000e+00 : f32
    %broadcast_in_dim3A_126 = vector.broadcast %broadcast_in_dim3A_125 : f32 to vector<16xf32>
    %swap3A_127 = arith.constant 208 : index
    %swap3A_128 = tpu.vector_load %arg6[%swap3A_127] {strides = array<i32>} : memref<640xf32, #tpu.memory_space<vmem>>, vector<16xf32>,
    %swap3A_129 = vector.shape_cast %swap3A_128 : vector<16xf32> to vector<16xf32>
    %swap3A_130 = vector.shape_cast %broadcast_in_dim3A_126 : vector<16xf32> to vector<16xf32>
    tpu.vector_store %arg6[%swap3A_127], %swap3A_130 {strides = array<i32>} : memref<640xf32, #tpu.memory_space<vmem>>, vector<16xf32>,
    %broadcast_in_dim3A_131 = arith.constant 0.000000e+00 : f32
    %broadcast_in_dim3A_132 = vector.broadcast %broadcast_in_dim3A_131 : f32 to vector<16xf32>
    %swap3A_133 = arith.constant 224 : index
    %swap3A_134 = tpu.vector_load %arg6[%swap3A_133] {strides = array<i32>} : memref<640xf32, #tpu.memory_space<vmem>>, vector<16xf32>,
    %swap3A_135 = vector.shape_cast %swap3A_134 : vector<16xf32> to vector<16xf32>
    %swap3A_136 = vector.shape_cast %broadcast_in_dim3A_132 : vector<16xf32> to vector<16xf32>
    tpu.vector_store %arg6[%swap3A_133], %swap3A_136 {strides = array<i32>} : memref<640xf32, #tpu.memory_space<vmem>>, vector<16xf32>,
    %broadcast_in_dim3A_137 = arith.constant 0.000000e+00 : f32
    %broadcast_in_dim3A_138 = vector.broadcast %broadcast_in_dim3A_137 : f32 to vector<16xf32>
    %swap3A_139 = arith.constant 240 : index
    %swap3A_140 = tpu.vector_load %arg6[%swap3A_139] {strides = array<i32>} : memref<640xf32, #tpu.memory_space<vmem>>, vector<16xf32>,
    %swap3A_141 = vector.shape_cast %swap3A_140 : vector<16xf32> to vector<16xf32>
    %swap3A_142 = vector.shape_cast %broadcast_in_dim3A_138 : vector<16xf32> to vector<16xf32>
    tpu.vector_store %arg6[%swap3A_139], %swap3A_142 {strides = array<i32>} : memref<640xf32, #tpu.memory_space<vmem>>, vector<16xf32>,
    %broadcast_in_dim3A_143 = arith.constant 0.000000e+00 : f32
    %broadcast_in_dim3A_144 = vector.broadcast %broadcast_in_dim3A_143 : f32 to vector<16xf32>
    %swap3A_145 = arith.constant 256 : index
    %swap3A_146 = tpu.vector_load %arg6[%swap3A_145] {strides = array<i32>} : memref<640xf32, #tpu.memory_space<vmem>>, vector<16xf32>,
    %swap3A_147 = vector.shape_cast %swap3A_146 : vector<16xf32> to vector<16xf32>
    %swap3A_148 = vector.shape_cast %broadcast_in_dim3A_144 : vector<16xf32> to vector<16xf32>
    tpu.vector_store %arg6[%swap3A_145], %swap3A_148 {strides = array<i32>} : memref<640xf32, #tpu.memory_space<vmem>>, vector<16xf32>,
    %broadcast_in_dim3A_149 = arith.constant 0.000000e+00 : f32
    %broadcast_in_dim3A_150 = vector.broadcast %broadcast_in_dim3A_149 : f32 to vector<16xf32>
    %swap3A_151 = arith.constant 272 : index
    %swap3A_152 = tpu.vector_load %arg6[%swap3A_151] {strides = array<i32>} : memref<640xf32, #tpu.memory_space<vmem>>, vector<16xf32>,
    %swap3A_153 = vector.shape_cast %swap3A_152 : vector<16xf32> to vector<16xf32>
    %swap3A_154 = vector.shape_cast %broadcast_in_dim3A_150 : vector<16xf32> to vector<16xf32>
    tpu.vector_store %arg6[%swap3A_151], %swap3A_154 {strides = array<i32>} : memref<640xf32, #tpu.memory_space<vmem>>, vector<16xf32>,
    %broadcast_in_dim3A_155 = arith.constant 0.000000e+00 : f32
    %broadcast_in_dim3A_156 = vector.broadcast %broadcast_in_dim3A_155 : f32 to vector<16xf32>
    %swap3A_157 = arith.constant 288 : index
    %swap3A_158 = tpu.vector_load %arg6[%swap3A_157] {strides = array<i32>} : memref<640xf32, #tpu.memory_space<vmem>>, vector<16xf32>,
    %swap3A_159 = vector.shape_cast %swap3A_158 : vector<16xf32> to vector<16xf32>
    %swap3A_160 = vector.shape_cast %broadcast_in_dim3A_156 : vector<16xf32> to vector<16xf32>
    tpu.vector_store %arg6[%swap3A_157], %swap3A_160 {strides = array<i32>} : memref<640xf32, #tpu.memory_space<vmem>>, vector<16xf32>,
    %broadcast_in_dim3A_161 = arith.constant 0.000000e+00 : f32
    %broadcast_in_dim3A_162 = vector.broadcast %broadcast_in_dim3A_161 : f32 to vector<16xf32>
    %swap3A_163 = arith.constant 304 : index
    %swap3A_164 = tpu.vector_load %arg6[%swap3A_163] {strides = array<i32>} : memref<640xf32, #tpu.memory_space<vmem>>, vector<16xf32>,
    %swap3A_165 = vector.shape_cast %swap3A_164 : vector<16xf32> to vector<16xf32>
    %swap3A_166 = vector.shape_cast %broadcast_in_dim3A_162 : vector<16xf32> to vector<16xf32>
    tpu.vector_store %arg6[%swap3A_163], %swap3A_166 {strides = array<i32>} : memref<640xf32, #tpu.memory_space<vmem>>, vector<16xf32>,
    %broadcast_in_dim3A_167 = arith.constant 0.000000e+00 : f32
    %broadcast_in_dim3A_168 = vector.broadcast %broadcast_in_dim3A_167 : f32 to vector<16xf32>
    %swap3A_169 = arith.constant 320 : index
    %swap3A_170 = tpu.vector_load %arg6[%swap3A_169] {strides = array<i32>} : memref<640xf32, #tpu.memory_space<vmem>>, vector<16xf32>,
    %swap3A_171 = vector.shape_cast %swap3A_170 : vector<16xf32> to vector<16xf32>
    %swap3A_172 = vector.shape_cast %broadcast_in_dim3A_168 : vector<16xf32> to vector<16xf32>
    tpu.vector_store %arg6[%swap3A_169], %swap3A_172 {strides = array<i32>} : memref<640xf32, #tpu.memory_space<vmem>>, vector<16xf32>,
    %broadcast_in_dim3A_173 = arith.constant 0.000000e+00 : f32
    %broadcast_in_dim3A_174 = vector.broadcast %broadcast_in_dim3A_173 : f32 to vector<16xf32>
    %swap3A_175 = arith.constant 336 : index
    %swap3A_176 = tpu.vector_load %arg6[%swap3A_175] {strides = array<i32>} : memref<640xf32, #tpu.memory_space<vmem>>, vector<16xf32>,
    %swap3A_177 = vector.shape_cast %swap3A_176 : vector<16xf32> to vector<16xf32>
    %swap3A_178 = vector.shape_cast %broadcast_in_dim3A_174 : vector<16xf32> to vector<16xf32>
    tpu.vector_store %arg6[%swap3A_175], %swap3A_178 {strides = array<i32>} : memref<640xf32, #tpu.memory_space<vmem>>, vector<16xf32>,
    %broadcast_in_dim3A_179 = arith.constant 0.000000e+00 : f32
    %broadcast_in_dim3A_180 = vector.broadcast %broadcast_in_dim3A_179 : f32 to vector<16xf32>
    %swap3A_181 = arith.constant 352 : index
    %swap3A_182 = tpu.vector_load %arg6[%swap3A_181] {strides = array<i32>} : memref<640xf32, #tpu.memory_space<vmem>>, vector<16xf32>,
    %swap3A_183 = vector.shape_cast %swap3A_182 : vector<16xf32> to vector<16xf32>
    %swap3A_184 = vector.shape_cast %broadcast_in_dim3A_180 : vector<16xf32> to vector<16xf32>
    tpu.vector_store %arg6[%swap3A_181], %swap3A_184 {strides = array<i32>} : memref<640xf32, #tpu.memory_space<vmem>>, vector<16xf32>,
    %broadcast_in_dim3A_185 = arith.constant 0.000000e+00 : f32
    %broadcast_in_dim3A_186 = vector.broadcast %broadcast_in_dim3A_185 : f32 to vector<16xf32>
    %swap3A_187 = arith.constant 368 : index
    %swap3A_188 = tpu.vector_load %arg6[%swap3A_187] {strides = array<i32>} : memref<640xf32, #tpu.memory_space<vmem>>, vector<16xf32>,
    %swap3A_189 = vector.shape_cast %swap3A_188 : vector<16xf32> to vector<16xf32>
    %swap3A_190 = vector.shape_cast %broadcast_in_dim3A_186 : vector<16xf32> to vector<16xf32>
    tpu.vector_store %arg6[%swap3A_187], %swap3A_190 {strides = array<i32>} : memref<640xf32, #tpu.memory_space<vmem>>, vector<16xf32>,
    %broadcast_in_dim3A_191 = arith.constant 0.000000e+00 : f32
    %broadcast_in_dim3A_192 = vector.broadcast %broadcast_in_dim3A_191 : f32 to vector<16xf32>
    %swap3A_193 = arith.constant 384 : index
    %swap3A_194 = tpu.vector_load %arg6[%swap3A_193] {strides = array<i32>} : memref<640xf32, #tpu.memory_space<vmem>>, vector<16xf32>,
    %swap3A_195 = vector.shape_cast %swap3A_194 : vector<16xf32> to vector<16xf32>
    %swap3A_196 = vector.shape_cast %broadcast_in_dim3A_192 : vector<16xf32> to vector<16xf32>
    tpu.vector_store %arg6[%swap3A_193], %swap3A_196 {strides = array<i32>} : memref<640xf32, #tpu.memory_space<vmem>>, vector<16xf32>,
    %broadcast_in_dim3A_197 = arith.constant 0.000000e+00 : f32
    %broadcast_in_dim3A_198 = vector.broadcast %broadcast_in_dim3A_197 : f32 to vector<16xf32>
    %swap3A_199 = arith.constant 400 : index
    %swap3A_200 = tpu.vector_load %arg6[%swap3A_199] {strides = array<i32>} : memref<640xf32, #tpu.memory_space<vmem>>, vector<16xf32>,
    %swap3A_201 = vector.shape_cast %swap3A_200 : vector<16xf32> to vector<16xf32>
    %swap3A_202 = vector.shape_cast %broadcast_in_dim3A_198 : vector<16xf32> to vector<16xf32>
    tpu.vector_store %arg6[%swap3A_199], %swap3A_202 {strides = array<i32>} : memref<640xf32, #tpu.memory_space<vmem>>, vector<16xf32>,
    %broadcast_in_dim3A_203 = arith.constant 0.000000e+00 : f32
    %broadcast_in_dim3A_204 = vector.broadcast %broadcast_in_dim3A_203 : f32 to vector<16xf32>
    %swap3A_205 = arith.constant 416 : index
    %swap3A_206 = tpu.vector_load %arg6[%swap3A_205] {strides = array<i32>} : memref<640xf32, #tpu.memory_space<vmem>>, vector<16xf32>,
    %swap3A_207 = vector.shape_cast %swap3A_206 : vector<16xf32> to vector<16xf32>
    %swap3A_208 = vector.shape_cast %broadcast_in_dim3A_204 : vector<16xf32> to vector<16xf32>
    tpu.vector_store %arg6[%swap3A_205], %swap3A_208 {strides = array<i32>} : memref<640xf32, #tpu.memory_space<vmem>>, vector<16xf32>,
    %broadcast_in_dim3A_209 = arith.constant 0.000000e+00 : f32
    %broadcast_in_dim3A_210 = vector.broadcast %broadcast_in_dim3A_209 : f32 to vector<16xf32>
    %swap3A_211 = arith.constant 432 : index
    %swap3A_212 = tpu.vector_load %arg6[%swap3A_211] {strides = array<i32>} : memref<640xf32, #tpu.memory_space<vmem>>, vector<16xf32>,
    %swap3A_213 = vector.shape_cast %swap3A_212 : vector<16xf32> to vector<16xf32>
    %swap3A_214 = vector.shape_cast %broadcast_in_dim3A_210 : vector<16xf32> to vector<16xf32>
    tpu.vector_store %arg6[%swap3A_211], %swap3A_214 {strides = array<i32>} : memref<640xf32, #tpu.memory_space<vmem>>, vector<16xf32>,
    %broadcast_in_dim3A_215 = arith.constant 0.000000e+00 : f32
    %broadcast_in_dim3A_216 = vector.broadcast %broadcast_in_dim3A_215 : f32 to vector<16xf32>
    %swap3A_217 = arith.constant 448 : index
    %swap3A_218 = tpu.vector_load %arg6[%swap3A_217] {strides = array<i32>} : memref<640xf32, #tpu.memory_space<vmem>>, vector<16xf32>,
    %swap3A_219 = vector.shape_cast %swap3A_218 : vector<16xf32> to vector<16xf32>
    %swap3A_220 = vector.shape_cast %broadcast_in_dim3A_216 : vector<16xf32> to vector<16xf32>
    tpu.vector_store %arg6[%swap3A_217], %swap3A_220 {strides = array<i32>} : memref<640xf32, #tpu.memory_space<vmem>>, vector<16xf32>,
    %broadcast_in_dim3A_221 = arith.constant 0.000000e+00 : f32
    %broadcast_in_dim3A_222 = vector.broadcast %broadcast_in_dim3A_221 : f32 to vector<16xf32>
    %swap3A_223 = arith.constant 464 : index
    %swap3A_224 = tpu.vector_load %arg6[%swap3A_223] {strides = array<i32>} : memref<640xf32, #tpu.memory_space<vmem>>, vector<16xf32>,
    %swap3A_225 = vector.shape_cast %swap3A_224 : vector<16xf32> to vector<16xf32>
    %swap3A_226 = vector.shape_cast %broadcast_in_dim3A_222 : vector<16xf32> to vector<16xf32>
    tpu.vector_store %arg6[%swap3A_223], %swap3A_226 {strides = array<i32>} : memref<640xf32, #tpu.memory_space<vmem>>, vector<16xf32>,
    %broadcast_in_dim3A_227 = arith.constant 0.000000e+00 : f32
    %broadcast_in_dim3A_228 = vector.broadcast %broadcast_in_dim3A_227 : f32 to vector<16xf32>
    %swap3A_229 = arith.constant 480 : index
    %swap3A_230 = tpu.vector_load %arg6[%swap3A_229] {strides = array<i32>} : memref<640xf32, #tpu.memory_space<vmem>>, vector<16xf32>,
    %swap3A_231 = vector.shape_cast %swap3A_230 : vector<16xf32> to vector<16xf32>
    %swap3A_232 = vector.shape_cast %broadcast_in_dim3A_228 : vector<16xf32> to vector<16xf32>
    tpu.vector_store %arg6[%swap3A_229], %swap3A_232 {strides = array<i32>} : memref<640xf32, #tpu.memory_space<vmem>>, vector<16xf32>,
    %broadcast_in_dim3A_233 = arith.constant 0.000000e+00 : f32
    %broadcast_in_dim3A_234 = vector.broadcast %broadcast_in_dim3A_233 : f32 to vector<16xf32>
    %swap3A_235 = arith.constant 496 : index
    %swap3A_236 = tpu.vector_load %arg6[%swap3A_235] {strides = array<i32>} : memref<640xf32, #tpu.memory_space<vmem>>, vector<16xf32>,
    %swap3A_237 = vector.shape_cast %swap3A_236 : vector<16xf32> to vector<16xf32>
    %swap3A_238 = vector.shape_cast %broadcast_in_dim3A_234 : vector<16xf32> to vector<16xf32>
    tpu.vector_store %arg6[%swap3A_235], %swap3A_238 {strides = array<i32>} : memref<640xf32, #tpu.memory_space<vmem>>, vector<16xf32>,
    %broadcast_in_dim3A_239 = arith.constant 0.000000e+00 : f32
    %broadcast_in_dim3A_240 = vector.broadcast %broadcast_in_dim3A_239 : f32 to vector<16xf32>
    %swap3A_241 = arith.constant 512 : index
    %swap3A_242 = tpu.vector_load %arg6[%swap3A_241] {strides = array<i32>} : memref<640xf32, #tpu.memory_space<vmem>>, vector<16xf32>,
    %swap3A_243 = vector.shape_cast %swap3A_242 : vector<16xf32> to vector<16xf32>
    %swap3A_244 = vector.shape_cast %broadcast_in_dim3A_240 : vector<16xf32> to vector<16xf32>
    tpu.vector_store %arg6[%swap3A_241], %swap3A_244 {strides = array<i32>} : memref<640xf32, #tpu.memory_space<vmem>>, vector<16xf32>,
    %broadcast_in_dim3A_245 = arith.constant 0.000000e+00 : f32
    %broadcast_in_dim3A_246 = vector.broadcast %broadcast_in_dim3A_245 : f32 to vector<16xf32>
    %swap3A_247 = arith.constant 528 : index
    %swap3A_248 = tpu.vector_load %arg6[%swap3A_247] {strides = array<i32>} : memref<640xf32, #tpu.memory_space<vmem>>, vector<16xf32>,
    %swap3A_249 = vector.shape_cast %swap3A_248 : vector<16xf32> to vector<16xf32>
    %swap3A_250 = vector.shape_cast %broadcast_in_dim3A_246 : vector<16xf32> to vector<16xf32>
    tpu.vector_store %arg6[%swap3A_247], %swap3A_250 {strides = array<i32>} : memref<640xf32, #tpu.memory_space<vmem>>, vector<16xf32>,
    %broadcast_in_dim3A_251 = arith.constant 0.000000e+00 : f32
    %broadcast_in_dim3A_252 = vector.broadcast %broadcast_in_dim3A_251 : f32 to vector<16xf32>
    %swap3A_253 = arith.constant 544 : index
    %swap3A_254 = tpu.vector_load %arg6[%swap3A_253] {strides = array<i32>} : memref<640xf32, #tpu.memory_space<vmem>>, vector<16xf32>,
    %swap3A_255 = vector.shape_cast %swap3A_254 : vector<16xf32> to vector<16xf32>
    %swap3A_256 = vector.shape_cast %broadcast_in_dim3A_252 : vector<16xf32> to vector<16xf32>
    tpu.vector_store %arg6[%swap3A_253], %swap3A_256 {strides = array<i32>} : memref<640xf32, #tpu.memory_space<vmem>>, vector<16xf32>,
    %broadcast_in_dim3A_257 = arith.constant 0.000000e+00 : f32
    %broadcast_in_dim3A_258 = vector.broadcast %broadcast_in_dim3A_257 : f32 to vector<16xf32>
    %swap3A_259 = arith.constant 560 : index
    %swap3A_260 = tpu.vector_load %arg6[%swap3A_259] {strides = array<i32>} : memref<640xf32, #tpu.memory_space<vmem>>, vector<16xf32>,
    %swap3A_261 = vector.shape_cast %swap3A_260 : vector<16xf32> to vector<16xf32>
    %swap3A_262 = vector.shape_cast %broadcast_in_dim3A_258 : vector<16xf32> to vector<16xf32>
    tpu.vector_store %arg6[%swap3A_259], %swap3A_262 {strides = array<i32>} : memref<640xf32, #tpu.memory_space<vmem>>, vector<16xf32>,
    %broadcast_in_dim3A_263 = arith.constant 0.000000e+00 : f32
    %broadcast_in_dim3A_264 = vector.broadcast %broadcast_in_dim3A_263 : f32 to vector<16xf32>
    %swap3A_265 = arith.constant 576 : index
    %swap3A_266 = tpu.vector_load %arg6[%swap3A_265] {strides = array<i32>} : memref<640xf32, #tpu.memory_space<vmem>>, vector<16xf32>,
    %swap3A_267 = vector.shape_cast %swap3A_266 : vector<16xf32> to vector<16xf32>
    %swap3A_268 = vector.shape_cast %broadcast_in_dim3A_264 : vector<16xf32> to vector<16xf32>
    tpu.vector_store %arg6[%swap3A_265], %swap3A_268 {strides = array<i32>} : memref<640xf32, #tpu.memory_space<vmem>>, vector<16xf32>,
    %broadcast_in_dim3A_269 = arith.constant 0.000000e+00 : f32
    %broadcast_in_dim3A_270 = vector.broadcast %broadcast_in_dim3A_269 : f32 to vector<16xf32>
    %swap3A_271 = arith.constant 592 : index
    %swap3A_272 = tpu.vector_load %arg6[%swap3A_271] {strides = array<i32>} : memref<640xf32, #tpu.memory_space<vmem>>, vector<16xf32>,
    %swap3A_273 = vector.shape_cast %swap3A_272 : vector<16xf32> to vector<16xf32>
    %swap3A_274 = vector.shape_cast %broadcast_in_dim3A_270 : vector<16xf32> to vector<16xf32>
    tpu.vector_store %arg6[%swap3A_271], %swap3A_274 {strides = array<i32>} : memref<640xf32, #tpu.memory_space<vmem>>, vector<16xf32>,
    %broadcast_in_dim3A_275 = arith.constant 0.000000e+00 : f32
    %broadcast_in_dim3A_276 = vector.broadcast %broadcast_in_dim3A_275 : f32 to vector<16xf32>
    %swap3A_277 = arith.constant 608 : index
    %swap3A_278 = tpu.vector_load %arg6[%swap3A_277] {strides = array<i32>} : memref<640xf32, #tpu.memory_space<vmem>>, vector<16xf32>,
    %swap3A_279 = vector.shape_cast %swap3A_278 : vector<16xf32> to vector<16xf32>
    %swap3A_280 = vector.shape_cast %broadcast_in_dim3A_276 : vector<16xf32> to vector<16xf32>
    tpu.vector_store %arg6[%swap3A_277], %swap3A_280 {strides = array<i32>} : memref<640xf32, #tpu.memory_space<vmem>>, vector<16xf32>,
    %broadcast_in_dim3A_281 = arith.constant 0.000000e+00 : f32
    %broadcast_in_dim3A_282 = vector.broadcast %broadcast_in_dim3A_281 : f32 to vector<16xf32>
    %swap3A_283 = arith.constant 624 : index
    %swap3A_284 = tpu.vector_load %arg6[%swap3A_283] {strides = array<i32>} : memref<640xf32, #tpu.memory_space<vmem>>, vector<16xf32>,
    %swap3A_285 = vector.shape_cast %swap3A_284 : vector<16xf32> to vector<16xf32>
    %swap3A_286 = vector.shape_cast %broadcast_in_dim3A_282 : vector<16xf32> to vector<16xf32>
    tpu.vector_store %arg6[%swap3A_283], %swap3A_286 {strides = array<i32>} : memref<640xf32, #tpu.memory_space<vmem>>, vector<16xf32>,
    %mul3A_287 = arith.constant 640 : i32
    %mul3A_288 = arith.muli %arg1, %mul3A_287 : i32
    "tpu.region"() ({
      %run_scoped3A = tpu.sem_alloc : memref<!tpu.dma_semaphore, #tpu.memory_space<semaphore_mem>>
      %dma_start3A = tpu.memref_slice %arg7[%mul3A_288] : memref<10240xf32, #tpu.memory_space<vmem_shared>> -> memref<640xf32, #tpu.memory_space<vmem_shared>>
      %dma_start3A_305 = tpu.memref_slice %arg7[%mul3A_288] : memref<10240xf32, #tpu.memory_space<vmem_shared>> -> memref<640xf32, #tpu.memory_space<vmem_shared>>
      tpu.enqueue_dma source(%arg6 : memref<640xf32, #tpu.memory_space<vmem>>) target(%dma_start3A_305 : memref<640xf32, #tpu.memory_space<vmem_shared>>) target_semaphore(%run_scoped3A : memref<!tpu.dma_semaphore, #tpu.memory_space<semaphore_mem>>)
      %dma_wait3A = tpu.memref_slice %arg7[%mul3A_288] : memref<10240xf32, #tpu.memory_space<vmem_shared>> -> memref<640xf32, #tpu.memory_space<vmem_shared>>
      %dma_wait3A_306 = tpu.memref_slice %arg7[%mul3A_288] : memref<10240xf32, #tpu.memory_space<vmem_shared>> -> memref<640xf32, #tpu.memory_space<vmem_shared>>
      tpu.wait_dma2 semaphore(%run_scoped3A : memref<!tpu.dma_semaphore, #tpu.memory_space<semaphore_mem>>) src(%arg6 : memref<640xf32, #tpu.memory_space<vmem>>) dst(%dma_wait3A_306 : memref<640xf32, #tpu.memory_space<vmem_shared>>)
      tpu.yield
    }) : () -> ()
    "tpu.region"() ({
      %run_scoped3A = tpu.sem_alloc : memref<!tpu.dma_semaphore, #tpu.memory_space<semaphore_mem>>
      %dma_start3A = arith.constant 0 : i32
      %dma_start3A_305 = arith.constant 0 : i32
      %dma_start3A_306 = tpu.memref_slice %arg2[%add3A, %dma_start3A, %dma_start3A_305] : memref<32x80x128xi32, #tpu.memory_space<hbm>> -> memref<1x80x128xi32, #tpu.memory_space<hbm>>
      %dma_start3A_307 = tpu.memref_squeeze %dma_start3A_306 : memref<1x80x128xi32, #tpu.memory_space<hbm>> -> memref<80x128xi32, #tpu.memory_space<hbm>>
      %dma_start3A_308 = arith.constant 0 : i32
      %dma_start3A_309 = arith.constant 0 : i32
      %dma_start3A_310 = tpu.memref_slice %arg2[%add3A, %dma_start3A_308, %dma_start3A_309] : memref<32x80x128xi32, #tpu.memory_space<hbm>> -> memref<1x80x128xi32, #tpu.memory_space<hbm>>
      %dma_start3A_311 = tpu.memref_squeeze %dma_start3A_310 : memref<1x80x128xi32, #tpu.memory_space<hbm>> -> memref<80x128xi32, #tpu.memory_space<hbm>>
      tpu.enqueue_dma source(%dma_start3A_311 : memref<80x128xi32, #tpu.memory_space<hbm>>) target(%arg4 : memref<80x128xi32, #tpu.memory_space<vmem>>) target_semaphore(%run_scoped3A : memref<!tpu.dma_semaphore, #tpu.memory_space<semaphore_mem>>)
      %dma_wait3A = arith.constant 0 : i32
      %dma_wait3A_312 = arith.constant 0 : i32
      %dma_wait3A_313 = tpu.memref_slice %arg2[%add3A, %dma_wait3A, %dma_wait3A_312] : memref<32x80x128xi32, #tpu.memory_space<hbm>> -> memref<1x80x128xi32, #tpu.memory_space<hbm>>
      %dma_wait3A_314 = tpu.memref_squeeze %dma_wait3A_313 : memref<1x80x128xi32, #tpu.memory_space<hbm>> -> memref<80x128xi32, #tpu.memory_space<hbm>>
      %dma_wait3A_315 = arith.constant 0 : i32
      %dma_wait3A_316 = arith.constant 0 : i32
      %dma_wait3A_317 = tpu.memref_slice %arg2[%add3A, %dma_wait3A_315, %dma_wait3A_316] : memref<32x80x128xi32, #tpu.memory_space<hbm>> -> memref<1x80x128xi32, #tpu.memory_space<hbm>>
      %dma_wait3A_318 = tpu.memref_squeeze %dma_wait3A_317 : memref<1x80x128xi32, #tpu.memory_space<hbm>> -> memref<80x128xi32, #tpu.memory_space<hbm>>
      tpu.wait_dma2 semaphore(%run_scoped3A : memref<!tpu.dma_semaphore, #tpu.memory_space<semaphore_mem>>) src(%dma_wait3A_318 : memref<80x128xi32, #tpu.memory_space<hbm>>) dst(%arg4 : memref<80x128xi32, #tpu.memory_space<vmem>>)
      tpu.yield
    }) : () -> ()
    %barrier3A = arith.constant 0 : index
    tpu.barrier barrier_id(%barrier3A)
    %scan3A = arith.constant 0 : i32
    %scan3A_289 = arith.constant 0 : i32
    %scan3A_290 = arith.constant 80 : i32
    %scan3A_291 = arith.addi %scan3A_289, %scan3A_290 : i32
    %scan3A_292 = arith.constant 1 : i32
    scf.for %scan3A_305 = %scan3A_289 to %scan3A_291 step %scan3A_292  : i32 {
      %dma_start3A = arith.constant 0 : i32
      %dma_start3A_306 = tpu.memref_slice %arg4[%scan3A_305, %dma_start3A] : memref<80x128xi32, #tpu.memory_space<vmem>> -> memref<1x128xi32, #tpu.memory_space<vmem>>
      %dma_start3A_307 = tpu.memref_squeeze %dma_start3A_306 : memref<1x128xi32, #tpu.memory_space<vmem>> -> memref<128xi32, #tpu.memory_space<vmem>>
      %dma_start3A_308 = arith.constant 0 : i32
      %dma_start3A_309 = tpu.memref_slice %arg7[%dma_start3A_308] : memref<10240xf32, #tpu.memory_space<vmem_shared>> -> memref<10240xf32, #tpu.memory_space<vmem_shared>>
      tpu.enqueue_indirect_dma source(%arg5 : memref<128xf32, #tpu.memory_space<vmem>>) target(%dma_start3A_309 : memref<10240xf32, #tpu.memory_space<vmem_shared>>) offsets(%dma_start3A_307 : memref<128xi32, #tpu.memory_space<vmem>>) semaphore(%arg8 : memref<!tpu.dma_semaphore, #tpu.memory_space<semaphore_mem>>) {add = true}
    }
    %scan3A_293 = arith.constant 80 : i32
    %scan3A_294 = arith.constant 0 : i32
    %scan3A_295 = arith.constant 0 : i32
    %scan3A_296 = arith.constant 80 : i32
    %scan3A_297 = arith.addi %scan3A_295, %scan3A_296 : i32
    %scan3A_298 = arith.constant 1 : i32
    scf.for %scan3A_305 = %scan3A_295 to %scan3A_297 step %scan3A_298  : i32 {
      %dma_wait3A = arith.constant 0 : i32
      %dma_wait3A_306 = tpu.memref_slice %arg4[%scan3A_305, %dma_wait3A] : memref<80x128xi32, #tpu.memory_space<vmem>> -> memref<1x128xi32, #tpu.memory_space<vmem>>
      %dma_wait3A_307 = tpu.memref_squeeze %dma_wait3A_306 : memref<1x128xi32, #tpu.memory_space<vmem>> -> memref<128xi32, #tpu.memory_space<vmem>>
      %dma_wait3A_308 = arith.constant 0 : i32
      %dma_wait3A_309 = tpu.memref_slice %arg7[%dma_wait3A_308] : memref<10240xf32, #tpu.memory_space<vmem_shared>> -> memref<10240xf32, #tpu.memory_space<vmem_shared>>
      tpu.wait_indirect_dma semaphore(%arg8 : memref<!tpu.dma_semaphore, #tpu.memory_space<semaphore_mem>>) src(%arg5 : memref<128xf32, #tpu.memory_space<vmem>>) dst(%dma_wait3A_309 : memref<10240xf32, #tpu.memory_space<vmem_shared>>)
    }
    %scan3A_299 = arith.constant 80 : i32
    %barrier3A_300 = arith.constant 0 : index
    tpu.barrier barrier_id(%barrier3A_300)
    %mul3A_301 = arith.constant 640 : i32
    %mul3A_302 = arith.muli %arg1, %mul3A_301 : i32
    %mul3A_303 = arith.constant 640 : i32
    %mul3A_304 = arith.muli %arg1, %mul3A_303 : i32
    "tpu.region"() ({
      %run_scoped3A = tpu.sem_alloc : memref<!tpu.dma_semaphore, #tpu.memory_space<semaphore_mem>>
      %dma_start3A = tpu.memref_slice %arg3[%arg0, %mul3A_304] : memref<2x10240xf32, #tpu.memory_space<hbm>> -> memref<1x640xf32, #tpu.memory_space<hbm>>
      %dma_start3A_305 = tpu.memref_squeeze %dma_start3A : memref<1x640xf32, #tpu.memory_space<hbm>> -> memref<640xf32, #tpu.memory_space<hbm>>
      %dma_start3A_306 = tpu.memref_slice %arg7[%mul3A_302] : memref<10240xf32, #tpu.memory_space<vmem_shared>> -> memref<640xf32, #tpu.memory_space<vmem_shared>>
      tpu.enqueue_dma source(%dma_start3A_306 : memref<640xf32, #tpu.memory_space<vmem_shared>>) target(%dma_start3A_305 : memref<640xf32, #tpu.memory_space<hbm>>) target_semaphore(%run_scoped3A : memref<!tpu.dma_semaphore, #tpu.memory_space<semaphore_mem>>)
      %dma_wait3A = tpu.memref_slice %arg3[%arg0, %mul3A_304] : memref<2x10240xf32, #tpu.memory_space<hbm>> -> memref<1x640xf32, #tpu.memory_space<hbm>>
      %dma_wait3A_307 = tpu.memref_squeeze %dma_wait3A : memref<1x640xf32, #tpu.memory_space<hbm>> -> memref<640xf32, #tpu.memory_space<hbm>>
      %dma_wait3A_308 = tpu.memref_slice %arg7[%mul3A_302] : memref<10240xf32, #tpu.memory_space<vmem_shared>> -> memref<640xf32, #tpu.memory_space<vmem_shared>>
      tpu.wait_dma2 semaphore(%run_scoped3A : memref<!tpu.dma_semaphore, #tpu.memory_space<semaphore_mem>>) src(%dma_wait3A_308 : memref<640xf32, #tpu.memory_space<vmem_shared>>) dst(%dma_wait3A_307 : memref<640xf32, #tpu.memory_space<hbm>>)
      tpu.yield
    }) : () -> ()
    return
  }
}

#map = affine_map<(d0, d1) -> (0, 0)>
#map1 = affine_map<(d0, d1) -> (0, 0, 0)>
module attributes {stable_mosaic.version = 14 : i64} {
  func.func @_agg_kernel(%arg0: i32, %arg1: i32, %arg2: memref<10000x128xf32, #tpu.memory_space<hbm>>, %arg3: memref<2560x128xi32, #tpu.memory_space<hbm>>, %arg4: memref<2560x128xi32, #tpu.memory_space<hbm>>, %arg5: memref<632x128xf32, #tpu.memory_space<hbm>>, %arg6: memref<2x10112x128xf32, #tpu.memory_space<hbm>>, %arg7: memref<80x128xi32, #tpu.memory_space<vmem>>, %arg8: memref<2x128xi32, #tpu.memory_space<vmem>>, %arg9: memref<128x128xf32, #tpu.memory_space<vmem>>, %arg10: memref<128x128xf32, #tpu.memory_space<vmem>>, %arg11: memref<10112x128xf32, #tpu.memory_space<vmem_shared>>, %arg12: memref<!tpu.dma_semaphore, #tpu.memory_space<semaphore_mem>>, %arg13: memref<!tpu.dma_semaphore, #tpu.memory_space<semaphore_mem>>, %arg14: memref<!tpu.dma_semaphore, #tpu.memory_space<semaphore_mem>>, %arg15: memref<!tpu.dma_semaphore, #tpu.memory_space<semaphore_mem>>) attributes {dimension_semantics = [#tpu.dimension_semantics<core_parallel>, #tpu.dimension_semantics<subcore_parallel>], iteration_bounds = array<i64: 2, 16>, scalar_prefetch = 0 : i64, scratch_operands = 9 : i64, tpu.core_type = #tpu.core_type<sc_vector_subcore>, window_params = [{transform_indices = #map}, {transform_indices = #map}, {transform_indices = #map}, {transform_indices = #map}, {transform_indices = #map1}]} {
    %eq3A = arith.constant 0 : i32
    %eq3A_0 = arith.cmpi eq, %arg0, %eq3A : i32
    %mul3A = arith.constant 80 : i32
    %mul3A_1 = arith.muli %arg1, %mul3A : i32
    %add3A = arith.constant 1280 : i32
    %add3A_2 = arith.addi %add3A, %mul3A_1 : i32
    %mul3A_3 = arith.constant 80 : i32
    %mul3A_4 = arith.muli %arg1, %mul3A_3 : i32
    %select_n3A = arith.select %eq3A_0, %add3A_2, %mul3A_4 : i32
    %eq3A_5 = arith.constant 0 : i32
    %eq3A_6 = arith.cmpi eq, %arg0, %eq3A_5 : i32
    %jit3A = arith.constant 80 : i32
    %jit3A_7 = arith.constant 80 : i32
    %select_n3A_8 = arith.select %eq3A_6, %jit3A, %jit3A_7 : i32
    %mul3A_9 = arith.constant 632 : i32
    %mul3A_10 = arith.muli %arg1, %mul3A_9 : i32
    "tpu.region"() ({
      %run_scoped3A = tpu.sem_alloc : memref<!tpu.dma_semaphore, #tpu.memory_space<semaphore_mem>>
      %dma_start3A_70 = arith.constant 0 : i32
      %dma_start3A_71 = tpu.memref_slice %arg11[%mul3A_10, %dma_start3A_70] : memref<10112x128xf32, #tpu.memory_space<vmem_shared>> -> memref<632x128xf32, #tpu.memory_space<vmem_shared>>
      tpu.enqueue_dma source(%arg5 : memref<632x128xf32, #tpu.memory_space<hbm>>) target(%dma_start3A_71 : memref<632x128xf32, #tpu.memory_space<vmem_shared>>) target_semaphore(%run_scoped3A : memref<!tpu.dma_semaphore, #tpu.memory_space<semaphore_mem>>)
      %dma_wait3A = arith.constant 0 : i32
      %dma_wait3A_72 = tpu.memref_slice %arg11[%mul3A_10, %dma_wait3A] : memref<10112x128xf32, #tpu.memory_space<vmem_shared>> -> memref<632x128xf32, #tpu.memory_space<vmem_shared>>
      tpu.wait_dma2 semaphore(%run_scoped3A : memref<!tpu.dma_semaphore, #tpu.memory_space<semaphore_mem>>) src(%arg5 : memref<632x128xf32, #tpu.memory_space<hbm>>) dst(%dma_wait3A_72 : memref<632x128xf32, #tpu.memory_space<vmem_shared>>)
      tpu.yield
    }) : () -> ()
    %eq3A_11 = arith.constant 0 : i32
    %eq3A_12 = arith.cmpi eq, %arg0, %eq3A_11 : i32
    %convert_element_type3A = arith.extui %eq3A_12 : i1 to i32
    %cond3A = arith.constant 0 : i32
    %cond3A_13 = arith.cmpi ne, %convert_element_type3A, %cond3A : i32
    scf.if %cond3A_13 {
      %mul3A_70 = arith.constant 80 : i32
      %mul3A_71 = arith.muli %arg1, %mul3A_70 : i32
      %add3A_72 = arith.constant 1280 : i32
      %add3A_73 = arith.addi %add3A_72, %mul3A_71 : i32
      "tpu.region"() ({
        %run_scoped3A = tpu.sem_alloc : memref<!tpu.dma_semaphore, #tpu.memory_space<semaphore_mem>>
        %dma_start3A_74 = arith.constant 0 : i32
        %dma_start3A_75 = arith.constant 0 : i32
        %dma_start3A_76 = tpu.memref_slice %arg7[%dma_start3A_74, %dma_start3A_75] : memref<80x128xi32, #tpu.memory_space<vmem>> -> memref<80x128xi32, #tpu.memory_space<vmem>>
        %dma_start3A_77 = arith.constant 0 : i32
        %dma_start3A_78 = tpu.memref_slice %arg3[%add3A_73, %dma_start3A_77] : memref<2560x128xi32, #tpu.memory_space<hbm>> -> memref<80x128xi32, #tpu.memory_space<hbm>>
        %dma_start3A_79 = arith.constant 0 : i32
        %dma_start3A_80 = arith.constant 0 : i32
        %dma_start3A_81 = tpu.memref_slice %arg7[%dma_start3A_79, %dma_start3A_80] : memref<80x128xi32, #tpu.memory_space<vmem>> -> memref<80x128xi32, #tpu.memory_space<vmem>>
        %dma_start3A_82 = arith.constant 0 : i32
        %dma_start3A_83 = tpu.memref_slice %arg3[%add3A_73, %dma_start3A_82] : memref<2560x128xi32, #tpu.memory_space<hbm>> -> memref<80x128xi32, #tpu.memory_space<hbm>>
        tpu.enqueue_dma source(%dma_start3A_83 : memref<80x128xi32, #tpu.memory_space<hbm>>) target(%dma_start3A_81 : memref<80x128xi32, #tpu.memory_space<vmem>>) target_semaphore(%run_scoped3A : memref<!tpu.dma_semaphore, #tpu.memory_space<semaphore_mem>>)
        %dma_wait3A = arith.constant 0 : i32
        %dma_wait3A_84 = arith.constant 0 : i32
        %dma_wait3A_85 = tpu.memref_slice %arg7[%dma_wait3A, %dma_wait3A_84] : memref<80x128xi32, #tpu.memory_space<vmem>> -> memref<80x128xi32, #tpu.memory_space<vmem>>
        %dma_wait3A_86 = arith.constant 0 : i32
        %dma_wait3A_87 = tpu.memref_slice %arg3[%add3A_73, %dma_wait3A_86] : memref<2560x128xi32, #tpu.memory_space<hbm>> -> memref<80x128xi32, #tpu.memory_space<hbm>>
        %dma_wait3A_88 = arith.constant 0 : i32
        %dma_wait3A_89 = arith.constant 0 : i32
        %dma_wait3A_90 = tpu.memref_slice %arg7[%dma_wait3A_88, %dma_wait3A_89] : memref<80x128xi32, #tpu.memory_space<vmem>> -> memref<80x128xi32, #tpu.memory_space<vmem>>
        %dma_wait3A_91 = arith.constant 0 : i32
        %dma_wait3A_92 = tpu.memref_slice %arg3[%add3A_73, %dma_wait3A_91] : memref<2560x128xi32, #tpu.memory_space<hbm>> -> memref<80x128xi32, #tpu.memory_space<hbm>>
        tpu.wait_dma2 semaphore(%run_scoped3A : memref<!tpu.dma_semaphore, #tpu.memory_space<semaphore_mem>>) src(%dma_wait3A_92 : memref<80x128xi32, #tpu.memory_space<hbm>>) dst(%dma_wait3A_90 : memref<80x128xi32, #tpu.memory_space<vmem>>)
        tpu.yield
      }) : () -> ()
    } else {
    }
    %eq3A_14 = arith.constant 1 : i32
    %eq3A_15 = arith.cmpi eq, %arg0, %eq3A_14 : i32
    %convert_element_type3A_16 = arith.extui %eq3A_15 : i1 to i32
    %cond3A_17 = arith.constant 0 : i32
    %cond3A_18 = arith.cmpi ne, %convert_element_type3A_16, %cond3A_17 : i32
    scf.if %cond3A_18 {
      %mul3A_70 = arith.constant 80 : i32
      %mul3A_71 = arith.muli %arg1, %mul3A_70 : i32
      "tpu.region"() ({
        %run_scoped3A = tpu.sem_alloc : memref<!tpu.dma_semaphore, #tpu.memory_space<semaphore_mem>>
        %dma_start3A_72 = arith.constant 0 : i32
        %dma_start3A_73 = arith.constant 0 : i32
        %dma_start3A_74 = tpu.memref_slice %arg7[%dma_start3A_72, %dma_start3A_73] : memref<80x128xi32, #tpu.memory_space<vmem>> -> memref<80x128xi32, #tpu.memory_space<vmem>>
        %dma_start3A_75 = arith.constant 0 : i32
        %dma_start3A_76 = tpu.memref_slice %arg3[%mul3A_71, %dma_start3A_75] : memref<2560x128xi32, #tpu.memory_space<hbm>> -> memref<80x128xi32, #tpu.memory_space<hbm>>
        %dma_start3A_77 = arith.constant 0 : i32
        %dma_start3A_78 = arith.constant 0 : i32
        %dma_start3A_79 = tpu.memref_slice %arg7[%dma_start3A_77, %dma_start3A_78] : memref<80x128xi32, #tpu.memory_space<vmem>> -> memref<80x128xi32, #tpu.memory_space<vmem>>
        %dma_start3A_80 = arith.constant 0 : i32
        %dma_start3A_81 = tpu.memref_slice %arg3[%mul3A_71, %dma_start3A_80] : memref<2560x128xi32, #tpu.memory_space<hbm>> -> memref<80x128xi32, #tpu.memory_space<hbm>>
        tpu.enqueue_dma source(%dma_start3A_81 : memref<80x128xi32, #tpu.memory_space<hbm>>) target(%dma_start3A_79 : memref<80x128xi32, #tpu.memory_space<vmem>>) target_semaphore(%run_scoped3A : memref<!tpu.dma_semaphore, #tpu.memory_space<semaphore_mem>>)
        %dma_wait3A = arith.constant 0 : i32
        %dma_wait3A_82 = arith.constant 0 : i32
        %dma_wait3A_83 = tpu.memref_slice %arg7[%dma_wait3A, %dma_wait3A_82] : memref<80x128xi32, #tpu.memory_space<vmem>> -> memref<80x128xi32, #tpu.memory_space<vmem>>
        %dma_wait3A_84 = arith.constant 0 : i32
        %dma_wait3A_85 = tpu.memref_slice %arg3[%mul3A_71, %dma_wait3A_84] : memref<2560x128xi32, #tpu.memory_space<hbm>> -> memref<80x128xi32, #tpu.memory_space<hbm>>
        %dma_wait3A_86 = arith.constant 0 : i32
        %dma_wait3A_87 = arith.constant 0 : i32
        %dma_wait3A_88 = tpu.memref_slice %arg7[%dma_wait3A_86, %dma_wait3A_87] : memref<80x128xi32, #tpu.memory_space<vmem>> -> memref<80x128xi32, #tpu.memory_space<vmem>>
        %dma_wait3A_89 = arith.constant 0 : i32
        %dma_wait3A_90 = tpu.memref_slice %arg3[%mul3A_71, %dma_wait3A_89] : memref<2560x128xi32, #tpu.memory_space<hbm>> -> memref<80x128xi32, #tpu.memory_space<hbm>>
        tpu.wait_dma2 semaphore(%run_scoped3A : memref<!tpu.dma_semaphore, #tpu.memory_space<semaphore_mem>>) src(%dma_wait3A_90 : memref<80x128xi32, #tpu.memory_space<hbm>>) dst(%dma_wait3A_88 : memref<80x128xi32, #tpu.memory_space<vmem>>)
        tpu.yield
      }) : () -> ()
    } else {
    }
    %barrier3A = arith.constant 0 : index
    tpu.barrier barrier_id(%barrier3A)
    %dma_start3A = arith.constant 0 : i32
    %dma_start3A_19 = arith.constant 0 : i32
    %dma_start3A_20 = tpu.memref_slice %arg7[%dma_start3A, %dma_start3A_19] : memref<80x128xi32, #tpu.memory_space<vmem>> -> memref<1x128xi32, #tpu.memory_space<vmem>>
    %dma_start3A_21 = tpu.memref_squeeze %dma_start3A_20 : memref<1x128xi32, #tpu.memory_space<vmem>> -> memref<128xi32, #tpu.memory_space<vmem>>
    %dma_start3A_22 = arith.constant 0 : i32
    %dma_start3A_23 = arith.constant 0 : i32
    %dma_start3A_24 = tpu.memref_slice %arg2[%dma_start3A_22, %dma_start3A_23] : memref<10000x128xf32, #tpu.memory_space<hbm>> -> memref<10000x128xf32, #tpu.memory_space<hbm>>
    tpu.enqueue_indirect_dma source(%dma_start3A_24 : memref<10000x128xf32, #tpu.memory_space<hbm>>) target(%arg9 : memref<128x128xf32, #tpu.memory_space<vmem>>) offsets(%dma_start3A_21 : memref<128xi32, #tpu.memory_space<vmem>>) semaphore(%arg12 : memref<!tpu.dma_semaphore, #tpu.memory_space<semaphore_mem>>)
    %dma_start3A_25 = arith.constant 0 : i32
    %dma_start3A_26 = arith.constant 0 : i32
    %dma_start3A_27 = tpu.memref_slice %arg8[%dma_start3A_25, %dma_start3A_26] : memref<2x128xi32, #tpu.memory_space<vmem>> -> memref<1x128xi32, #tpu.memory_space<vmem>>
    %dma_start3A_28 = tpu.memref_squeeze %dma_start3A_27 : memref<1x128xi32, #tpu.memory_space<vmem>> -> memref<128xi32, #tpu.memory_space<vmem>>
    %dma_start3A_29 = arith.constant 0 : i32
    %dma_start3A_30 = tpu.memref_slice %arg4[%select_n3A, %dma_start3A_29] : memref<2560x128xi32, #tpu.memory_space<hbm>> -> memref<1x128xi32, #tpu.memory_space<hbm>>
    %dma_start3A_31 = tpu.memref_squeeze %dma_start3A_30 : memref<1x128xi32, #tpu.memory_space<hbm>> -> memref<128xi32, #tpu.memory_space<hbm>>
    %dma_start3A_32 = arith.constant 0 : i32
    %dma_start3A_33 = tpu.memref_slice %arg8[%dma_start3A_25, %dma_start3A_32] : memref<2x128xi32, #tpu.memory_space<vmem>> -> memref<1x128xi32, #tpu.memory_space<vmem>>
    %dma_start3A_34 = tpu.memref_squeeze %dma_start3A_33 : memref<1x128xi32, #tpu.memory_space<vmem>> -> memref<128xi32, #tpu.memory_space<vmem>>
    %dma_start3A_35 = arith.constant 0 : i32
    %dma_start3A_36 = tpu.memref_slice %arg4[%select_n3A, %dma_start3A_35] : memref<2560x128xi32, #tpu.memory_space<hbm>> -> memref<1x128xi32, #tpu.memory_space<hbm>>
    %dma_start3A_37 = tpu.memref_squeeze %dma_start3A_36 : memref<1x128xi32, #tpu.memory_space<hbm>> -> memref<128xi32, #tpu.memory_space<hbm>>
    tpu.enqueue_dma source(%dma_start3A_37 : memref<128xi32, #tpu.memory_space<hbm>>) target(%dma_start3A_34 : memref<128xi32, #tpu.memory_space<vmem>>) target_semaphore(%arg14 : memref<!tpu.dma_semaphore, #tpu.memory_space<semaphore_mem>>)
    %jit3A_38 = arith.constant 2 : i32
    %div3A = arith.divsi %select_n3A_8, %jit3A_38 : i32
    %sign3A = arith.constant 0 : i32
    %sign3A_39 = arith.cmpi sgt, %select_n3A_8, %sign3A : i32
    %sign3A_40 = arith.extui %sign3A_39 : i1 to i32
    %sign3A_41 = arith.constant 0 : i32
    %sign3A_42 = arith.cmpi slt, %select_n3A_8, %sign3A_41 : i32
    %sign3A_43 = arith.extui %sign3A_42 : i1 to i32
    %sign3A_44 = arith.subi %sign3A_40, %sign3A_43 : i32
    %sign3A_45 = arith.constant 0 : i32
    %sign3A_46 = arith.cmpi sgt, %jit3A_38, %sign3A_45 : i32
    %sign3A_47 = arith.extui %sign3A_46 : i1 to i32
    %sign3A_48 = arith.constant 0 : i32
    %sign3A_49 = arith.cmpi slt, %jit3A_38, %sign3A_48 : i32
    %sign3A_50 = arith.extui %sign3A_49 : i1 to i32
    %sign3A_51 = arith.subi %sign3A_47, %sign3A_50 : i32
    %ne3A = arith.cmpi ne, %sign3A_44, %sign3A_51 : i32
    %rem3A = arith.remsi %select_n3A_8, %jit3A_38 : i32
    %ne3A_52 = arith.constant 0 : i32
    %ne3A_53 = arith.cmpi ne, %rem3A, %ne3A_52 : i32
    %and3A = arith.andi %ne3A, %ne3A_53 : i1
    %sub3A = arith.constant 1 : i32
    %sub3A_54 = arith.subi %div3A, %sub3A : i32
    %select_n3A_55 = arith.select %and3A, %sub3A_54, %div3A : i32
    %while3A = arith.constant 0 : i32
    %while3A_56 = arith.constant 0 : i32
    %while3A_57 = arith.subi %select_n3A_55, %while3A_56 : i32
    %while3A_58 = arith.addi %while3A_56, %while3A_57 : i32
    %while3A_59 = arith.constant 1 : i32
    %while3A_60 = arith.divsi %while3A_57, %while3A_59 : i32
    %while3A_61 = arith.muli %while3A_60, %while3A_59 : i32
    %while3A_62 = arith.addi %while3A_56, %while3A_61 : i32
    %while3A_63 = arith.constant 1 : i32
    scf.for %while3A_70 = %while3A_56 to %while3A_62 step %while3A_63  : i32 {
      %mul3A_71 = arith.constant 2 : i32
      %mul3A_72 = arith.muli %mul3A_71, %while3A_70 : i32
      %add3A_73 = arith.constant 1 : i32
      %add3A_74 = arith.addi %mul3A_72, %add3A_73 : i32
      %dma_start3A_75 = arith.constant 0 : i32
      %dma_start3A_76 = tpu.memref_slice %arg7[%add3A_74, %dma_start3A_75] : memref<80x128xi32, #tpu.memory_space<vmem>> -> memref<1x128xi32, #tpu.memory_space<vmem>>
      %dma_start3A_77 = tpu.memref_squeeze %dma_start3A_76 : memref<1x128xi32, #tpu.memory_space<vmem>> -> memref<128xi32, #tpu.memory_space<vmem>>
      %dma_start3A_78 = arith.constant 0 : i32
      %dma_start3A_79 = arith.constant 0 : i32
      %dma_start3A_80 = tpu.memref_slice %arg2[%dma_start3A_78, %dma_start3A_79] : memref<10000x128xf32, #tpu.memory_space<hbm>> -> memref<10000x128xf32, #tpu.memory_space<hbm>>
      tpu.enqueue_indirect_dma source(%dma_start3A_80 : memref<10000x128xf32, #tpu.memory_space<hbm>>) target(%arg10 : memref<128x128xf32, #tpu.memory_space<vmem>>) offsets(%dma_start3A_77 : memref<128xi32, #tpu.memory_space<vmem>>) semaphore(%arg13 : memref<!tpu.dma_semaphore, #tpu.memory_space<semaphore_mem>>)
      %add3A_81 = arith.addi %select_n3A, %mul3A_72 : i32
      %add3A_82 = arith.constant 1 : i32
      %add3A_83 = arith.addi %add3A_81, %add3A_82 : i32
      %dma_start3A_84 = arith.constant 1 : i32
      %dma_start3A_85 = arith.constant 0 : i32
      %dma_start3A_86 = tpu.memref_slice %arg8[%dma_start3A_84, %dma_start3A_85] : memref<2x128xi32, #tpu.memory_space<vmem>> -> memref<1x128xi32, #tpu.memory_space<vmem>>
      %dma_start3A_87 = tpu.memref_squeeze %dma_start3A_86 : memref<1x128xi32, #tpu.memory_space<vmem>> -> memref<128xi32, #tpu.memory_space<vmem>>
      %dma_start3A_88 = arith.constant 0 : i32
      %dma_start3A_89 = tpu.memref_slice %arg4[%add3A_83, %dma_start3A_88] : memref<2560x128xi32, #tpu.memory_space<hbm>> -> memref<1x128xi32, #tpu.memory_space<hbm>>
      %dma_start3A_90 = tpu.memref_squeeze %dma_start3A_89 : memref<1x128xi32, #tpu.memory_space<hbm>> -> memref<128xi32, #tpu.memory_space<hbm>>
      %dma_start3A_91 = arith.constant 0 : i32
      %dma_start3A_92 = tpu.memref_slice %arg8[%dma_start3A_84, %dma_start3A_91] : memref<2x128xi32, #tpu.memory_space<vmem>> -> memref<1x128xi32, #tpu.memory_space<vmem>>
      %dma_start3A_93 = tpu.memref_squeeze %dma_start3A_92 : memref<1x128xi32, #tpu.memory_space<vmem>> -> memref<128xi32, #tpu.memory_space<vmem>>
      %dma_start3A_94 = arith.constant 0 : i32
      %dma_start3A_95 = tpu.memref_slice %arg4[%add3A_83, %dma_start3A_94] : memref<2560x128xi32, #tpu.memory_space<hbm>> -> memref<1x128xi32, #tpu.memory_space<hbm>>
      %dma_start3A_96 = tpu.memref_squeeze %dma_start3A_95 : memref<1x128xi32, #tpu.memory_space<hbm>> -> memref<128xi32, #tpu.memory_space<hbm>>
      tpu.enqueue_dma source(%dma_start3A_96 : memref<128xi32, #tpu.memory_space<hbm>>) target(%dma_start3A_93 : memref<128xi32, #tpu.memory_space<vmem>>) target_semaphore(%arg15 : memref<!tpu.dma_semaphore, #tpu.memory_space<semaphore_mem>>)
      %dma_wait3A = arith.constant 0 : i32
      %dma_wait3A_97 = tpu.memref_slice %arg7[%mul3A_72, %dma_wait3A] : memref<80x128xi32, #tpu.memory_space<vmem>> -> memref<1x128xi32, #tpu.memory_space<vmem>>
      %dma_wait3A_98 = tpu.memref_squeeze %dma_wait3A_97 : memref<1x128xi32, #tpu.memory_space<vmem>> -> memref<128xi32, #tpu.memory_space<vmem>>
      %dma_wait3A_99 = arith.constant 0 : i32
      %dma_wait3A_100 = arith.constant 0 : i32
      %dma_wait3A_101 = tpu.memref_slice %arg2[%dma_wait3A_99, %dma_wait3A_100] : memref<10000x128xf32, #tpu.memory_space<hbm>> -> memref<10000x128xf32, #tpu.memory_space<hbm>>
      tpu.wait_indirect_dma semaphore(%arg12 : memref<!tpu.dma_semaphore, #tpu.memory_space<semaphore_mem>>) src(%dma_wait3A_101 : memref<10000x128xf32, #tpu.memory_space<hbm>>) dst(%arg9 : memref<128x128xf32, #tpu.memory_space<vmem>>)
      %add3A_102 = arith.addi %select_n3A, %mul3A_72 : i32
      %dma_wait3A_103 = arith.constant 0 : i32
      %dma_wait3A_104 = arith.constant 0 : i32
      %dma_wait3A_105 = tpu.memref_slice %arg8[%dma_wait3A_103, %dma_wait3A_104] : memref<2x128xi32, #tpu.memory_space<vmem>> -> memref<1x128xi32, #tpu.memory_space<vmem>>
      %dma_wait3A_106 = tpu.memref_squeeze %dma_wait3A_105 : memref<1x128xi32, #tpu.memory_space<vmem>> -> memref<128xi32, #tpu.memory_space<vmem>>
      %dma_wait3A_107 = arith.constant 0 : i32
      %dma_wait3A_108 = tpu.memref_slice %arg4[%add3A_102, %dma_wait3A_107] : memref<2560x128xi32, #tpu.memory_space<hbm>> -> memref<1x128xi32, #tpu.memory_space<hbm>>
      %dma_wait3A_109 = tpu.memref_squeeze %dma_wait3A_108 : memref<1x128xi32, #tpu.memory_space<hbm>> -> memref<128xi32, #tpu.memory_space<hbm>>
      %dma_wait3A_110 = arith.constant 0 : i32
      %dma_wait3A_111 = tpu.memref_slice %arg8[%dma_wait3A_103, %dma_wait3A_110] : memref<2x128xi32, #tpu.memory_space<vmem>> -> memref<1x128xi32, #tpu.memory_space<vmem>>
      %dma_wait3A_112 = tpu.memref_squeeze %dma_wait3A_111 : memref<1x128xi32, #tpu.memory_space<vmem>> -> memref<128xi32, #tpu.memory_space<vmem>>
      %dma_wait3A_113 = arith.constant 0 : i32
      %dma_wait3A_114 = tpu.memref_slice %arg4[%add3A_102, %dma_wait3A_113] : memref<2560x128xi32, #tpu.memory_space<hbm>> -> memref<1x128xi32, #tpu.memory_space<hbm>>
      %dma_wait3A_115 = tpu.memref_squeeze %dma_wait3A_114 : memref<1x128xi32, #tpu.memory_space<hbm>> -> memref<128xi32, #tpu.memory_space<hbm>>
      tpu.wait_dma2 semaphore(%arg14 : memref<!tpu.dma_semaphore, #tpu.memory_space<semaphore_mem>>) src(%dma_wait3A_115 : memref<128xi32, #tpu.memory_space<hbm>>) dst(%dma_wait3A_112 : memref<128xi32, #tpu.memory_space<vmem>>)
      %run_scoped3A = arith.constant 0 : i32
      "tpu.region"() ({
        %run_scoped3A_146 = tpu.sem_alloc : memref<!tpu.dma_semaphore, #tpu.memory_space<semaphore_mem>>
        %dma_start3A_147 = arith.constant 0 : i32
        %dma_start3A_148 = tpu.memref_slice %arg8[%run_scoped3A, %dma_start3A_147] : memref<2x128xi32, #tpu.memory_space<vmem>> -> memref<1x128xi32, #tpu.memory_space<vmem>>
        %dma_start3A_149 = tpu.memref_squeeze %dma_start3A_148 : memref<1x128xi32, #tpu.memory_space<vmem>> -> memref<128xi32, #tpu.memory_space<vmem>>
        %dma_start3A_150 = arith.constant 0 : i32
        %dma_start3A_151 = arith.constant 0 : i32
        %dma_start3A_152 = tpu.memref_slice %arg11[%dma_start3A_150, %dma_start3A_151] : memref<10112x128xf32, #tpu.memory_space<vmem_shared>> -> memref<10112x128xf32, #tpu.memory_space<vmem_shared>>
        tpu.enqueue_indirect_dma source(%arg9 : memref<128x128xf32, #tpu.memory_space<vmem>>) target(%dma_start3A_152 : memref<10112x128xf32, #tpu.memory_space<vmem_shared>>) offsets(%dma_start3A_149 : memref<128xi32, #tpu.memory_space<vmem>>) semaphore(%run_scoped3A_146 : memref<!tpu.dma_semaphore, #tpu.memory_space<semaphore_mem>>) {add = true}
        %dma_wait3A_153 = arith.constant 0 : i32
        %dma_wait3A_154 = tpu.memref_slice %arg8[%run_scoped3A, %dma_wait3A_153] : memref<2x128xi32, #tpu.memory_space<vmem>> -> memref<1x128xi32, #tpu.memory_space<vmem>>
        %dma_wait3A_155 = tpu.memref_squeeze %dma_wait3A_154 : memref<1x128xi32, #tpu.memory_space<vmem>> -> memref<128xi32, #tpu.memory_space<vmem>>
        %dma_wait3A_156 = arith.constant 0 : i32
        %dma_wait3A_157 = arith.constant 0 : i32
        %dma_wait3A_158 = tpu.memref_slice %arg11[%dma_wait3A_156, %dma_wait3A_157] : memref<10112x128xf32, #tpu.memory_space<vmem_shared>> -> memref<10112x128xf32, #tpu.memory_space<vmem_shared>>
        tpu.wait_indirect_dma semaphore(%run_scoped3A_146 : memref<!tpu.dma_semaphore, #tpu.memory_space<semaphore_mem>>) src(%arg9 : memref<128x128xf32, #tpu.memory_space<vmem>>) dst(%dma_wait3A_158 : memref<10112x128xf32, #tpu.memory_space<vmem_shared>>)
        tpu.yield
      }) : () -> ()
      %add3A_116 = arith.constant 2 : i32
      %add3A_117 = arith.addi %mul3A_72, %add3A_116 : i32
      %lt3A = arith.cmpi slt, %add3A_117, %select_n3A_8 : i32
      %convert_element_type3A_118 = arith.extui %lt3A : i1 to i32
      %cond3A_119 = arith.constant 0 : i32
      %cond3A_120 = arith.cmpi ne, %convert_element_type3A_118, %cond3A_119 : i32
      scf.if %cond3A_120 {
        %add3A_146 = arith.constant 2 : i32
        %add3A_147 = arith.addi %mul3A_72, %add3A_146 : i32
        %dma_start3A_148 = arith.constant 0 : i32
        %dma_start3A_149 = tpu.memref_slice %arg7[%add3A_147, %dma_start3A_148] : memref<80x128xi32, #tpu.memory_space<vmem>> -> memref<1x128xi32, #tpu.memory_space<vmem>>
        %dma_start3A_150 = tpu.memref_squeeze %dma_start3A_149 : memref<1x128xi32, #tpu.memory_space<vmem>> -> memref<128xi32, #tpu.memory_space<vmem>>
        %dma_start3A_151 = arith.constant 0 : i32
        %dma_start3A_152 = arith.constant 0 : i32
        %dma_start3A_153 = tpu.memref_slice %arg2[%dma_start3A_151, %dma_start3A_152] : memref<10000x128xf32, #tpu.memory_space<hbm>> -> memref<10000x128xf32, #tpu.memory_space<hbm>>
        tpu.enqueue_indirect_dma source(%dma_start3A_153 : memref<10000x128xf32, #tpu.memory_space<hbm>>) target(%arg9 : memref<128x128xf32, #tpu.memory_space<vmem>>) offsets(%dma_start3A_150 : memref<128xi32, #tpu.memory_space<vmem>>) semaphore(%arg12 : memref<!tpu.dma_semaphore, #tpu.memory_space<semaphore_mem>>)
        %add3A_154 = arith.addi %select_n3A, %mul3A_72 : i32
        %add3A_155 = arith.constant 2 : i32
        %add3A_156 = arith.addi %add3A_154, %add3A_155 : i32
        %dma_start3A_157 = arith.constant 0 : i32
        %dma_start3A_158 = arith.constant 0 : i32
        %dma_start3A_159 = tpu.memref_slice %arg8[%dma_start3A_157, %dma_start3A_158] : memref<2x128xi32, #tpu.memory_space<vmem>> -> memref<1x128xi32, #tpu.memory_space<vmem>>
        %dma_start3A_160 = tpu.memref_squeeze %dma_start3A_159 : memref<1x128xi32, #tpu.memory_space<vmem>> -> memref<128xi32, #tpu.memory_space<vmem>>
        %dma_start3A_161 = arith.constant 0 : i32
        %dma_start3A_162 = tpu.memref_slice %arg4[%add3A_156, %dma_start3A_161] : memref<2560x128xi32, #tpu.memory_space<hbm>> -> memref<1x128xi32, #tpu.memory_space<hbm>>
        %dma_start3A_163 = tpu.memref_squeeze %dma_start3A_162 : memref<1x128xi32, #tpu.memory_space<hbm>> -> memref<128xi32, #tpu.memory_space<hbm>>
        %dma_start3A_164 = arith.constant 0 : i32
        %dma_start3A_165 = tpu.memref_slice %arg8[%dma_start3A_157, %dma_start3A_164] : memref<2x128xi32, #tpu.memory_space<vmem>> -> memref<1x128xi32, #tpu.memory_space<vmem>>
        %dma_start3A_166 = tpu.memref_squeeze %dma_start3A_165 : memref<1x128xi32, #tpu.memory_space<vmem>> -> memref<128xi32, #tpu.memory_space<vmem>>
        %dma_start3A_167 = arith.constant 0 : i32
        %dma_start3A_168 = tpu.memref_slice %arg4[%add3A_156, %dma_start3A_167] : memref<2560x128xi32, #tpu.memory_space<hbm>> -> memref<1x128xi32, #tpu.memory_space<hbm>>
        %dma_start3A_169 = tpu.memref_squeeze %dma_start3A_168 : memref<1x128xi32, #tpu.memory_space<hbm>> -> memref<128xi32, #tpu.memory_space<hbm>>
        tpu.enqueue_dma source(%dma_start3A_169 : memref<128xi32, #tpu.memory_space<hbm>>) target(%dma_start3A_166 : memref<128xi32, #tpu.memory_space<vmem>>) target_semaphore(%arg14 : memref<!tpu.dma_semaphore, #tpu.memory_space<semaphore_mem>>)
      } else {
      }
      %add3A_121 = arith.constant 1 : i32
      %add3A_122 = arith.addi %mul3A_72, %add3A_121 : i32
      %dma_wait3A_123 = arith.constant 0 : i32
      %dma_wait3A_124 = tpu.memref_slice %arg7[%add3A_122, %dma_wait3A_123] : memref<80x128xi32, #tpu.memory_space<vmem>> -> memref<1x128xi32, #tpu.memory_space<vmem>>
      %dma_wait3A_125 = tpu.memref_squeeze %dma_wait3A_124 : memref<1x128xi32, #tpu.memory_space<vmem>> -> memref<128xi32, #tpu.memory_space<vmem>>
      %dma_wait3A_126 = arith.constant 0 : i32
      %dma_wait3A_127 = arith.constant 0 : i32
      %dma_wait3A_128 = tpu.memref_slice %arg2[%dma_wait3A_126, %dma_wait3A_127] : memref<10000x128xf32, #tpu.memory_space<hbm>> -> memref<10000x128xf32, #tpu.memory_space<hbm>>
      tpu.wait_indirect_dma semaphore(%arg13 : memref<!tpu.dma_semaphore, #tpu.memory_space<semaphore_mem>>) src(%dma_wait3A_128 : memref<10000x128xf32, #tpu.memory_space<hbm>>) dst(%arg10 : memref<128x128xf32, #tpu.memory_space<vmem>>)
      %add3A_129 = arith.addi %select_n3A, %mul3A_72 : i32
      %add3A_130 = arith.constant 1 : i32
      %add3A_131 = arith.addi %add3A_129, %add3A_130 : i32
      %dma_wait3A_132 = arith.constant 1 : i32
      %dma_wait3A_133 = arith.constant 0 : i32
      %dma_wait3A_134 = tpu.memref_slice %arg8[%dma_wait3A_132, %dma_wait3A_133] : memref<2x128xi32, #tpu.memory_space<vmem>> -> memref<1x128xi32, #tpu.memory_space<vmem>>
      %dma_wait3A_135 = tpu.memref_squeeze %dma_wait3A_134 : memref<1x128xi32, #tpu.memory_space<vmem>> -> memref<128xi32, #tpu.memory_space<vmem>>
      %dma_wait3A_136 = arith.constant 0 : i32
      %dma_wait3A_137 = tpu.memref_slice %arg4[%add3A_131, %dma_wait3A_136] : memref<2560x128xi32, #tpu.memory_space<hbm>> -> memref<1x128xi32, #tpu.memory_space<hbm>>
      %dma_wait3A_138 = tpu.memref_squeeze %dma_wait3A_137 : memref<1x128xi32, #tpu.memory_space<hbm>> -> memref<128xi32, #tpu.memory_space<hbm>>
      %dma_wait3A_139 = arith.constant 0 : i32
      %dma_wait3A_140 = tpu.memref_slice %arg8[%dma_wait3A_132, %dma_wait3A_139] : memref<2x128xi32, #tpu.memory_space<vmem>> -> memref<1x128xi32, #tpu.memory_space<vmem>>
      %dma_wait3A_141 = tpu.memref_squeeze %dma_wait3A_140 : memref<1x128xi32, #tpu.memory_space<vmem>> -> memref<128xi32, #tpu.memory_space<vmem>>
      %dma_wait3A_142 = arith.constant 0 : i32
      %dma_wait3A_143 = tpu.memref_slice %arg4[%add3A_131, %dma_wait3A_142] : memref<2560x128xi32, #tpu.memory_space<hbm>> -> memref<1x128xi32, #tpu.memory_space<hbm>>
      %dma_wait3A_144 = tpu.memref_squeeze %dma_wait3A_143 : memref<1x128xi32, #tpu.memory_space<hbm>> -> memref<128xi32, #tpu.memory_space<hbm>>
      tpu.wait_dma2 semaphore(%arg15 : memref<!tpu.dma_semaphore, #tpu.memory_space<semaphore_mem>>) src(%dma_wait3A_144 : memref<128xi32, #tpu.memory_space<hbm>>) dst(%dma_wait3A_141 : memref<128xi32, #tpu.memory_space<vmem>>)
      %run_scoped3A_145 = arith.constant 1 : i32
      "tpu.region"() ({
        %run_scoped3A_146 = tpu.sem_alloc : memref<!tpu.dma_semaphore, #tpu.memory_space<semaphore_mem>>
        %dma_start3A_147 = arith.constant 0 : i32
        %dma_start3A_148 = tpu.memref_slice %arg8[%run_scoped3A_145, %dma_start3A_147] : memref<2x128xi32, #tpu.memory_space<vmem>> -> memref<1x128xi32, #tpu.memory_space<vmem>>
        %dma_start3A_149 = tpu.memref_squeeze %dma_start3A_148 : memref<1x128xi32, #tpu.memory_space<vmem>> -> memref<128xi32, #tpu.memory_space<vmem>>
        %dma_start3A_150 = arith.constant 0 : i32
        %dma_start3A_151 = arith.constant 0 : i32
        %dma_start3A_152 = tpu.memref_slice %arg11[%dma_start3A_150, %dma_start3A_151] : memref<10112x128xf32, #tpu.memory_space<vmem_shared>> -> memref<10112x128xf32, #tpu.memory_space<vmem_shared>>
        tpu.enqueue_indirect_dma source(%arg10 : memref<128x128xf32, #tpu.memory_space<vmem>>) target(%dma_start3A_152 : memref<10112x128xf32, #tpu.memory_space<vmem_shared>>) offsets(%dma_start3A_149 : memref<128xi32, #tpu.memory_space<vmem>>) semaphore(%run_scoped3A_146 : memref<!tpu.dma_semaphore, #tpu.memory_space<semaphore_mem>>) {add = true}
        %dma_wait3A_153 = arith.constant 0 : i32
        %dma_wait3A_154 = tpu.memref_slice %arg8[%run_scoped3A_145, %dma_wait3A_153] : memref<2x128xi32, #tpu.memory_space<vmem>> -> memref<1x128xi32, #tpu.memory_space<vmem>>
        %dma_wait3A_155 = tpu.memref_squeeze %dma_wait3A_154 : memref<1x128xi32, #tpu.memory_space<vmem>> -> memref<128xi32, #tpu.memory_space<vmem>>
        %dma_wait3A_156 = arith.constant 0 : i32
        %dma_wait3A_157 = arith.constant 0 : i32
        %dma_wait3A_158 = tpu.memref_slice %arg11[%dma_wait3A_156, %dma_wait3A_157] : memref<10112x128xf32, #tpu.memory_space<vmem_shared>> -> memref<10112x128xf32, #tpu.memory_space<vmem_shared>>
        tpu.wait_indirect_dma semaphore(%run_scoped3A_146 : memref<!tpu.dma_semaphore, #tpu.memory_space<semaphore_mem>>) src(%arg10 : memref<128x128xf32, #tpu.memory_space<vmem>>) dst(%dma_wait3A_158 : memref<10112x128xf32, #tpu.memory_space<vmem_shared>>)
        tpu.yield
      }) : () -> ()
    }
    %while3A_64 = arith.constant 1 : i32
    scf.for %while3A_70 = %while3A_62 to %while3A_58 step %while3A_64  : i32 {
      %mul3A_71 = arith.constant 2 : i32
      %mul3A_72 = arith.muli %mul3A_71, %while3A_70 : i32
      %add3A_73 = arith.constant 1 : i32
      %add3A_74 = arith.addi %mul3A_72, %add3A_73 : i32
      %dma_start3A_75 = arith.constant 0 : i32
      %dma_start3A_76 = tpu.memref_slice %arg7[%add3A_74, %dma_start3A_75] : memref<80x128xi32, #tpu.memory_space<vmem>> -> memref<1x128xi32, #tpu.memory_space<vmem>>
      %dma_start3A_77 = tpu.memref_squeeze %dma_start3A_76 : memref<1x128xi32, #tpu.memory_space<vmem>> -> memref<128xi32, #tpu.memory_space<vmem>>
      %dma_start3A_78 = arith.constant 0 : i32
      %dma_start3A_79 = arith.constant 0 : i32
      %dma_start3A_80 = tpu.memref_slice %arg2[%dma_start3A_78, %dma_start3A_79] : memref<10000x128xf32, #tpu.memory_space<hbm>> -> memref<10000x128xf32, #tpu.memory_space<hbm>>
      tpu.enqueue_indirect_dma source(%dma_start3A_80 : memref<10000x128xf32, #tpu.memory_space<hbm>>) target(%arg10 : memref<128x128xf32, #tpu.memory_space<vmem>>) offsets(%dma_start3A_77 : memref<128xi32, #tpu.memory_space<vmem>>) semaphore(%arg13 : memref<!tpu.dma_semaphore, #tpu.memory_space<semaphore_mem>>)
      %add3A_81 = arith.addi %select_n3A, %mul3A_72 : i32
      %add3A_82 = arith.constant 1 : i32
      %add3A_83 = arith.addi %add3A_81, %add3A_82 : i32
      %dma_start3A_84 = arith.constant 1 : i32
      %dma_start3A_85 = arith.constant 0 : i32
      %dma_start3A_86 = tpu.memref_slice %arg8[%dma_start3A_84, %dma_start3A_85] : memref<2x128xi32, #tpu.memory_space<vmem>> -> memref<1x128xi32, #tpu.memory_space<vmem>>
      %dma_start3A_87 = tpu.memref_squeeze %dma_start3A_86 : memref<1x128xi32, #tpu.memory_space<vmem>> -> memref<128xi32, #tpu.memory_space<vmem>>
      %dma_start3A_88 = arith.constant 0 : i32
      %dma_start3A_89 = tpu.memref_slice %arg4[%add3A_83, %dma_start3A_88] : memref<2560x128xi32, #tpu.memory_space<hbm>> -> memref<1x128xi32, #tpu.memory_space<hbm>>
      %dma_start3A_90 = tpu.memref_squeeze %dma_start3A_89 : memref<1x128xi32, #tpu.memory_space<hbm>> -> memref<128xi32, #tpu.memory_space<hbm>>
      %dma_start3A_91 = arith.constant 0 : i32
      %dma_start3A_92 = tpu.memref_slice %arg8[%dma_start3A_84, %dma_start3A_91] : memref<2x128xi32, #tpu.memory_space<vmem>> -> memref<1x128xi32, #tpu.memory_space<vmem>>
      %dma_start3A_93 = tpu.memref_squeeze %dma_start3A_92 : memref<1x128xi32, #tpu.memory_space<vmem>> -> memref<128xi32, #tpu.memory_space<vmem>>
      %dma_start3A_94 = arith.constant 0 : i32
      %dma_start3A_95 = tpu.memref_slice %arg4[%add3A_83, %dma_start3A_94] : memref<2560x128xi32, #tpu.memory_space<hbm>> -> memref<1x128xi32, #tpu.memory_space<hbm>>
      %dma_start3A_96 = tpu.memref_squeeze %dma_start3A_95 : memref<1x128xi32, #tpu.memory_space<hbm>> -> memref<128xi32, #tpu.memory_space<hbm>>
      tpu.enqueue_dma source(%dma_start3A_96 : memref<128xi32, #tpu.memory_space<hbm>>) target(%dma_start3A_93 : memref<128xi32, #tpu.memory_space<vmem>>) target_semaphore(%arg15 : memref<!tpu.dma_semaphore, #tpu.memory_space<semaphore_mem>>)
      %dma_wait3A = arith.constant 0 : i32
      %dma_wait3A_97 = tpu.memref_slice %arg7[%mul3A_72, %dma_wait3A] : memref<80x128xi32, #tpu.memory_space<vmem>> -> memref<1x128xi32, #tpu.memory_space<vmem>>
      %dma_wait3A_98 = tpu.memref_squeeze %dma_wait3A_97 : memref<1x128xi32, #tpu.memory_space<vmem>> -> memref<128xi32, #tpu.memory_space<vmem>>
      %dma_wait3A_99 = arith.constant 0 : i32
      %dma_wait3A_100 = arith.constant 0 : i32
      %dma_wait3A_101 = tpu.memref_slice %arg2[%dma_wait3A_99, %dma_wait3A_100] : memref<10000x128xf32, #tpu.memory_space<hbm>> -> memref<10000x128xf32, #tpu.memory_space<hbm>>
      tpu.wait_indirect_dma semaphore(%arg12 : memref<!tpu.dma_semaphore, #tpu.memory_space<semaphore_mem>>) src(%dma_wait3A_101 : memref<10000x128xf32, #tpu.memory_space<hbm>>) dst(%arg9 : memref<128x128xf32, #tpu.memory_space<vmem>>)
      %add3A_102 = arith.addi %select_n3A, %mul3A_72 : i32
      %dma_wait3A_103 = arith.constant 0 : i32
      %dma_wait3A_104 = arith.constant 0 : i32
      %dma_wait3A_105 = tpu.memref_slice %arg8[%dma_wait3A_103, %dma_wait3A_104] : memref<2x128xi32, #tpu.memory_space<vmem>> -> memref<1x128xi32, #tpu.memory_space<vmem>>
      %dma_wait3A_106 = tpu.memref_squeeze %dma_wait3A_105 : memref<1x128xi32, #tpu.memory_space<vmem>> -> memref<128xi32, #tpu.memory_space<vmem>>
      %dma_wait3A_107 = arith.constant 0 : i32
      %dma_wait3A_108 = tpu.memref_slice %arg4[%add3A_102, %dma_wait3A_107] : memref<2560x128xi32, #tpu.memory_space<hbm>> -> memref<1x128xi32, #tpu.memory_space<hbm>>
      %dma_wait3A_109 = tpu.memref_squeeze %dma_wait3A_108 : memref<1x128xi32, #tpu.memory_space<hbm>> -> memref<128xi32, #tpu.memory_space<hbm>>
      %dma_wait3A_110 = arith.constant 0 : i32
      %dma_wait3A_111 = tpu.memref_slice %arg8[%dma_wait3A_103, %dma_wait3A_110] : memref<2x128xi32, #tpu.memory_space<vmem>> -> memref<1x128xi32, #tpu.memory_space<vmem>>
      %dma_wait3A_112 = tpu.memref_squeeze %dma_wait3A_111 : memref<1x128xi32, #tpu.memory_space<vmem>> -> memref<128xi32, #tpu.memory_space<vmem>>
      %dma_wait3A_113 = arith.constant 0 : i32
      %dma_wait3A_114 = tpu.memref_slice %arg4[%add3A_102, %dma_wait3A_113] : memref<2560x128xi32, #tpu.memory_space<hbm>> -> memref<1x128xi32, #tpu.memory_space<hbm>>
      %dma_wait3A_115 = tpu.memref_squeeze %dma_wait3A_114 : memref<1x128xi32, #tpu.memory_space<hbm>> -> memref<128xi32, #tpu.memory_space<hbm>>
      tpu.wait_dma2 semaphore(%arg14 : memref<!tpu.dma_semaphore, #tpu.memory_space<semaphore_mem>>) src(%dma_wait3A_115 : memref<128xi32, #tpu.memory_space<hbm>>) dst(%dma_wait3A_112 : memref<128xi32, #tpu.memory_space<vmem>>)
      %run_scoped3A = arith.constant 0 : i32
      "tpu.region"() ({
        %run_scoped3A_146 = tpu.sem_alloc : memref<!tpu.dma_semaphore, #tpu.memory_space<semaphore_mem>>
        %dma_start3A_147 = arith.constant 0 : i32
        %dma_start3A_148 = tpu.memref_slice %arg8[%run_scoped3A, %dma_start3A_147] : memref<2x128xi32, #tpu.memory_space<vmem>> -> memref<1x128xi32, #tpu.memory_space<vmem>>
        %dma_start3A_149 = tpu.memref_squeeze %dma_start3A_148 : memref<1x128xi32, #tpu.memory_space<vmem>> -> memref<128xi32, #tpu.memory_space<vmem>>
        %dma_start3A_150 = arith.constant 0 : i32
        %dma_start3A_151 = arith.constant 0 : i32
        %dma_start3A_152 = tpu.memref_slice %arg11[%dma_start3A_150, %dma_start3A_151] : memref<10112x128xf32, #tpu.memory_space<vmem_shared>> -> memref<10112x128xf32, #tpu.memory_space<vmem_shared>>
        tpu.enqueue_indirect_dma source(%arg9 : memref<128x128xf32, #tpu.memory_space<vmem>>) target(%dma_start3A_152 : memref<10112x128xf32, #tpu.memory_space<vmem_shared>>) offsets(%dma_start3A_149 : memref<128xi32, #tpu.memory_space<vmem>>) semaphore(%run_scoped3A_146 : memref<!tpu.dma_semaphore, #tpu.memory_space<semaphore_mem>>) {add = true}
        %dma_wait3A_153 = arith.constant 0 : i32
        %dma_wait3A_154 = tpu.memref_slice %arg8[%run_scoped3A, %dma_wait3A_153] : memref<2x128xi32, #tpu.memory_space<vmem>> -> memref<1x128xi32, #tpu.memory_space<vmem>>
        %dma_wait3A_155 = tpu.memref_squeeze %dma_wait3A_154 : memref<1x128xi32, #tpu.memory_space<vmem>> -> memref<128xi32, #tpu.memory_space<vmem>>
        %dma_wait3A_156 = arith.constant 0 : i32
        %dma_wait3A_157 = arith.constant 0 : i32
        %dma_wait3A_158 = tpu.memref_slice %arg11[%dma_wait3A_156, %dma_wait3A_157] : memref<10112x128xf32, #tpu.memory_space<vmem_shared>> -> memref<10112x128xf32, #tpu.memory_space<vmem_shared>>
        tpu.wait_indirect_dma semaphore(%run_scoped3A_146 : memref<!tpu.dma_semaphore, #tpu.memory_space<semaphore_mem>>) src(%arg9 : memref<128x128xf32, #tpu.memory_space<vmem>>) dst(%dma_wait3A_158 : memref<10112x128xf32, #tpu.memory_space<vmem_shared>>)
        tpu.yield
      }) : () -> ()
      %add3A_116 = arith.constant 2 : i32
      %add3A_117 = arith.addi %mul3A_72, %add3A_116 : i32
      %lt3A = arith.cmpi slt, %add3A_117, %select_n3A_8 : i32
      %convert_element_type3A_118 = arith.extui %lt3A : i1 to i32
      %cond3A_119 = arith.constant 0 : i32
      %cond3A_120 = arith.cmpi ne, %convert_element_type3A_118, %cond3A_119 : i32
      scf.if %cond3A_120 {
        %add3A_146 = arith.constant 2 : i32
        %add3A_147 = arith.addi %mul3A_72, %add3A_146 : i32
        %dma_start3A_148 = arith.constant 0 : i32
        %dma_start3A_149 = tpu.memref_slice %arg7[%add3A_147, %dma_start3A_148] : memref<80x128xi32, #tpu.memory_space<vmem>> -> memref<1x128xi32, #tpu.memory_space<vmem>>
        %dma_start3A_150 = tpu.memref_squeeze %dma_start3A_149 : memref<1x128xi32, #tpu.memory_space<vmem>> -> memref<128xi32, #tpu.memory_space<vmem>>
        %dma_start3A_151 = arith.constant 0 : i32
        %dma_start3A_152 = arith.constant 0 : i32
        %dma_start3A_153 = tpu.memref_slice %arg2[%dma_start3A_151, %dma_start3A_152] : memref<10000x128xf32, #tpu.memory_space<hbm>> -> memref<10000x128xf32, #tpu.memory_space<hbm>>
        tpu.enqueue_indirect_dma source(%dma_start3A_153 : memref<10000x128xf32, #tpu.memory_space<hbm>>) target(%arg9 : memref<128x128xf32, #tpu.memory_space<vmem>>) offsets(%dma_start3A_150 : memref<128xi32, #tpu.memory_space<vmem>>) semaphore(%arg12 : memref<!tpu.dma_semaphore, #tpu.memory_space<semaphore_mem>>)
        %add3A_154 = arith.addi %select_n3A, %mul3A_72 : i32
        %add3A_155 = arith.constant 2 : i32
        %add3A_156 = arith.addi %add3A_154, %add3A_155 : i32
        %dma_start3A_157 = arith.constant 0 : i32
        %dma_start3A_158 = arith.constant 0 : i32
        %dma_start3A_159 = tpu.memref_slice %arg8[%dma_start3A_157, %dma_start3A_158] : memref<2x128xi32, #tpu.memory_space<vmem>> -> memref<1x128xi32, #tpu.memory_space<vmem>>
        %dma_start3A_160 = tpu.memref_squeeze %dma_start3A_159 : memref<1x128xi32, #tpu.memory_space<vmem>> -> memref<128xi32, #tpu.memory_space<vmem>>
        %dma_start3A_161 = arith.constant 0 : i32
        %dma_start3A_162 = tpu.memref_slice %arg4[%add3A_156, %dma_start3A_161] : memref<2560x128xi32, #tpu.memory_space<hbm>> -> memref<1x128xi32, #tpu.memory_space<hbm>>
        %dma_start3A_163 = tpu.memref_squeeze %dma_start3A_162 : memref<1x128xi32, #tpu.memory_space<hbm>> -> memref<128xi32, #tpu.memory_space<hbm>>
        %dma_start3A_164 = arith.constant 0 : i32
        %dma_start3A_165 = tpu.memref_slice %arg8[%dma_start3A_157, %dma_start3A_164] : memref<2x128xi32, #tpu.memory_space<vmem>> -> memref<1x128xi32, #tpu.memory_space<vmem>>
        %dma_start3A_166 = tpu.memref_squeeze %dma_start3A_165 : memref<1x128xi32, #tpu.memory_space<vmem>> -> memref<128xi32, #tpu.memory_space<vmem>>
        %dma_start3A_167 = arith.constant 0 : i32
        %dma_start3A_168 = tpu.memref_slice %arg4[%add3A_156, %dma_start3A_167] : memref<2560x128xi32, #tpu.memory_space<hbm>> -> memref<1x128xi32, #tpu.memory_space<hbm>>
        %dma_start3A_169 = tpu.memref_squeeze %dma_start3A_168 : memref<1x128xi32, #tpu.memory_space<hbm>> -> memref<128xi32, #tpu.memory_space<hbm>>
        tpu.enqueue_dma source(%dma_start3A_169 : memref<128xi32, #tpu.memory_space<hbm>>) target(%dma_start3A_166 : memref<128xi32, #tpu.memory_space<vmem>>) target_semaphore(%arg14 : memref<!tpu.dma_semaphore, #tpu.memory_space<semaphore_mem>>)
      } else {
      }
      %add3A_121 = arith.constant 1 : i32
      %add3A_122 = arith.addi %mul3A_72, %add3A_121 : i32
      %dma_wait3A_123 = arith.constant 0 : i32
      %dma_wait3A_124 = tpu.memref_slice %arg7[%add3A_122, %dma_wait3A_123] : memref<80x128xi32, #tpu.memory_space<vmem>> -> memref<1x128xi32, #tpu.memory_space<vmem>>
      %dma_wait3A_125 = tpu.memref_squeeze %dma_wait3A_124 : memref<1x128xi32, #tpu.memory_space<vmem>> -> memref<128xi32, #tpu.memory_space<vmem>>
      %dma_wait3A_126 = arith.constant 0 : i32
      %dma_wait3A_127 = arith.constant 0 : i32
      %dma_wait3A_128 = tpu.memref_slice %arg2[%dma_wait3A_126, %dma_wait3A_127] : memref<10000x128xf32, #tpu.memory_space<hbm>> -> memref<10000x128xf32, #tpu.memory_space<hbm>>
      tpu.wait_indirect_dma semaphore(%arg13 : memref<!tpu.dma_semaphore, #tpu.memory_space<semaphore_mem>>) src(%dma_wait3A_128 : memref<10000x128xf32, #tpu.memory_space<hbm>>) dst(%arg10 : memref<128x128xf32, #tpu.memory_space<vmem>>)
      %add3A_129 = arith.addi %select_n3A, %mul3A_72 : i32
      %add3A_130 = arith.constant 1 : i32
      %add3A_131 = arith.addi %add3A_129, %add3A_130 : i32
      %dma_wait3A_132 = arith.constant 1 : i32
      %dma_wait3A_133 = arith.constant 0 : i32
      %dma_wait3A_134 = tpu.memref_slice %arg8[%dma_wait3A_132, %dma_wait3A_133] : memref<2x128xi32, #tpu.memory_space<vmem>> -> memref<1x128xi32, #tpu.memory_space<vmem>>
      %dma_wait3A_135 = tpu.memref_squeeze %dma_wait3A_134 : memref<1x128xi32, #tpu.memory_space<vmem>> -> memref<128xi32, #tpu.memory_space<vmem>>
      %dma_wait3A_136 = arith.constant 0 : i32
      %dma_wait3A_137 = tpu.memref_slice %arg4[%add3A_131, %dma_wait3A_136] : memref<2560x128xi32, #tpu.memory_space<hbm>> -> memref<1x128xi32, #tpu.memory_space<hbm>>
      %dma_wait3A_138 = tpu.memref_squeeze %dma_wait3A_137 : memref<1x128xi32, #tpu.memory_space<hbm>> -> memref<128xi32, #tpu.memory_space<hbm>>
      %dma_wait3A_139 = arith.constant 0 : i32
      %dma_wait3A_140 = tpu.memref_slice %arg8[%dma_wait3A_132, %dma_wait3A_139] : memref<2x128xi32, #tpu.memory_space<vmem>> -> memref<1x128xi32, #tpu.memory_space<vmem>>
      %dma_wait3A_141 = tpu.memref_squeeze %dma_wait3A_140 : memref<1x128xi32, #tpu.memory_space<vmem>> -> memref<128xi32, #tpu.memory_space<vmem>>
      %dma_wait3A_142 = arith.constant 0 : i32
      %dma_wait3A_143 = tpu.memref_slice %arg4[%add3A_131, %dma_wait3A_142] : memref<2560x128xi32, #tpu.memory_space<hbm>> -> memref<1x128xi32, #tpu.memory_space<hbm>>
      %dma_wait3A_144 = tpu.memref_squeeze %dma_wait3A_143 : memref<1x128xi32, #tpu.memory_space<hbm>> -> memref<128xi32, #tpu.memory_space<hbm>>
      tpu.wait_dma2 semaphore(%arg15 : memref<!tpu.dma_semaphore, #tpu.memory_space<semaphore_mem>>) src(%dma_wait3A_144 : memref<128xi32, #tpu.memory_space<hbm>>) dst(%dma_wait3A_141 : memref<128xi32, #tpu.memory_space<vmem>>)
      %run_scoped3A_145 = arith.constant 1 : i32
      "tpu.region"() ({
        %run_scoped3A_146 = tpu.sem_alloc : memref<!tpu.dma_semaphore, #tpu.memory_space<semaphore_mem>>
        %dma_start3A_147 = arith.constant 0 : i32
        %dma_start3A_148 = tpu.memref_slice %arg8[%run_scoped3A_145, %dma_start3A_147] : memref<2x128xi32, #tpu.memory_space<vmem>> -> memref<1x128xi32, #tpu.memory_space<vmem>>
        %dma_start3A_149 = tpu.memref_squeeze %dma_start3A_148 : memref<1x128xi32, #tpu.memory_space<vmem>> -> memref<128xi32, #tpu.memory_space<vmem>>
        %dma_start3A_150 = arith.constant 0 : i32
        %dma_start3A_151 = arith.constant 0 : i32
        %dma_start3A_152 = tpu.memref_slice %arg11[%dma_start3A_150, %dma_start3A_151] : memref<10112x128xf32, #tpu.memory_space<vmem_shared>> -> memref<10112x128xf32, #tpu.memory_space<vmem_shared>>
        tpu.enqueue_indirect_dma source(%arg10 : memref<128x128xf32, #tpu.memory_space<vmem>>) target(%dma_start3A_152 : memref<10112x128xf32, #tpu.memory_space<vmem_shared>>) offsets(%dma_start3A_149 : memref<128xi32, #tpu.memory_space<vmem>>) semaphore(%run_scoped3A_146 : memref<!tpu.dma_semaphore, #tpu.memory_space<semaphore_mem>>) {add = true}
        %dma_wait3A_153 = arith.constant 0 : i32
        %dma_wait3A_154 = tpu.memref_slice %arg8[%run_scoped3A_145, %dma_wait3A_153] : memref<2x128xi32, #tpu.memory_space<vmem>> -> memref<1x128xi32, #tpu.memory_space<vmem>>
        %dma_wait3A_155 = tpu.memref_squeeze %dma_wait3A_154 : memref<1x128xi32, #tpu.memory_space<vmem>> -> memref<128xi32, #tpu.memory_space<vmem>>
        %dma_wait3A_156 = arith.constant 0 : i32
        %dma_wait3A_157 = arith.constant 0 : i32
        %dma_wait3A_158 = tpu.memref_slice %arg11[%dma_wait3A_156, %dma_wait3A_157] : memref<10112x128xf32, #tpu.memory_space<vmem_shared>> -> memref<10112x128xf32, #tpu.memory_space<vmem_shared>>
        tpu.wait_indirect_dma semaphore(%run_scoped3A_146 : memref<!tpu.dma_semaphore, #tpu.memory_space<semaphore_mem>>) src(%arg10 : memref<128x128xf32, #tpu.memory_space<vmem>>) dst(%dma_wait3A_158 : memref<10112x128xf32, #tpu.memory_space<vmem_shared>>)
        tpu.yield
      }) : () -> ()
    }
    %barrier3A_65 = arith.constant 0 : index
    tpu.barrier barrier_id(%barrier3A_65)
    %mul3A_66 = arith.constant 632 : i32
    %mul3A_67 = arith.muli %arg1, %mul3A_66 : i32
    %mul3A_68 = arith.constant 632 : i32
    %mul3A_69 = arith.muli %arg1, %mul3A_68 : i32
    "tpu.region"() ({
      %run_scoped3A = tpu.sem_alloc : memref<!tpu.dma_semaphore, #tpu.memory_space<semaphore_mem>>
      %dma_start3A_70 = arith.constant 0 : i32
      %dma_start3A_71 = tpu.memref_slice %arg6[%arg0, %mul3A_69, %dma_start3A_70] : memref<2x10112x128xf32, #tpu.memory_space<hbm>> -> memref<1x632x128xf32, #tpu.memory_space<hbm>>
      %dma_start3A_72 = tpu.memref_squeeze %dma_start3A_71 : memref<1x632x128xf32, #tpu.memory_space<hbm>> -> memref<632x128xf32, #tpu.memory_space<hbm>>
      %dma_start3A_73 = arith.constant 0 : i32
      %dma_start3A_74 = tpu.memref_slice %arg11[%mul3A_67, %dma_start3A_73] : memref<10112x128xf32, #tpu.memory_space<vmem_shared>> -> memref<632x128xf32, #tpu.memory_space<vmem_shared>>
      tpu.enqueue_dma source(%dma_start3A_74 : memref<632x128xf32, #tpu.memory_space<vmem_shared>>) target(%dma_start3A_72 : memref<632x128xf32, #tpu.memory_space<hbm>>) target_semaphore(%run_scoped3A : memref<!tpu.dma_semaphore, #tpu.memory_space<semaphore_mem>>)
      %dma_wait3A = arith.constant 0 : i32
      %dma_wait3A_75 = tpu.memref_slice %arg6[%arg0, %mul3A_69, %dma_wait3A] : memref<2x10112x128xf32, #tpu.memory_space<hbm>> -> memref<1x632x128xf32, #tpu.memory_space<hbm>>
      %dma_wait3A_76 = tpu.memref_squeeze %dma_wait3A_75 : memref<1x632x128xf32, #tpu.memory_space<hbm>> -> memref<632x128xf32, #tpu.memory_space<hbm>>
      %dma_wait3A_77 = arith.constant 0 : i32
      %dma_wait3A_78 = tpu.memref_slice %arg11[%mul3A_67, %dma_wait3A_77] : memref<10112x128xf32, #tpu.memory_space<vmem_shared>> -> memref<632x128xf32, #tpu.memory_space<vmem_shared>>
      tpu.wait_dma2 semaphore(%run_scoped3A : memref<!tpu.dma_semaphore, #tpu.memory_space<semaphore_mem>>) src(%dma_wait3A_78 : memref<632x128xf32, #tpu.memory_space<vmem_shared>>) dst(%dma_wait3A_76 : memref<632x128xf32, #tpu.memory_space<hbm>>)
      tpu.yield
    }) : () -> ()
    return
  }
}

#map = affine_map<(d0, d1) -> (0, 0)>
#map1 = affine_map<(d0, d1) -> (0, 0, 0)>
module attributes {stable_mosaic.version = 14 : i64} {
  func.func @_agg_kernel(%arg0: i32, %arg1: i32, %arg2: memref<10000x128xf32, #tpu.memory_space<hbm>>, %arg3: memref<2560x128xi32, #tpu.memory_space<hbm>>, %arg4: memref<2560x128xi32, #tpu.memory_space<hbm>>, %arg5: memref<632x128xf32, #tpu.memory_space<hbm>>, %arg6: memref<2x10112x128xf32, #tpu.memory_space<hbm>>, %arg7: memref<80x128xi32, #tpu.memory_space<vmem>>, %arg8: memref<2x128xi32, #tpu.memory_space<vmem>>, %arg9: memref<128x128xf32, #tpu.memory_space<vmem>>, %arg10: memref<128x128xf32, #tpu.memory_space<vmem>>, %arg11: memref<10112x128xf32, #tpu.memory_space<vmem_shared>>, %arg12: memref<!tpu.dma_semaphore, #tpu.memory_space<semaphore_mem>>, %arg13: memref<!tpu.dma_semaphore, #tpu.memory_space<semaphore_mem>>, %arg14: memref<!tpu.dma_semaphore, #tpu.memory_space<semaphore_mem>>, %arg15: memref<!tpu.dma_semaphore, #tpu.memory_space<semaphore_mem>>) attributes {dimension_semantics = [#tpu.dimension_semantics<core_parallel>, #tpu.dimension_semantics<subcore_parallel>], iteration_bounds = array<i64: 2, 16>, scalar_prefetch = 0 : i64, scratch_operands = 9 : i64, tpu.core_type = #tpu.core_type<sc_vector_subcore>, window_params = [{transform_indices = #map}, {transform_indices = #map}, {transform_indices = #map}, {transform_indices = #map}, {transform_indices = #map1}]} {
    %eq3A = arith.constant 0 : i32
    %eq3A_0 = arith.cmpi eq, %arg0, %eq3A : i32
    %mul3A = arith.constant 80 : i32
    %mul3A_1 = arith.muli %arg1, %mul3A : i32
    %add3A = arith.constant 1280 : i32
    %add3A_2 = arith.addi %add3A, %mul3A_1 : i32
    %mul3A_3 = arith.constant 80 : i32
    %mul3A_4 = arith.muli %arg1, %mul3A_3 : i32
    %select_n3A = arith.select %eq3A_0, %add3A_2, %mul3A_4 : i32
    %eq3A_5 = arith.constant 0 : i32
    %eq3A_6 = arith.cmpi eq, %arg0, %eq3A_5 : i32
    %jit3A = arith.constant 80 : i32
    %jit3A_7 = arith.constant 80 : i32
    %select_n3A_8 = arith.select %eq3A_6, %jit3A, %jit3A_7 : i32
    %mul3A_9 = arith.constant 632 : i32
    %mul3A_10 = arith.muli %arg1, %mul3A_9 : i32
    "tpu.region"() ({
      %run_scoped3A = tpu.sem_alloc : memref<!tpu.dma_semaphore, #tpu.memory_space<semaphore_mem>>
      %dma_start3A_70 = arith.constant 0 : i32
      %dma_start3A_71 = tpu.memref_slice %arg11[%mul3A_10, %dma_start3A_70] : memref<10112x128xf32, #tpu.memory_space<vmem_shared>> -> memref<632x128xf32, #tpu.memory_space<vmem_shared>>
      tpu.enqueue_dma source(%arg5 : memref<632x128xf32, #tpu.memory_space<hbm>>) target(%dma_start3A_71 : memref<632x128xf32, #tpu.memory_space<vmem_shared>>) target_semaphore(%run_scoped3A : memref<!tpu.dma_semaphore, #tpu.memory_space<semaphore_mem>>)
      %dma_wait3A = arith.constant 0 : i32
      %dma_wait3A_72 = tpu.memref_slice %arg11[%mul3A_10, %dma_wait3A] : memref<10112x128xf32, #tpu.memory_space<vmem_shared>> -> memref<632x128xf32, #tpu.memory_space<vmem_shared>>
      tpu.wait_dma2 semaphore(%run_scoped3A : memref<!tpu.dma_semaphore, #tpu.memory_space<semaphore_mem>>) src(%arg5 : memref<632x128xf32, #tpu.memory_space<hbm>>) dst(%dma_wait3A_72 : memref<632x128xf32, #tpu.memory_space<vmem_shared>>)
      tpu.yield
    }) : () -> ()
    %eq3A_11 = arith.constant 0 : i32
    %eq3A_12 = arith.cmpi eq, %arg0, %eq3A_11 : i32
    %convert_element_type3A = arith.extui %eq3A_12 : i1 to i32
    %cond3A = arith.constant 0 : i32
    %cond3A_13 = arith.cmpi ne, %convert_element_type3A, %cond3A : i32
    scf.if %cond3A_13 {
      %mul3A_70 = arith.constant 80 : i32
      %mul3A_71 = arith.muli %arg1, %mul3A_70 : i32
      %add3A_72 = arith.constant 1280 : i32
      %add3A_73 = arith.addi %add3A_72, %mul3A_71 : i32
      "tpu.region"() ({
        %run_scoped3A = tpu.sem_alloc : memref<!tpu.dma_semaphore, #tpu.memory_space<semaphore_mem>>
        %dma_start3A_74 = arith.constant 0 : i32
        %dma_start3A_75 = arith.constant 0 : i32
        %dma_start3A_76 = tpu.memref_slice %arg7[%dma_start3A_74, %dma_start3A_75] : memref<80x128xi32, #tpu.memory_space<vmem>> -> memref<80x128xi32, #tpu.memory_space<vmem>>
        %dma_start3A_77 = arith.constant 0 : i32
        %dma_start3A_78 = tpu.memref_slice %arg3[%add3A_73, %dma_start3A_77] : memref<2560x128xi32, #tpu.memory_space<hbm>> -> memref<80x128xi32, #tpu.memory_space<hbm>>
        %dma_start3A_79 = arith.constant 0 : i32
        %dma_start3A_80 = arith.constant 0 : i32
        %dma_start3A_81 = tpu.memref_slice %arg7[%dma_start3A_79, %dma_start3A_80] : memref<80x128xi32, #tpu.memory_space<vmem>> -> memref<80x128xi32, #tpu.memory_space<vmem>>
        %dma_start3A_82 = arith.constant 0 : i32
        %dma_start3A_83 = tpu.memref_slice %arg3[%add3A_73, %dma_start3A_82] : memref<2560x128xi32, #tpu.memory_space<hbm>> -> memref<80x128xi32, #tpu.memory_space<hbm>>
        tpu.enqueue_dma source(%dma_start3A_83 : memref<80x128xi32, #tpu.memory_space<hbm>>) target(%dma_start3A_81 : memref<80x128xi32, #tpu.memory_space<vmem>>) target_semaphore(%run_scoped3A : memref<!tpu.dma_semaphore, #tpu.memory_space<semaphore_mem>>)
        %dma_wait3A = arith.constant 0 : i32
        %dma_wait3A_84 = arith.constant 0 : i32
        %dma_wait3A_85 = tpu.memref_slice %arg7[%dma_wait3A, %dma_wait3A_84] : memref<80x128xi32, #tpu.memory_space<vmem>> -> memref<80x128xi32, #tpu.memory_space<vmem>>
        %dma_wait3A_86 = arith.constant 0 : i32
        %dma_wait3A_87 = tpu.memref_slice %arg3[%add3A_73, %dma_wait3A_86] : memref<2560x128xi32, #tpu.memory_space<hbm>> -> memref<80x128xi32, #tpu.memory_space<hbm>>
        %dma_wait3A_88 = arith.constant 0 : i32
        %dma_wait3A_89 = arith.constant 0 : i32
        %dma_wait3A_90 = tpu.memref_slice %arg7[%dma_wait3A_88, %dma_wait3A_89] : memref<80x128xi32, #tpu.memory_space<vmem>> -> memref<80x128xi32, #tpu.memory_space<vmem>>
        %dma_wait3A_91 = arith.constant 0 : i32
        %dma_wait3A_92 = tpu.memref_slice %arg3[%add3A_73, %dma_wait3A_91] : memref<2560x128xi32, #tpu.memory_space<hbm>> -> memref<80x128xi32, #tpu.memory_space<hbm>>
        tpu.wait_dma2 semaphore(%run_scoped3A : memref<!tpu.dma_semaphore, #tpu.memory_space<semaphore_mem>>) src(%dma_wait3A_92 : memref<80x128xi32, #tpu.memory_space<hbm>>) dst(%dma_wait3A_90 : memref<80x128xi32, #tpu.memory_space<vmem>>)
        tpu.yield
      }) : () -> ()
    } else {
    }
    %eq3A_14 = arith.constant 1 : i32
    %eq3A_15 = arith.cmpi eq, %arg0, %eq3A_14 : i32
    %convert_element_type3A_16 = arith.extui %eq3A_15 : i1 to i32
    %cond3A_17 = arith.constant 0 : i32
    %cond3A_18 = arith.cmpi ne, %convert_element_type3A_16, %cond3A_17 : i32
    scf.if %cond3A_18 {
      %mul3A_70 = arith.constant 80 : i32
      %mul3A_71 = arith.muli %arg1, %mul3A_70 : i32
      "tpu.region"() ({
        %run_scoped3A = tpu.sem_alloc : memref<!tpu.dma_semaphore, #tpu.memory_space<semaphore_mem>>
        %dma_start3A_72 = arith.constant 0 : i32
        %dma_start3A_73 = arith.constant 0 : i32
        %dma_start3A_74 = tpu.memref_slice %arg7[%dma_start3A_72, %dma_start3A_73] : memref<80x128xi32, #tpu.memory_space<vmem>> -> memref<80x128xi32, #tpu.memory_space<vmem>>
        %dma_start3A_75 = arith.constant 0 : i32
        %dma_start3A_76 = tpu.memref_slice %arg3[%mul3A_71, %dma_start3A_75] : memref<2560x128xi32, #tpu.memory_space<hbm>> -> memref<80x128xi32, #tpu.memory_space<hbm>>
        %dma_start3A_77 = arith.constant 0 : i32
        %dma_start3A_78 = arith.constant 0 : i32
        %dma_start3A_79 = tpu.memref_slice %arg7[%dma_start3A_77, %dma_start3A_78] : memref<80x128xi32, #tpu.memory_space<vmem>> -> memref<80x128xi32, #tpu.memory_space<vmem>>
        %dma_start3A_80 = arith.constant 0 : i32
        %dma_start3A_81 = tpu.memref_slice %arg3[%mul3A_71, %dma_start3A_80] : memref<2560x128xi32, #tpu.memory_space<hbm>> -> memref<80x128xi32, #tpu.memory_space<hbm>>
        tpu.enqueue_dma source(%dma_start3A_81 : memref<80x128xi32, #tpu.memory_space<hbm>>) target(%dma_start3A_79 : memref<80x128xi32, #tpu.memory_space<vmem>>) target_semaphore(%run_scoped3A : memref<!tpu.dma_semaphore, #tpu.memory_space<semaphore_mem>>)
        %dma_wait3A = arith.constant 0 : i32
        %dma_wait3A_82 = arith.constant 0 : i32
        %dma_wait3A_83 = tpu.memref_slice %arg7[%dma_wait3A, %dma_wait3A_82] : memref<80x128xi32, #tpu.memory_space<vmem>> -> memref<80x128xi32, #tpu.memory_space<vmem>>
        %dma_wait3A_84 = arith.constant 0 : i32
        %dma_wait3A_85 = tpu.memref_slice %arg3[%mul3A_71, %dma_wait3A_84] : memref<2560x128xi32, #tpu.memory_space<hbm>> -> memref<80x128xi32, #tpu.memory_space<hbm>>
        %dma_wait3A_86 = arith.constant 0 : i32
        %dma_wait3A_87 = arith.constant 0 : i32
        %dma_wait3A_88 = tpu.memref_slice %arg7[%dma_wait3A_86, %dma_wait3A_87] : memref<80x128xi32, #tpu.memory_space<vmem>> -> memref<80x128xi32, #tpu.memory_space<vmem>>
        %dma_wait3A_89 = arith.constant 0 : i32
        %dma_wait3A_90 = tpu.memref_slice %arg3[%mul3A_71, %dma_wait3A_89] : memref<2560x128xi32, #tpu.memory_space<hbm>> -> memref<80x128xi32, #tpu.memory_space<hbm>>
        tpu.wait_dma2 semaphore(%run_scoped3A : memref<!tpu.dma_semaphore, #tpu.memory_space<semaphore_mem>>) src(%dma_wait3A_90 : memref<80x128xi32, #tpu.memory_space<hbm>>) dst(%dma_wait3A_88 : memref<80x128xi32, #tpu.memory_space<vmem>>)
        tpu.yield
      }) : () -> ()
    } else {
    }
    %barrier3A = arith.constant 0 : index
    tpu.barrier barrier_id(%barrier3A)
    %dma_start3A = arith.constant 0 : i32
    %dma_start3A_19 = arith.constant 0 : i32
    %dma_start3A_20 = tpu.memref_slice %arg7[%dma_start3A, %dma_start3A_19] : memref<80x128xi32, #tpu.memory_space<vmem>> -> memref<1x128xi32, #tpu.memory_space<vmem>>
    %dma_start3A_21 = tpu.memref_squeeze %dma_start3A_20 : memref<1x128xi32, #tpu.memory_space<vmem>> -> memref<128xi32, #tpu.memory_space<vmem>>
    %dma_start3A_22 = arith.constant 0 : i32
    %dma_start3A_23 = arith.constant 0 : i32
    %dma_start3A_24 = tpu.memref_slice %arg2[%dma_start3A_22, %dma_start3A_23] : memref<10000x128xf32, #tpu.memory_space<hbm>> -> memref<10000x128xf32, #tpu.memory_space<hbm>>
    tpu.enqueue_indirect_dma source(%dma_start3A_24 : memref<10000x128xf32, #tpu.memory_space<hbm>>) target(%arg9 : memref<128x128xf32, #tpu.memory_space<vmem>>) offsets(%dma_start3A_21 : memref<128xi32, #tpu.memory_space<vmem>>) semaphore(%arg12 : memref<!tpu.dma_semaphore, #tpu.memory_space<semaphore_mem>>)
    %dma_start3A_25 = arith.constant 0 : i32
    %dma_start3A_26 = arith.constant 0 : i32
    %dma_start3A_27 = tpu.memref_slice %arg8[%dma_start3A_25, %dma_start3A_26] : memref<2x128xi32, #tpu.memory_space<vmem>> -> memref<1x128xi32, #tpu.memory_space<vmem>>
    %dma_start3A_28 = tpu.memref_squeeze %dma_start3A_27 : memref<1x128xi32, #tpu.memory_space<vmem>> -> memref<128xi32, #tpu.memory_space<vmem>>
    %dma_start3A_29 = arith.constant 0 : i32
    %dma_start3A_30 = tpu.memref_slice %arg4[%select_n3A, %dma_start3A_29] : memref<2560x128xi32, #tpu.memory_space<hbm>> -> memref<1x128xi32, #tpu.memory_space<hbm>>
    %dma_start3A_31 = tpu.memref_squeeze %dma_start3A_30 : memref<1x128xi32, #tpu.memory_space<hbm>> -> memref<128xi32, #tpu.memory_space<hbm>>
    %dma_start3A_32 = arith.constant 0 : i32
    %dma_start3A_33 = tpu.memref_slice %arg8[%dma_start3A_25, %dma_start3A_32] : memref<2x128xi32, #tpu.memory_space<vmem>> -> memref<1x128xi32, #tpu.memory_space<vmem>>
    %dma_start3A_34 = tpu.memref_squeeze %dma_start3A_33 : memref<1x128xi32, #tpu.memory_space<vmem>> -> memref<128xi32, #tpu.memory_space<vmem>>
    %dma_start3A_35 = arith.constant 0 : i32
    %dma_start3A_36 = tpu.memref_slice %arg4[%select_n3A, %dma_start3A_35] : memref<2560x128xi32, #tpu.memory_space<hbm>> -> memref<1x128xi32, #tpu.memory_space<hbm>>
    %dma_start3A_37 = tpu.memref_squeeze %dma_start3A_36 : memref<1x128xi32, #tpu.memory_space<hbm>> -> memref<128xi32, #tpu.memory_space<hbm>>
    tpu.enqueue_dma source(%dma_start3A_37 : memref<128xi32, #tpu.memory_space<hbm>>) target(%dma_start3A_34 : memref<128xi32, #tpu.memory_space<vmem>>) target_semaphore(%arg14 : memref<!tpu.dma_semaphore, #tpu.memory_space<semaphore_mem>>)
    %jit3A_38 = arith.constant 2 : i32
    %div3A = arith.divsi %select_n3A_8, %jit3A_38 : i32
    %sign3A = arith.constant 0 : i32
    %sign3A_39 = arith.cmpi sgt, %select_n3A_8, %sign3A : i32
    %sign3A_40 = arith.extui %sign3A_39 : i1 to i32
    %sign3A_41 = arith.constant 0 : i32
    %sign3A_42 = arith.cmpi slt, %select_n3A_8, %sign3A_41 : i32
    %sign3A_43 = arith.extui %sign3A_42 : i1 to i32
    %sign3A_44 = arith.subi %sign3A_40, %sign3A_43 : i32
    %sign3A_45 = arith.constant 0 : i32
    %sign3A_46 = arith.cmpi sgt, %jit3A_38, %sign3A_45 : i32
    %sign3A_47 = arith.extui %sign3A_46 : i1 to i32
    %sign3A_48 = arith.constant 0 : i32
    %sign3A_49 = arith.cmpi slt, %jit3A_38, %sign3A_48 : i32
    %sign3A_50 = arith.extui %sign3A_49 : i1 to i32
    %sign3A_51 = arith.subi %sign3A_47, %sign3A_50 : i32
    %ne3A = arith.cmpi ne, %sign3A_44, %sign3A_51 : i32
    %rem3A = arith.remsi %select_n3A_8, %jit3A_38 : i32
    %ne3A_52 = arith.constant 0 : i32
    %ne3A_53 = arith.cmpi ne, %rem3A, %ne3A_52 : i32
    %and3A = arith.andi %ne3A, %ne3A_53 : i1
    %sub3A = arith.constant 1 : i32
    %sub3A_54 = arith.subi %div3A, %sub3A : i32
    %select_n3A_55 = arith.select %and3A, %sub3A_54, %div3A : i32
    %while3A = arith.constant 0 : i32
    %while3A_56 = arith.constant 0 : i32
    %while3A_57 = arith.subi %select_n3A_55, %while3A_56 : i32
    %while3A_58 = arith.addi %while3A_56, %while3A_57 : i32
    %while3A_59 = arith.constant 1 : i32
    %while3A_60 = arith.divsi %while3A_57, %while3A_59 : i32
    %while3A_61 = arith.muli %while3A_60, %while3A_59 : i32
    %while3A_62 = arith.addi %while3A_56, %while3A_61 : i32
    %while3A_63 = arith.constant 1 : i32
    scf.for %while3A_70 = %while3A_56 to %while3A_62 step %while3A_63  : i32 {
      %mul3A_71 = arith.constant 2 : i32
      %mul3A_72 = arith.muli %mul3A_71, %while3A_70 : i32
      %add3A_73 = arith.constant 1 : i32
      %add3A_74 = arith.addi %mul3A_72, %add3A_73 : i32
      %dma_start3A_75 = arith.constant 0 : i32
      %dma_start3A_76 = tpu.memref_slice %arg7[%add3A_74, %dma_start3A_75] : memref<80x128xi32, #tpu.memory_space<vmem>> -> memref<1x128xi32, #tpu.memory_space<vmem>>
      %dma_start3A_77 = tpu.memref_squeeze %dma_start3A_76 : memref<1x128xi32, #tpu.memory_space<vmem>> -> memref<128xi32, #tpu.memory_space<vmem>>
      %dma_start3A_78 = arith.constant 0 : i32
      %dma_start3A_79 = arith.constant 0 : i32
      %dma_start3A_80 = tpu.memref_slice %arg2[%dma_start3A_78, %dma_start3A_79] : memref<10000x128xf32, #tpu.memory_space<hbm>> -> memref<10000x128xf32, #tpu.memory_space<hbm>>
      tpu.enqueue_indirect_dma source(%dma_start3A_80 : memref<10000x128xf32, #tpu.memory_space<hbm>>) target(%arg10 : memref<128x128xf32, #tpu.memory_space<vmem>>) offsets(%dma_start3A_77 : memref<128xi32, #tpu.memory_space<vmem>>) semaphore(%arg13 : memref<!tpu.dma_semaphore, #tpu.memory_space<semaphore_mem>>)
      %add3A_81 = arith.addi %select_n3A, %mul3A_72 : i32
      %add3A_82 = arith.constant 1 : i32
      %add3A_83 = arith.addi %add3A_81, %add3A_82 : i32
      %dma_start3A_84 = arith.constant 1 : i32
      %dma_start3A_85 = arith.constant 0 : i32
      %dma_start3A_86 = tpu.memref_slice %arg8[%dma_start3A_84, %dma_start3A_85] : memref<2x128xi32, #tpu.memory_space<vmem>> -> memref<1x128xi32, #tpu.memory_space<vmem>>
      %dma_start3A_87 = tpu.memref_squeeze %dma_start3A_86 : memref<1x128xi32, #tpu.memory_space<vmem>> -> memref<128xi32, #tpu.memory_space<vmem>>
      %dma_start3A_88 = arith.constant 0 : i32
      %dma_start3A_89 = tpu.memref_slice %arg4[%add3A_83, %dma_start3A_88] : memref<2560x128xi32, #tpu.memory_space<hbm>> -> memref<1x128xi32, #tpu.memory_space<hbm>>
      %dma_start3A_90 = tpu.memref_squeeze %dma_start3A_89 : memref<1x128xi32, #tpu.memory_space<hbm>> -> memref<128xi32, #tpu.memory_space<hbm>>
      %dma_start3A_91 = arith.constant 0 : i32
      %dma_start3A_92 = tpu.memref_slice %arg8[%dma_start3A_84, %dma_start3A_91] : memref<2x128xi32, #tpu.memory_space<vmem>> -> memref<1x128xi32, #tpu.memory_space<vmem>>
      %dma_start3A_93 = tpu.memref_squeeze %dma_start3A_92 : memref<1x128xi32, #tpu.memory_space<vmem>> -> memref<128xi32, #tpu.memory_space<vmem>>
      %dma_start3A_94 = arith.constant 0 : i32
      %dma_start3A_95 = tpu.memref_slice %arg4[%add3A_83, %dma_start3A_94] : memref<2560x128xi32, #tpu.memory_space<hbm>> -> memref<1x128xi32, #tpu.memory_space<hbm>>
      %dma_start3A_96 = tpu.memref_squeeze %dma_start3A_95 : memref<1x128xi32, #tpu.memory_space<hbm>> -> memref<128xi32, #tpu.memory_space<hbm>>
      tpu.enqueue_dma source(%dma_start3A_96 : memref<128xi32, #tpu.memory_space<hbm>>) target(%dma_start3A_93 : memref<128xi32, #tpu.memory_space<vmem>>) target_semaphore(%arg15 : memref<!tpu.dma_semaphore, #tpu.memory_space<semaphore_mem>>)
      %dma_wait3A = arith.constant 0 : i32
      %dma_wait3A_97 = tpu.memref_slice %arg7[%mul3A_72, %dma_wait3A] : memref<80x128xi32, #tpu.memory_space<vmem>> -> memref<1x128xi32, #tpu.memory_space<vmem>>
      %dma_wait3A_98 = tpu.memref_squeeze %dma_wait3A_97 : memref<1x128xi32, #tpu.memory_space<vmem>> -> memref<128xi32, #tpu.memory_space<vmem>>
      %dma_wait3A_99 = arith.constant 0 : i32
      %dma_wait3A_100 = arith.constant 0 : i32
      %dma_wait3A_101 = tpu.memref_slice %arg2[%dma_wait3A_99, %dma_wait3A_100] : memref<10000x128xf32, #tpu.memory_space<hbm>> -> memref<10000x128xf32, #tpu.memory_space<hbm>>
      tpu.wait_indirect_dma semaphore(%arg12 : memref<!tpu.dma_semaphore, #tpu.memory_space<semaphore_mem>>) src(%dma_wait3A_101 : memref<10000x128xf32, #tpu.memory_space<hbm>>) dst(%arg9 : memref<128x128xf32, #tpu.memory_space<vmem>>)
      %add3A_102 = arith.addi %select_n3A, %mul3A_72 : i32
      %dma_wait3A_103 = arith.constant 0 : i32
      %dma_wait3A_104 = arith.constant 0 : i32
      %dma_wait3A_105 = tpu.memref_slice %arg8[%dma_wait3A_103, %dma_wait3A_104] : memref<2x128xi32, #tpu.memory_space<vmem>> -> memref<1x128xi32, #tpu.memory_space<vmem>>
      %dma_wait3A_106 = tpu.memref_squeeze %dma_wait3A_105 : memref<1x128xi32, #tpu.memory_space<vmem>> -> memref<128xi32, #tpu.memory_space<vmem>>
      %dma_wait3A_107 = arith.constant 0 : i32
      %dma_wait3A_108 = tpu.memref_slice %arg4[%add3A_102, %dma_wait3A_107] : memref<2560x128xi32, #tpu.memory_space<hbm>> -> memref<1x128xi32, #tpu.memory_space<hbm>>
      %dma_wait3A_109 = tpu.memref_squeeze %dma_wait3A_108 : memref<1x128xi32, #tpu.memory_space<hbm>> -> memref<128xi32, #tpu.memory_space<hbm>>
      %dma_wait3A_110 = arith.constant 0 : i32
      %dma_wait3A_111 = tpu.memref_slice %arg8[%dma_wait3A_103, %dma_wait3A_110] : memref<2x128xi32, #tpu.memory_space<vmem>> -> memref<1x128xi32, #tpu.memory_space<vmem>>
      %dma_wait3A_112 = tpu.memref_squeeze %dma_wait3A_111 : memref<1x128xi32, #tpu.memory_space<vmem>> -> memref<128xi32, #tpu.memory_space<vmem>>
      %dma_wait3A_113 = arith.constant 0 : i32
      %dma_wait3A_114 = tpu.memref_slice %arg4[%add3A_102, %dma_wait3A_113] : memref<2560x128xi32, #tpu.memory_space<hbm>> -> memref<1x128xi32, #tpu.memory_space<hbm>>
      %dma_wait3A_115 = tpu.memref_squeeze %dma_wait3A_114 : memref<1x128xi32, #tpu.memory_space<hbm>> -> memref<128xi32, #tpu.memory_space<hbm>>
      tpu.wait_dma2 semaphore(%arg14 : memref<!tpu.dma_semaphore, #tpu.memory_space<semaphore_mem>>) src(%dma_wait3A_115 : memref<128xi32, #tpu.memory_space<hbm>>) dst(%dma_wait3A_112 : memref<128xi32, #tpu.memory_space<vmem>>)
      %run_scoped3A = arith.constant 0 : i32
      "tpu.region"() ({
        %run_scoped3A_146 = tpu.sem_alloc : memref<!tpu.dma_semaphore, #tpu.memory_space<semaphore_mem>>
        %dma_start3A_147 = arith.constant 0 : i32
        %dma_start3A_148 = tpu.memref_slice %arg8[%run_scoped3A, %dma_start3A_147] : memref<2x128xi32, #tpu.memory_space<vmem>> -> memref<1x128xi32, #tpu.memory_space<vmem>>
        %dma_start3A_149 = tpu.memref_squeeze %dma_start3A_148 : memref<1x128xi32, #tpu.memory_space<vmem>> -> memref<128xi32, #tpu.memory_space<vmem>>
        %dma_start3A_150 = arith.constant 0 : i32
        %dma_start3A_151 = arith.constant 0 : i32
        %dma_start3A_152 = tpu.memref_slice %arg11[%dma_start3A_150, %dma_start3A_151] : memref<10112x128xf32, #tpu.memory_space<vmem_shared>> -> memref<10112x128xf32, #tpu.memory_space<vmem_shared>>
        tpu.enqueue_indirect_dma source(%arg9 : memref<128x128xf32, #tpu.memory_space<vmem>>) target(%dma_start3A_152 : memref<10112x128xf32, #tpu.memory_space<vmem_shared>>) offsets(%dma_start3A_149 : memref<128xi32, #tpu.memory_space<vmem>>) semaphore(%run_scoped3A_146 : memref<!tpu.dma_semaphore, #tpu.memory_space<semaphore_mem>>) {add = true}
        %dma_wait3A_153 = arith.constant 0 : i32
        %dma_wait3A_154 = tpu.memref_slice %arg8[%run_scoped3A, %dma_wait3A_153] : memref<2x128xi32, #tpu.memory_space<vmem>> -> memref<1x128xi32, #tpu.memory_space<vmem>>
        %dma_wait3A_155 = tpu.memref_squeeze %dma_wait3A_154 : memref<1x128xi32, #tpu.memory_space<vmem>> -> memref<128xi32, #tpu.memory_space<vmem>>
        %dma_wait3A_156 = arith.constant 0 : i32
        %dma_wait3A_157 = arith.constant 0 : i32
        %dma_wait3A_158 = tpu.memref_slice %arg11[%dma_wait3A_156, %dma_wait3A_157] : memref<10112x128xf32, #tpu.memory_space<vmem_shared>> -> memref<10112x128xf32, #tpu.memory_space<vmem_shared>>
        tpu.wait_indirect_dma semaphore(%run_scoped3A_146 : memref<!tpu.dma_semaphore, #tpu.memory_space<semaphore_mem>>) src(%arg9 : memref<128x128xf32, #tpu.memory_space<vmem>>) dst(%dma_wait3A_158 : memref<10112x128xf32, #tpu.memory_space<vmem_shared>>)
        tpu.yield
      }) : () -> ()
      %add3A_116 = arith.constant 2 : i32
      %add3A_117 = arith.addi %mul3A_72, %add3A_116 : i32
      %lt3A = arith.cmpi slt, %add3A_117, %select_n3A_8 : i32
      %convert_element_type3A_118 = arith.extui %lt3A : i1 to i32
      %cond3A_119 = arith.constant 0 : i32
      %cond3A_120 = arith.cmpi ne, %convert_element_type3A_118, %cond3A_119 : i32
      scf.if %cond3A_120 {
        %add3A_146 = arith.constant 2 : i32
        %add3A_147 = arith.addi %mul3A_72, %add3A_146 : i32
        %dma_start3A_148 = arith.constant 0 : i32
        %dma_start3A_149 = tpu.memref_slice %arg7[%add3A_147, %dma_start3A_148] : memref<80x128xi32, #tpu.memory_space<vmem>> -> memref<1x128xi32, #tpu.memory_space<vmem>>
        %dma_start3A_150 = tpu.memref_squeeze %dma_start3A_149 : memref<1x128xi32, #tpu.memory_space<vmem>> -> memref<128xi32, #tpu.memory_space<vmem>>
        %dma_start3A_151 = arith.constant 0 : i32
        %dma_start3A_152 = arith.constant 0 : i32
        %dma_start3A_153 = tpu.memref_slice %arg2[%dma_start3A_151, %dma_start3A_152] : memref<10000x128xf32, #tpu.memory_space<hbm>> -> memref<10000x128xf32, #tpu.memory_space<hbm>>
        tpu.enqueue_indirect_dma source(%dma_start3A_153 : memref<10000x128xf32, #tpu.memory_space<hbm>>) target(%arg9 : memref<128x128xf32, #tpu.memory_space<vmem>>) offsets(%dma_start3A_150 : memref<128xi32, #tpu.memory_space<vmem>>) semaphore(%arg12 : memref<!tpu.dma_semaphore, #tpu.memory_space<semaphore_mem>>)
        %add3A_154 = arith.addi %select_n3A, %mul3A_72 : i32
        %add3A_155 = arith.constant 2 : i32
        %add3A_156 = arith.addi %add3A_154, %add3A_155 : i32
        %dma_start3A_157 = arith.constant 0 : i32
        %dma_start3A_158 = arith.constant 0 : i32
        %dma_start3A_159 = tpu.memref_slice %arg8[%dma_start3A_157, %dma_start3A_158] : memref<2x128xi32, #tpu.memory_space<vmem>> -> memref<1x128xi32, #tpu.memory_space<vmem>>
        %dma_start3A_160 = tpu.memref_squeeze %dma_start3A_159 : memref<1x128xi32, #tpu.memory_space<vmem>> -> memref<128xi32, #tpu.memory_space<vmem>>
        %dma_start3A_161 = arith.constant 0 : i32
        %dma_start3A_162 = tpu.memref_slice %arg4[%add3A_156, %dma_start3A_161] : memref<2560x128xi32, #tpu.memory_space<hbm>> -> memref<1x128xi32, #tpu.memory_space<hbm>>
        %dma_start3A_163 = tpu.memref_squeeze %dma_start3A_162 : memref<1x128xi32, #tpu.memory_space<hbm>> -> memref<128xi32, #tpu.memory_space<hbm>>
        %dma_start3A_164 = arith.constant 0 : i32
        %dma_start3A_165 = tpu.memref_slice %arg8[%dma_start3A_157, %dma_start3A_164] : memref<2x128xi32, #tpu.memory_space<vmem>> -> memref<1x128xi32, #tpu.memory_space<vmem>>
        %dma_start3A_166 = tpu.memref_squeeze %dma_start3A_165 : memref<1x128xi32, #tpu.memory_space<vmem>> -> memref<128xi32, #tpu.memory_space<vmem>>
        %dma_start3A_167 = arith.constant 0 : i32
        %dma_start3A_168 = tpu.memref_slice %arg4[%add3A_156, %dma_start3A_167] : memref<2560x128xi32, #tpu.memory_space<hbm>> -> memref<1x128xi32, #tpu.memory_space<hbm>>
        %dma_start3A_169 = tpu.memref_squeeze %dma_start3A_168 : memref<1x128xi32, #tpu.memory_space<hbm>> -> memref<128xi32, #tpu.memory_space<hbm>>
        tpu.enqueue_dma source(%dma_start3A_169 : memref<128xi32, #tpu.memory_space<hbm>>) target(%dma_start3A_166 : memref<128xi32, #tpu.memory_space<vmem>>) target_semaphore(%arg14 : memref<!tpu.dma_semaphore, #tpu.memory_space<semaphore_mem>>)
      } else {
      }
      %add3A_121 = arith.constant 1 : i32
      %add3A_122 = arith.addi %mul3A_72, %add3A_121 : i32
      %dma_wait3A_123 = arith.constant 0 : i32
      %dma_wait3A_124 = tpu.memref_slice %arg7[%add3A_122, %dma_wait3A_123] : memref<80x128xi32, #tpu.memory_space<vmem>> -> memref<1x128xi32, #tpu.memory_space<vmem>>
      %dma_wait3A_125 = tpu.memref_squeeze %dma_wait3A_124 : memref<1x128xi32, #tpu.memory_space<vmem>> -> memref<128xi32, #tpu.memory_space<vmem>>
      %dma_wait3A_126 = arith.constant 0 : i32
      %dma_wait3A_127 = arith.constant 0 : i32
      %dma_wait3A_128 = tpu.memref_slice %arg2[%dma_wait3A_126, %dma_wait3A_127] : memref<10000x128xf32, #tpu.memory_space<hbm>> -> memref<10000x128xf32, #tpu.memory_space<hbm>>
      tpu.wait_indirect_dma semaphore(%arg13 : memref<!tpu.dma_semaphore, #tpu.memory_space<semaphore_mem>>) src(%dma_wait3A_128 : memref<10000x128xf32, #tpu.memory_space<hbm>>) dst(%arg10 : memref<128x128xf32, #tpu.memory_space<vmem>>)
      %add3A_129 = arith.addi %select_n3A, %mul3A_72 : i32
      %add3A_130 = arith.constant 1 : i32
      %add3A_131 = arith.addi %add3A_129, %add3A_130 : i32
      %dma_wait3A_132 = arith.constant 1 : i32
      %dma_wait3A_133 = arith.constant 0 : i32
      %dma_wait3A_134 = tpu.memref_slice %arg8[%dma_wait3A_132, %dma_wait3A_133] : memref<2x128xi32, #tpu.memory_space<vmem>> -> memref<1x128xi32, #tpu.memory_space<vmem>>
      %dma_wait3A_135 = tpu.memref_squeeze %dma_wait3A_134 : memref<1x128xi32, #tpu.memory_space<vmem>> -> memref<128xi32, #tpu.memory_space<vmem>>
      %dma_wait3A_136 = arith.constant 0 : i32
      %dma_wait3A_137 = tpu.memref_slice %arg4[%add3A_131, %dma_wait3A_136] : memref<2560x128xi32, #tpu.memory_space<hbm>> -> memref<1x128xi32, #tpu.memory_space<hbm>>
      %dma_wait3A_138 = tpu.memref_squeeze %dma_wait3A_137 : memref<1x128xi32, #tpu.memory_space<hbm>> -> memref<128xi32, #tpu.memory_space<hbm>>
      %dma_wait3A_139 = arith.constant 0 : i32
      %dma_wait3A_140 = tpu.memref_slice %arg8[%dma_wait3A_132, %dma_wait3A_139] : memref<2x128xi32, #tpu.memory_space<vmem>> -> memref<1x128xi32, #tpu.memory_space<vmem>>
      %dma_wait3A_141 = tpu.memref_squeeze %dma_wait3A_140 : memref<1x128xi32, #tpu.memory_space<vmem>> -> memref<128xi32, #tpu.memory_space<vmem>>
      %dma_wait3A_142 = arith.constant 0 : i32
      %dma_wait3A_143 = tpu.memref_slice %arg4[%add3A_131, %dma_wait3A_142] : memref<2560x128xi32, #tpu.memory_space<hbm>> -> memref<1x128xi32, #tpu.memory_space<hbm>>
      %dma_wait3A_144 = tpu.memref_squeeze %dma_wait3A_143 : memref<1x128xi32, #tpu.memory_space<hbm>> -> memref<128xi32, #tpu.memory_space<hbm>>
      tpu.wait_dma2 semaphore(%arg15 : memref<!tpu.dma_semaphore, #tpu.memory_space<semaphore_mem>>) src(%dma_wait3A_144 : memref<128xi32, #tpu.memory_space<hbm>>) dst(%dma_wait3A_141 : memref<128xi32, #tpu.memory_space<vmem>>)
      %run_scoped3A_145 = arith.constant 1 : i32
      "tpu.region"() ({
        %run_scoped3A_146 = tpu.sem_alloc : memref<!tpu.dma_semaphore, #tpu.memory_space<semaphore_mem>>
        %dma_start3A_147 = arith.constant 0 : i32
        %dma_start3A_148 = tpu.memref_slice %arg8[%run_scoped3A_145, %dma_start3A_147] : memref<2x128xi32, #tpu.memory_space<vmem>> -> memref<1x128xi32, #tpu.memory_space<vmem>>
        %dma_start3A_149 = tpu.memref_squeeze %dma_start3A_148 : memref<1x128xi32, #tpu.memory_space<vmem>> -> memref<128xi32, #tpu.memory_space<vmem>>
        %dma_start3A_150 = arith.constant 0 : i32
        %dma_start3A_151 = arith.constant 0 : i32
        %dma_start3A_152 = tpu.memref_slice %arg11[%dma_start3A_150, %dma_start3A_151] : memref<10112x128xf32, #tpu.memory_space<vmem_shared>> -> memref<10112x128xf32, #tpu.memory_space<vmem_shared>>
        tpu.enqueue_indirect_dma source(%arg10 : memref<128x128xf32, #tpu.memory_space<vmem>>) target(%dma_start3A_152 : memref<10112x128xf32, #tpu.memory_space<vmem_shared>>) offsets(%dma_start3A_149 : memref<128xi32, #tpu.memory_space<vmem>>) semaphore(%run_scoped3A_146 : memref<!tpu.dma_semaphore, #tpu.memory_space<semaphore_mem>>) {add = true}
        %dma_wait3A_153 = arith.constant 0 : i32
        %dma_wait3A_154 = tpu.memref_slice %arg8[%run_scoped3A_145, %dma_wait3A_153] : memref<2x128xi32, #tpu.memory_space<vmem>> -> memref<1x128xi32, #tpu.memory_space<vmem>>
        %dma_wait3A_155 = tpu.memref_squeeze %dma_wait3A_154 : memref<1x128xi32, #tpu.memory_space<vmem>> -> memref<128xi32, #tpu.memory_space<vmem>>
        %dma_wait3A_156 = arith.constant 0 : i32
        %dma_wait3A_157 = arith.constant 0 : i32
        %dma_wait3A_158 = tpu.memref_slice %arg11[%dma_wait3A_156, %dma_wait3A_157] : memref<10112x128xf32, #tpu.memory_space<vmem_shared>> -> memref<10112x128xf32, #tpu.memory_space<vmem_shared>>
        tpu.wait_indirect_dma semaphore(%run_scoped3A_146 : memref<!tpu.dma_semaphore, #tpu.memory_space<semaphore_mem>>) src(%arg10 : memref<128x128xf32, #tpu.memory_space<vmem>>) dst(%dma_wait3A_158 : memref<10112x128xf32, #tpu.memory_space<vmem_shared>>)
        tpu.yield
      }) : () -> ()
    }
    %while3A_64 = arith.constant 1 : i32
    scf.for %while3A_70 = %while3A_62 to %while3A_58 step %while3A_64  : i32 {
      %mul3A_71 = arith.constant 2 : i32
      %mul3A_72 = arith.muli %mul3A_71, %while3A_70 : i32
      %add3A_73 = arith.constant 1 : i32
      %add3A_74 = arith.addi %mul3A_72, %add3A_73 : i32
      %dma_start3A_75 = arith.constant 0 : i32
      %dma_start3A_76 = tpu.memref_slice %arg7[%add3A_74, %dma_start3A_75] : memref<80x128xi32, #tpu.memory_space<vmem>> -> memref<1x128xi32, #tpu.memory_space<vmem>>
      %dma_start3A_77 = tpu.memref_squeeze %dma_start3A_76 : memref<1x128xi32, #tpu.memory_space<vmem>> -> memref<128xi32, #tpu.memory_space<vmem>>
      %dma_start3A_78 = arith.constant 0 : i32
      %dma_start3A_79 = arith.constant 0 : i32
      %dma_start3A_80 = tpu.memref_slice %arg2[%dma_start3A_78, %dma_start3A_79] : memref<10000x128xf32, #tpu.memory_space<hbm>> -> memref<10000x128xf32, #tpu.memory_space<hbm>>
      tpu.enqueue_indirect_dma source(%dma_start3A_80 : memref<10000x128xf32, #tpu.memory_space<hbm>>) target(%arg10 : memref<128x128xf32, #tpu.memory_space<vmem>>) offsets(%dma_start3A_77 : memref<128xi32, #tpu.memory_space<vmem>>) semaphore(%arg13 : memref<!tpu.dma_semaphore, #tpu.memory_space<semaphore_mem>>)
      %add3A_81 = arith.addi %select_n3A, %mul3A_72 : i32
      %add3A_82 = arith.constant 1 : i32
      %add3A_83 = arith.addi %add3A_81, %add3A_82 : i32
      %dma_start3A_84 = arith.constant 1 : i32
      %dma_start3A_85 = arith.constant 0 : i32
      %dma_start3A_86 = tpu.memref_slice %arg8[%dma_start3A_84, %dma_start3A_85] : memref<2x128xi32, #tpu.memory_space<vmem>> -> memref<1x128xi32, #tpu.memory_space<vmem>>
      %dma_start3A_87 = tpu.memref_squeeze %dma_start3A_86 : memref<1x128xi32, #tpu.memory_space<vmem>> -> memref<128xi32, #tpu.memory_space<vmem>>
      %dma_start3A_88 = arith.constant 0 : i32
      %dma_start3A_89 = tpu.memref_slice %arg4[%add3A_83, %dma_start3A_88] : memref<2560x128xi32, #tpu.memory_space<hbm>> -> memref<1x128xi32, #tpu.memory_space<hbm>>
      %dma_start3A_90 = tpu.memref_squeeze %dma_start3A_89 : memref<1x128xi32, #tpu.memory_space<hbm>> -> memref<128xi32, #tpu.memory_space<hbm>>
      %dma_start3A_91 = arith.constant 0 : i32
      %dma_start3A_92 = tpu.memref_slice %arg8[%dma_start3A_84, %dma_start3A_91] : memref<2x128xi32, #tpu.memory_space<vmem>> -> memref<1x128xi32, #tpu.memory_space<vmem>>
      %dma_start3A_93 = tpu.memref_squeeze %dma_start3A_92 : memref<1x128xi32, #tpu.memory_space<vmem>> -> memref<128xi32, #tpu.memory_space<vmem>>
      %dma_start3A_94 = arith.constant 0 : i32
      %dma_start3A_95 = tpu.memref_slice %arg4[%add3A_83, %dma_start3A_94] : memref<2560x128xi32, #tpu.memory_space<hbm>> -> memref<1x128xi32, #tpu.memory_space<hbm>>
      %dma_start3A_96 = tpu.memref_squeeze %dma_start3A_95 : memref<1x128xi32, #tpu.memory_space<hbm>> -> memref<128xi32, #tpu.memory_space<hbm>>
      tpu.enqueue_dma source(%dma_start3A_96 : memref<128xi32, #tpu.memory_space<hbm>>) target(%dma_start3A_93 : memref<128xi32, #tpu.memory_space<vmem>>) target_semaphore(%arg15 : memref<!tpu.dma_semaphore, #tpu.memory_space<semaphore_mem>>)
      %dma_wait3A = arith.constant 0 : i32
      %dma_wait3A_97 = tpu.memref_slice %arg7[%mul3A_72, %dma_wait3A] : memref<80x128xi32, #tpu.memory_space<vmem>> -> memref<1x128xi32, #tpu.memory_space<vmem>>
      %dma_wait3A_98 = tpu.memref_squeeze %dma_wait3A_97 : memref<1x128xi32, #tpu.memory_space<vmem>> -> memref<128xi32, #tpu.memory_space<vmem>>
      %dma_wait3A_99 = arith.constant 0 : i32
      %dma_wait3A_100 = arith.constant 0 : i32
      %dma_wait3A_101 = tpu.memref_slice %arg2[%dma_wait3A_99, %dma_wait3A_100] : memref<10000x128xf32, #tpu.memory_space<hbm>> -> memref<10000x128xf32, #tpu.memory_space<hbm>>
      tpu.wait_indirect_dma semaphore(%arg12 : memref<!tpu.dma_semaphore, #tpu.memory_space<semaphore_mem>>) src(%dma_wait3A_101 : memref<10000x128xf32, #tpu.memory_space<hbm>>) dst(%arg9 : memref<128x128xf32, #tpu.memory_space<vmem>>)
      %add3A_102 = arith.addi %select_n3A, %mul3A_72 : i32
      %dma_wait3A_103 = arith.constant 0 : i32
      %dma_wait3A_104 = arith.constant 0 : i32
      %dma_wait3A_105 = tpu.memref_slice %arg8[%dma_wait3A_103, %dma_wait3A_104] : memref<2x128xi32, #tpu.memory_space<vmem>> -> memref<1x128xi32, #tpu.memory_space<vmem>>
      %dma_wait3A_106 = tpu.memref_squeeze %dma_wait3A_105 : memref<1x128xi32, #tpu.memory_space<vmem>> -> memref<128xi32, #tpu.memory_space<vmem>>
      %dma_wait3A_107 = arith.constant 0 : i32
      %dma_wait3A_108 = tpu.memref_slice %arg4[%add3A_102, %dma_wait3A_107] : memref<2560x128xi32, #tpu.memory_space<hbm>> -> memref<1x128xi32, #tpu.memory_space<hbm>>
      %dma_wait3A_109 = tpu.memref_squeeze %dma_wait3A_108 : memref<1x128xi32, #tpu.memory_space<hbm>> -> memref<128xi32, #tpu.memory_space<hbm>>
      %dma_wait3A_110 = arith.constant 0 : i32
      %dma_wait3A_111 = tpu.memref_slice %arg8[%dma_wait3A_103, %dma_wait3A_110] : memref<2x128xi32, #tpu.memory_space<vmem>> -> memref<1x128xi32, #tpu.memory_space<vmem>>
      %dma_wait3A_112 = tpu.memref_squeeze %dma_wait3A_111 : memref<1x128xi32, #tpu.memory_space<vmem>> -> memref<128xi32, #tpu.memory_space<vmem>>
      %dma_wait3A_113 = arith.constant 0 : i32
      %dma_wait3A_114 = tpu.memref_slice %arg4[%add3A_102, %dma_wait3A_113] : memref<2560x128xi32, #tpu.memory_space<hbm>> -> memref<1x128xi32, #tpu.memory_space<hbm>>
      %dma_wait3A_115 = tpu.memref_squeeze %dma_wait3A_114 : memref<1x128xi32, #tpu.memory_space<hbm>> -> memref<128xi32, #tpu.memory_space<hbm>>
      tpu.wait_dma2 semaphore(%arg14 : memref<!tpu.dma_semaphore, #tpu.memory_space<semaphore_mem>>) src(%dma_wait3A_115 : memref<128xi32, #tpu.memory_space<hbm>>) dst(%dma_wait3A_112 : memref<128xi32, #tpu.memory_space<vmem>>)
      %run_scoped3A = arith.constant 0 : i32
      "tpu.region"() ({
        %run_scoped3A_146 = tpu.sem_alloc : memref<!tpu.dma_semaphore, #tpu.memory_space<semaphore_mem>>
        %dma_start3A_147 = arith.constant 0 : i32
        %dma_start3A_148 = tpu.memref_slice %arg8[%run_scoped3A, %dma_start3A_147] : memref<2x128xi32, #tpu.memory_space<vmem>> -> memref<1x128xi32, #tpu.memory_space<vmem>>
        %dma_start3A_149 = tpu.memref_squeeze %dma_start3A_148 : memref<1x128xi32, #tpu.memory_space<vmem>> -> memref<128xi32, #tpu.memory_space<vmem>>
        %dma_start3A_150 = arith.constant 0 : i32
        %dma_start3A_151 = arith.constant 0 : i32
        %dma_start3A_152 = tpu.memref_slice %arg11[%dma_start3A_150, %dma_start3A_151] : memref<10112x128xf32, #tpu.memory_space<vmem_shared>> -> memref<10112x128xf32, #tpu.memory_space<vmem_shared>>
        tpu.enqueue_indirect_dma source(%arg9 : memref<128x128xf32, #tpu.memory_space<vmem>>) target(%dma_start3A_152 : memref<10112x128xf32, #tpu.memory_space<vmem_shared>>) offsets(%dma_start3A_149 : memref<128xi32, #tpu.memory_space<vmem>>) semaphore(%run_scoped3A_146 : memref<!tpu.dma_semaphore, #tpu.memory_space<semaphore_mem>>) {add = true}
        %dma_wait3A_153 = arith.constant 0 : i32
        %dma_wait3A_154 = tpu.memref_slice %arg8[%run_scoped3A, %dma_wait3A_153] : memref<2x128xi32, #tpu.memory_space<vmem>> -> memref<1x128xi32, #tpu.memory_space<vmem>>
        %dma_wait3A_155 = tpu.memref_squeeze %dma_wait3A_154 : memref<1x128xi32, #tpu.memory_space<vmem>> -> memref<128xi32, #tpu.memory_space<vmem>>
        %dma_wait3A_156 = arith.constant 0 : i32
        %dma_wait3A_157 = arith.constant 0 : i32
        %dma_wait3A_158 = tpu.memref_slice %arg11[%dma_wait3A_156, %dma_wait3A_157] : memref<10112x128xf32, #tpu.memory_space<vmem_shared>> -> memref<10112x128xf32, #tpu.memory_space<vmem_shared>>
        tpu.wait_indirect_dma semaphore(%run_scoped3A_146 : memref<!tpu.dma_semaphore, #tpu.memory_space<semaphore_mem>>) src(%arg9 : memref<128x128xf32, #tpu.memory_space<vmem>>) dst(%dma_wait3A_158 : memref<10112x128xf32, #tpu.memory_space<vmem_shared>>)
        tpu.yield
      }) : () -> ()
      %add3A_116 = arith.constant 2 : i32
      %add3A_117 = arith.addi %mul3A_72, %add3A_116 : i32
      %lt3A = arith.cmpi slt, %add3A_117, %select_n3A_8 : i32
      %convert_element_type3A_118 = arith.extui %lt3A : i1 to i32
      %cond3A_119 = arith.constant 0 : i32
      %cond3A_120 = arith.cmpi ne, %convert_element_type3A_118, %cond3A_119 : i32
      scf.if %cond3A_120 {
        %add3A_146 = arith.constant 2 : i32
        %add3A_147 = arith.addi %mul3A_72, %add3A_146 : i32
        %dma_start3A_148 = arith.constant 0 : i32
        %dma_start3A_149 = tpu.memref_slice %arg7[%add3A_147, %dma_start3A_148] : memref<80x128xi32, #tpu.memory_space<vmem>> -> memref<1x128xi32, #tpu.memory_space<vmem>>
        %dma_start3A_150 = tpu.memref_squeeze %dma_start3A_149 : memref<1x128xi32, #tpu.memory_space<vmem>> -> memref<128xi32, #tpu.memory_space<vmem>>
        %dma_start3A_151 = arith.constant 0 : i32
        %dma_start3A_152 = arith.constant 0 : i32
        %dma_start3A_153 = tpu.memref_slice %arg2[%dma_start3A_151, %dma_start3A_152] : memref<10000x128xf32, #tpu.memory_space<hbm>> -> memref<10000x128xf32, #tpu.memory_space<hbm>>
        tpu.enqueue_indirect_dma source(%dma_start3A_153 : memref<10000x128xf32, #tpu.memory_space<hbm>>) target(%arg9 : memref<128x128xf32, #tpu.memory_space<vmem>>) offsets(%dma_start3A_150 : memref<128xi32, #tpu.memory_space<vmem>>) semaphore(%arg12 : memref<!tpu.dma_semaphore, #tpu.memory_space<semaphore_mem>>)
        %add3A_154 = arith.addi %select_n3A, %mul3A_72 : i32
        %add3A_155 = arith.constant 2 : i32
        %add3A_156 = arith.addi %add3A_154, %add3A_155 : i32
        %dma_start3A_157 = arith.constant 0 : i32
        %dma_start3A_158 = arith.constant 0 : i32
        %dma_start3A_159 = tpu.memref_slice %arg8[%dma_start3A_157, %dma_start3A_158] : memref<2x128xi32, #tpu.memory_space<vmem>> -> memref<1x128xi32, #tpu.memory_space<vmem>>
        %dma_start3A_160 = tpu.memref_squeeze %dma_start3A_159 : memref<1x128xi32, #tpu.memory_space<vmem>> -> memref<128xi32, #tpu.memory_space<vmem>>
        %dma_start3A_161 = arith.constant 0 : i32
        %dma_start3A_162 = tpu.memref_slice %arg4[%add3A_156, %dma_start3A_161] : memref<2560x128xi32, #tpu.memory_space<hbm>> -> memref<1x128xi32, #tpu.memory_space<hbm>>
        %dma_start3A_163 = tpu.memref_squeeze %dma_start3A_162 : memref<1x128xi32, #tpu.memory_space<hbm>> -> memref<128xi32, #tpu.memory_space<hbm>>
        %dma_start3A_164 = arith.constant 0 : i32
        %dma_start3A_165 = tpu.memref_slice %arg8[%dma_start3A_157, %dma_start3A_164] : memref<2x128xi32, #tpu.memory_space<vmem>> -> memref<1x128xi32, #tpu.memory_space<vmem>>
        %dma_start3A_166 = tpu.memref_squeeze %dma_start3A_165 : memref<1x128xi32, #tpu.memory_space<vmem>> -> memref<128xi32, #tpu.memory_space<vmem>>
        %dma_start3A_167 = arith.constant 0 : i32
        %dma_start3A_168 = tpu.memref_slice %arg4[%add3A_156, %dma_start3A_167] : memref<2560x128xi32, #tpu.memory_space<hbm>> -> memref<1x128xi32, #tpu.memory_space<hbm>>
        %dma_start3A_169 = tpu.memref_squeeze %dma_start3A_168 : memref<1x128xi32, #tpu.memory_space<hbm>> -> memref<128xi32, #tpu.memory_space<hbm>>
        tpu.enqueue_dma source(%dma_start3A_169 : memref<128xi32, #tpu.memory_space<hbm>>) target(%dma_start3A_166 : memref<128xi32, #tpu.memory_space<vmem>>) target_semaphore(%arg14 : memref<!tpu.dma_semaphore, #tpu.memory_space<semaphore_mem>>)
      } else {
      }
      %add3A_121 = arith.constant 1 : i32
      %add3A_122 = arith.addi %mul3A_72, %add3A_121 : i32
      %dma_wait3A_123 = arith.constant 0 : i32
      %dma_wait3A_124 = tpu.memref_slice %arg7[%add3A_122, %dma_wait3A_123] : memref<80x128xi32, #tpu.memory_space<vmem>> -> memref<1x128xi32, #tpu.memory_space<vmem>>
      %dma_wait3A_125 = tpu.memref_squeeze %dma_wait3A_124 : memref<1x128xi32, #tpu.memory_space<vmem>> -> memref<128xi32, #tpu.memory_space<vmem>>
      %dma_wait3A_126 = arith.constant 0 : i32
      %dma_wait3A_127 = arith.constant 0 : i32
      %dma_wait3A_128 = tpu.memref_slice %arg2[%dma_wait3A_126, %dma_wait3A_127] : memref<10000x128xf32, #tpu.memory_space<hbm>> -> memref<10000x128xf32, #tpu.memory_space<hbm>>
      tpu.wait_indirect_dma semaphore(%arg13 : memref<!tpu.dma_semaphore, #tpu.memory_space<semaphore_mem>>) src(%dma_wait3A_128 : memref<10000x128xf32, #tpu.memory_space<hbm>>) dst(%arg10 : memref<128x128xf32, #tpu.memory_space<vmem>>)
      %add3A_129 = arith.addi %select_n3A, %mul3A_72 : i32
      %add3A_130 = arith.constant 1 : i32
      %add3A_131 = arith.addi %add3A_129, %add3A_130 : i32
      %dma_wait3A_132 = arith.constant 1 : i32
      %dma_wait3A_133 = arith.constant 0 : i32
      %dma_wait3A_134 = tpu.memref_slice %arg8[%dma_wait3A_132, %dma_wait3A_133] : memref<2x128xi32, #tpu.memory_space<vmem>> -> memref<1x128xi32, #tpu.memory_space<vmem>>
      %dma_wait3A_135 = tpu.memref_squeeze %dma_wait3A_134 : memref<1x128xi32, #tpu.memory_space<vmem>> -> memref<128xi32, #tpu.memory_space<vmem>>
      %dma_wait3A_136 = arith.constant 0 : i32
      %dma_wait3A_137 = tpu.memref_slice %arg4[%add3A_131, %dma_wait3A_136] : memref<2560x128xi32, #tpu.memory_space<hbm>> -> memref<1x128xi32, #tpu.memory_space<hbm>>
      %dma_wait3A_138 = tpu.memref_squeeze %dma_wait3A_137 : memref<1x128xi32, #tpu.memory_space<hbm>> -> memref<128xi32, #tpu.memory_space<hbm>>
      %dma_wait3A_139 = arith.constant 0 : i32
      %dma_wait3A_140 = tpu.memref_slice %arg8[%dma_wait3A_132, %dma_wait3A_139] : memref<2x128xi32, #tpu.memory_space<vmem>> -> memref<1x128xi32, #tpu.memory_space<vmem>>
      %dma_wait3A_141 = tpu.memref_squeeze %dma_wait3A_140 : memref<1x128xi32, #tpu.memory_space<vmem>> -> memref<128xi32, #tpu.memory_space<vmem>>
      %dma_wait3A_142 = arith.constant 0 : i32
      %dma_wait3A_143 = tpu.memref_slice %arg4[%add3A_131, %dma_wait3A_142] : memref<2560x128xi32, #tpu.memory_space<hbm>> -> memref<1x128xi32, #tpu.memory_space<hbm>>
      %dma_wait3A_144 = tpu.memref_squeeze %dma_wait3A_143 : memref<1x128xi32, #tpu.memory_space<hbm>> -> memref<128xi32, #tpu.memory_space<hbm>>
      tpu.wait_dma2 semaphore(%arg15 : memref<!tpu.dma_semaphore, #tpu.memory_space<semaphore_mem>>) src(%dma_wait3A_144 : memref<128xi32, #tpu.memory_space<hbm>>) dst(%dma_wait3A_141 : memref<128xi32, #tpu.memory_space<vmem>>)
      %run_scoped3A_145 = arith.constant 1 : i32
      "tpu.region"() ({
        %run_scoped3A_146 = tpu.sem_alloc : memref<!tpu.dma_semaphore, #tpu.memory_space<semaphore_mem>>
        %dma_start3A_147 = arith.constant 0 : i32
        %dma_start3A_148 = tpu.memref_slice %arg8[%run_scoped3A_145, %dma_start3A_147] : memref<2x128xi32, #tpu.memory_space<vmem>> -> memref<1x128xi32, #tpu.memory_space<vmem>>
        %dma_start3A_149 = tpu.memref_squeeze %dma_start3A_148 : memref<1x128xi32, #tpu.memory_space<vmem>> -> memref<128xi32, #tpu.memory_space<vmem>>
        %dma_start3A_150 = arith.constant 0 : i32
        %dma_start3A_151 = arith.constant 0 : i32
        %dma_start3A_152 = tpu.memref_slice %arg11[%dma_start3A_150, %dma_start3A_151] : memref<10112x128xf32, #tpu.memory_space<vmem_shared>> -> memref<10112x128xf32, #tpu.memory_space<vmem_shared>>
        tpu.enqueue_indirect_dma source(%arg10 : memref<128x128xf32, #tpu.memory_space<vmem>>) target(%dma_start3A_152 : memref<10112x128xf32, #tpu.memory_space<vmem_shared>>) offsets(%dma_start3A_149 : memref<128xi32, #tpu.memory_space<vmem>>) semaphore(%run_scoped3A_146 : memref<!tpu.dma_semaphore, #tpu.memory_space<semaphore_mem>>) {add = true}
        %dma_wait3A_153 = arith.constant 0 : i32
        %dma_wait3A_154 = tpu.memref_slice %arg8[%run_scoped3A_145, %dma_wait3A_153] : memref<2x128xi32, #tpu.memory_space<vmem>> -> memref<1x128xi32, #tpu.memory_space<vmem>>
        %dma_wait3A_155 = tpu.memref_squeeze %dma_wait3A_154 : memref<1x128xi32, #tpu.memory_space<vmem>> -> memref<128xi32, #tpu.memory_space<vmem>>
        %dma_wait3A_156 = arith.constant 0 : i32
        %dma_wait3A_157 = arith.constant 0 : i32
        %dma_wait3A_158 = tpu.memref_slice %arg11[%dma_wait3A_156, %dma_wait3A_157] : memref<10112x128xf32, #tpu.memory_space<vmem_shared>> -> memref<10112x128xf32, #tpu.memory_space<vmem_shared>>
        tpu.wait_indirect_dma semaphore(%run_scoped3A_146 : memref<!tpu.dma_semaphore, #tpu.memory_space<semaphore_mem>>) src(%arg10 : memref<128x128xf32, #tpu.memory_space<vmem>>) dst(%dma_wait3A_158 : memref<10112x128xf32, #tpu.memory_space<vmem_shared>>)
        tpu.yield
      }) : () -> ()
    }
    %barrier3A_65 = arith.constant 0 : index
    tpu.barrier barrier_id(%barrier3A_65)
    %mul3A_66 = arith.constant 632 : i32
    %mul3A_67 = arith.muli %arg1, %mul3A_66 : i32
    %mul3A_68 = arith.constant 632 : i32
    %mul3A_69 = arith.muli %arg1, %mul3A_68 : i32
    "tpu.region"() ({
      %run_scoped3A = tpu.sem_alloc : memref<!tpu.dma_semaphore, #tpu.memory_space<semaphore_mem>>
      %dma_start3A_70 = arith.constant 0 : i32
      %dma_start3A_71 = tpu.memref_slice %arg6[%arg0, %mul3A_69, %dma_start3A_70] : memref<2x10112x128xf32, #tpu.memory_space<hbm>> -> memref<1x632x128xf32, #tpu.memory_space<hbm>>
      %dma_start3A_72 = tpu.memref_squeeze %dma_start3A_71 : memref<1x632x128xf32, #tpu.memory_space<hbm>> -> memref<632x128xf32, #tpu.memory_space<hbm>>
      %dma_start3A_73 = arith.constant 0 : i32
      %dma_start3A_74 = tpu.memref_slice %arg11[%mul3A_67, %dma_start3A_73] : memref<10112x128xf32, #tpu.memory_space<vmem_shared>> -> memref<632x128xf32, #tpu.memory_space<vmem_shared>>
      tpu.enqueue_dma source(%dma_start3A_74 : memref<632x128xf32, #tpu.memory_space<vmem_shared>>) target(%dma_start3A_72 : memref<632x128xf32, #tpu.memory_space<hbm>>) target_semaphore(%run_scoped3A : memref<!tpu.dma_semaphore, #tpu.memory_space<semaphore_mem>>)
      %dma_wait3A = arith.constant 0 : i32
      %dma_wait3A_75 = tpu.memref_slice %arg6[%arg0, %mul3A_69, %dma_wait3A] : memref<2x10112x128xf32, #tpu.memory_space<hbm>> -> memref<1x632x128xf32, #tpu.memory_space<hbm>>
      %dma_wait3A_76 = tpu.memref_squeeze %dma_wait3A_75 : memref<1x632x128xf32, #tpu.memory_space<hbm>> -> memref<632x128xf32, #tpu.memory_space<hbm>>
      %dma_wait3A_77 = arith.constant 0 : i32
      %dma_wait3A_78 = tpu.memref_slice %arg11[%mul3A_67, %dma_wait3A_77] : memref<10112x128xf32, #tpu.memory_space<vmem_shared>> -> memref<632x128xf32, #tpu.memory_space<vmem_shared>>
      tpu.wait_dma2 semaphore(%run_scoped3A : memref<!tpu.dma_semaphore, #tpu.memory_space<semaphore_mem>>) src(%dma_wait3A_78 : memref<632x128xf32, #tpu.memory_space<vmem_shared>>) dst(%dma_wait3A_76 : memref<632x128xf32, #tpu.memory_space<hbm>>)
      tpu.yield
    }) : () -> ()
    return
  }
}

module attributes {stable_mosaic.version = 14 : i64} {
  func.func @_l1_body(%arg0: i32, %arg1: memref<7xf32, #tpu.memory_space<smem>>, %arg2: memref<1000x128xf32, #tpu.memory_space<vmem>>, %arg3: memref<128x128xf32, #tpu.memory_space<vmem>>, %arg4: memref<1x128xf32, #tpu.memory_space<vmem>>, %arg5: memref<1000x1xf32, #tpu.memory_space<vmem>>, %arg6: memref<1000x1xf32, #tpu.memory_space<vmem>>, %arg7: memref<1000x128xf32, #tpu.memory_space<vmem>>, %arg8: memref<1000x128xf32, #tpu.memory_space<vmem>>) attributes {dimension_semantics = [#tpu.dimension_semantics<arbitrary>], iteration_bounds = array<i64: 10>, scalar_prefetch = 0 : i64, scratch_operands = 0 : i64, tpu.core_type = #tpu.core_type<tc>, window_params = [{transform_indices = @transform_0, window_bounds = array<i64: 7>}, {transform_indices = @transform_1, window_bounds = array<i64: 1000, 128>}, {pipeline_mode = #tpu.pipeline_mode<synchronous>, transform_indices = @transform_2, window_bounds = array<i64: 128, 128>}, {pipeline_mode = #tpu.pipeline_mode<synchronous>, transform_indices = @transform_3, window_bounds = array<i64: 1, 128>}, {transform_indices = @transform_4, window_bounds = array<i64: 1000, 1>}, {transform_indices = @transform_5, window_bounds = array<i64: 1000, 1>}, {transform_indices = @transform_6, window_bounds = array<i64: 1000, 128>}, {transform_indices = @transform_7, window_bounds = array<i64: 1000, 128>}]} {
    %get3A = arith.constant 0 : index
    %get3A_0 = arith.constant 0 : index
    %get3A_1 = vector.load %arg2[%get3A, %get3A_0] : memref<1000x128xf32, #tpu.memory_space<vmem>>, vector<1000x128xf32>
    %get3A_2 = arith.constant 0 : index
    %get3A_3 = arith.constant 0 : index
    %get3A_4 = vector.load %arg3[%get3A_2, %get3A_3] : memref<128x128xf32, #tpu.memory_space<vmem>>, vector<128x128xf32>
    %dot_general3A = arith.constant dense<0.000000e+00> : vector<1000x128xf32>
    %dot_general3A_5 = tpu.matmul %get3A_1, %get3A_4, %dot_general3A {dimension_numbers = #tpu.dot_dimension_numbers<[1], [0], [0], [1], [0, 0, 1, 1], [], []>, transpose_lhs_hint = false} : vector<1000x128xf32>, vector<128x128xf32>, vector<1000x128xf32> -> vector<1000x128xf32>
    %get3A_6 = arith.constant 0 : index
    %get3A_7 = arith.constant 0 : index
    %get3A_8 = vector.load %arg4[%get3A_6, %get3A_7] : memref<1x128xf32, #tpu.memory_space<vmem>>, vector<1x128xf32>
    %add3A = vector.broadcast %get3A_8 : vector<1x128xf32> to vector<1000x128xf32>
    %add3A_9 = arith.addf %dot_general3A_5, %add3A : vector<1000x128xf32>
    %get3A_10 = arith.constant 6 : index
    %get3A_11 = memref.load %arg1[%get3A_10] : memref<7xf32, #tpu.memory_space<smem>>
    %get3A_12 = arith.constant 0 : index
    %get3A_13 = arith.constant 0 : index
    %get3A_14 = vector.load %arg5[%get3A_12, %get3A_13] : memref<1000x1xf32, #tpu.memory_space<vmem>>, vector<1000x1xf32>
    %get3A_15 = arith.constant 0 : index
    %get3A_16 = arith.constant 0 : index
    %get3A_17 = vector.load %arg6[%get3A_15, %get3A_16] : memref<1000x1xf32, #tpu.memory_space<vmem>>, vector<1000x1xf32>
    %add3A_18 = arith.addf %get3A_14, %get3A_17 : vector<1000x1xf32>
    %add3A_19 = vector.broadcast %get3A_11 : f32 to vector<1000x1xf32>
    %add3A_20 = arith.addf %add3A_18, %add3A_19 : vector<1000x1xf32>
    %swap3A = arith.constant 0 : index
    %swap3A_21 = arith.constant 0 : index
    %swap3A_22 = vector.load %arg7[%swap3A, %swap3A_21] : memref<1000x128xf32, #tpu.memory_space<vmem>>, vector<1000x128xf32>
    tpu.vector_store %arg7[%swap3A, %swap3A_21], %add3A_9 {strides = array<i32>} : memref<1000x128xf32, #tpu.memory_space<vmem>>, vector<1000x128xf32>,
    %get3A_23 = arith.constant 5 : index
    %get3A_24 = memref.load %arg1[%get3A_23] : memref<7xf32, #tpu.memory_space<smem>>
    %gt3A = arith.constant 0.000000e+00 : f32
    %gt3A_25 = vector.broadcast %gt3A : f32 to vector<1000x1xf32>
    %gt3A_26 = arith.cmpf ogt, %add3A_20, %gt3A_25 : vector<1000x1xf32>
    %max3A = arith.constant 9.99999996E-13 : f32
    %max3A_27 = vector.broadcast %max3A : f32 to vector<1000x1xf32>
    %max3A_28 = arith.maximumf %add3A_20, %max3A_27 : vector<1000x1xf32>
    %log3A = math.log %max3A_28 : vector<1000x1xf32>
    %mul3A = vector.broadcast %get3A_24 : f32 to vector<1000x1xf32>
    %mul3A_29 = arith.mulf %mul3A, %log3A : vector<1000x1xf32>
    %exp3A = math.exp %mul3A_29 : vector<1000x1xf32>
    %jit3A = arith.constant 0.000000e+00 : f32
    %broadcast_in_dim3A = vector.broadcast %jit3A : f32 to vector<1000x1xf32>
    %select_n3A = arith.select %gt3A_26, %exp3A, %broadcast_in_dim3A : vector<1000x1xi1>, vector<1000x1xf32>
    %mul3A_30 = vector.broadcast %select_n3A : vector<1000x1xf32> to vector<1000x128xf32>
    %mul3A_31 = arith.mulf %add3A_9, %mul3A_30 : vector<1000x128xf32>
    %swap3A_32 = arith.constant 0 : index
    %swap3A_33 = arith.constant 0 : index
    %swap3A_34 = vector.load %arg8[%swap3A_32, %swap3A_33] : memref<1000x128xf32, #tpu.memory_space<vmem>>, vector<1000x128xf32>
    tpu.vector_store %arg8[%swap3A_32, %swap3A_33], %mul3A_31 {strides = array<i32>} : memref<1000x128xf32, #tpu.memory_space<vmem>>, vector<1000x128xf32>,
    return
  }
  func.func @transform_0(%arg0: i32) -> i32 {
    %c0_i32 = arith.constant 0 : i32
    %c0_i32_0 = arith.constant 0 : i32
    return %c0_i32 : i32
  }
  func.func @transform_1(%arg0: i32) -> (i32, i32) {
    %c0_i32 = arith.constant 0 : i32
    %c0_i32_0 = arith.constant 0 : i32
    return %arg0, %c0_i32 : i32, i32
  }
  func.func @transform_2(%arg0: i32) -> (i32, i32) {
    %c0_i32 = arith.constant 0 : i32
    %c0_i32_0 = arith.constant 0 : i32
    %c0_i32_1 = arith.constant 0 : i32
    return %c0_i32, %c0_i32_0 : i32, i32
  }
  func.func @transform_3(%arg0: i32) -> (i32, i32) {
    %c0_i32 = arith.constant 0 : i32
    %c0_i32_0 = arith.constant 0 : i32
    %c0_i32_1 = arith.constant 0 : i32
    return %c0_i32, %c0_i32_0 : i32, i32
  }
  func.func @transform_4(%arg0: i32) -> (i32, i32) {
    %c0_i32 = arith.constant 0 : i32
    %c0_i32_0 = arith.constant 0 : i32
    return %arg0, %c0_i32 : i32, i32
  }
  func.func @transform_5(%arg0: i32) -> (i32, i32) {
    %c0_i32 = arith.constant 0 : i32
    %c0_i32_0 = arith.constant 0 : i32
    return %arg0, %c0_i32 : i32, i32
  }
  func.func @transform_6(%arg0: i32) -> (i32, i32) {
    %c0_i32 = arith.constant 0 : i32
    %c0_i32_0 = arith.constant 0 : i32
    return %arg0, %c0_i32 : i32, i32
  }
  func.func @transform_7(%arg0: i32) -> (i32, i32) {
    %c0_i32 = arith.constant 0 : i32
    %c0_i32_0 = arith.constant 0 : i32
    return %arg0, %c0_i32 : i32, i32
  }
}

module attributes {stable_mosaic.version = 14 : i64} {
  func.func @_mid_body(%arg0: i32, %arg1: memref<7xf32, #tpu.memory_space<smem>>, %arg2: memref<7xf32, #tpu.memory_space<smem>>, %arg3: memref<1000x128xf32, #tpu.memory_space<vmem>>, %arg4: memref<1000x128xf32, #tpu.memory_space<vmem>>, %arg5: memref<1000x128xf32, #tpu.memory_space<vmem>>, %arg6: memref<1000x128xf32, #tpu.memory_space<vmem>>, %arg7: memref<1000x1xf32, #tpu.memory_space<vmem>>, %arg8: memref<1000x1xf32, #tpu.memory_space<vmem>>, %arg9: memref<128x128xf32, #tpu.memory_space<vmem>>, %arg10: memref<1x128xf32, #tpu.memory_space<vmem>>, %arg11: memref<1000x128xf32, #tpu.memory_space<vmem>>, %arg12: memref<1000x128xf32, #tpu.memory_space<vmem>>) attributes {dimension_semantics = [#tpu.dimension_semantics<arbitrary>], iteration_bounds = array<i64: 10>, scalar_prefetch = 0 : i64, scratch_operands = 0 : i64, tpu.core_type = #tpu.core_type<tc>, window_params = [{transform_indices = @transform_0, window_bounds = array<i64: 7>}, {transform_indices = @transform_1, window_bounds = array<i64: 7>}, {transform_indices = @transform_2, window_bounds = array<i64: 1000, 128>}, {transform_indices = @transform_3, window_bounds = array<i64: 1000, 128>}, {transform_indices = @transform_4, window_bounds = array<i64: 1000, 128>}, {transform_indices = @transform_5, window_bounds = array<i64: 1000, 128>}, {transform_indices = @transform_6, window_bounds = array<i64: 1000, 1>}, {transform_indices = @transform_7, window_bounds = array<i64: 1000, 1>}, {pipeline_mode = #tpu.pipeline_mode<synchronous>, transform_indices = @transform_8, window_bounds = array<i64: 128, 128>}, {pipeline_mode = #tpu.pipeline_mode<synchronous>, transform_indices = @transform_9, window_bounds = array<i64: 1, 128>}, {transform_indices = @transform_10, window_bounds = array<i64: 1000, 128>}, {transform_indices = @transform_11, window_bounds = array<i64: 1000, 128>}]} {
    %get3A = arith.constant 0 : index
    %get3A_0 = memref.load %arg1[%get3A] : memref<7xf32, #tpu.memory_space<smem>>
    %get3A_1 = arith.constant 1 : index
    %get3A_2 = memref.load %arg1[%get3A_1] : memref<7xf32, #tpu.memory_space<smem>>
    %get3A_3 = arith.constant 2 : index
    %get3A_4 = memref.load %arg1[%get3A_3] : memref<7xf32, #tpu.memory_space<smem>>
    %get3A_5 = arith.constant 3 : index
    %get3A_6 = memref.load %arg1[%get3A_5] : memref<7xf32, #tpu.memory_space<smem>>
    %get3A_7 = arith.constant 4 : index
    %get3A_8 = memref.load %arg1[%get3A_7] : memref<7xf32, #tpu.memory_space<smem>>
    %get3A_9 = arith.constant 6 : index
    %get3A_10 = memref.load %arg1[%get3A_9] : memref<7xf32, #tpu.memory_space<smem>>
    %get3A_11 = arith.constant 0 : index
    %get3A_12 = arith.constant 0 : index
    %get3A_13 = vector.load %arg7[%get3A_11, %get3A_12] : memref<1000x1xf32, #tpu.memory_space<vmem>>, vector<1000x1xf32>
    %get3A_14 = arith.constant 0 : index
    %get3A_15 = arith.constant 0 : index
    %get3A_16 = vector.load %arg8[%get3A_14, %get3A_15] : memref<1000x1xf32, #tpu.memory_space<vmem>>, vector<1000x1xf32>
    %add3A = arith.addf %get3A_13, %get3A_16 : vector<1000x1xf32>
    %add3A_17 = vector.broadcast %get3A_10 : f32 to vector<1000x1xf32>
    %add3A_18 = arith.addf %add3A, %add3A_17 : vector<1000x1xf32>
    %get3A_19 = arith.constant 0 : index
    %get3A_20 = arith.constant 0 : index
    %get3A_21 = vector.load %arg3[%get3A_19, %get3A_20] : memref<1000x128xf32, #tpu.memory_space<vmem>>, vector<1000x128xf32>
    %get3A_22 = arith.constant 0 : index
    %get3A_23 = arith.constant 0 : index
    %get3A_24 = vector.load %arg5[%get3A_22, %get3A_23] : memref<1000x128xf32, #tpu.memory_space<vmem>>, vector<1000x128xf32>
    %get3A_25 = arith.constant 0 : index
    %get3A_26 = arith.constant 0 : index
    %get3A_27 = vector.load %arg6[%get3A_25, %get3A_26] : memref<1000x128xf32, #tpu.memory_space<vmem>>, vector<1000x128xf32>
    %add3A_28 = arith.addf %get3A_24, %get3A_27 : vector<1000x128xf32>
    %get3A_29 = arith.constant 0 : index
    %get3A_30 = arith.constant 0 : index
    %get3A_31 = vector.load %arg4[%get3A_29, %get3A_30] : memref<1000x128xf32, #tpu.memory_space<vmem>>, vector<1000x128xf32>
    %mul3A = vector.broadcast %get3A_10 : f32 to vector<1000x128xf32>
    %mul3A_32 = arith.mulf %mul3A, %get3A_31 : vector<1000x128xf32>
    %add3A_33 = arith.addf %add3A_28, %mul3A_32 : vector<1000x128xf32>
    %gt3A = arith.constant 0.000000e+00 : f32
    %gt3A_34 = vector.broadcast %gt3A : f32 to vector<1000x1xf32>
    %gt3A_35 = arith.cmpf ogt, %add3A_18, %gt3A_34 : vector<1000x1xf32>
    %max3A = arith.constant 9.99999996E-13 : f32
    %max3A_36 = vector.broadcast %max3A : f32 to vector<1000x1xf32>
    %max3A_37 = arith.maximumf %add3A_18, %max3A_36 : vector<1000x1xf32>
    %log3A = math.log %max3A_37 : vector<1000x1xf32>
    %mul3A_38 = vector.broadcast %get3A_6 : f32 to vector<1000x1xf32>
    %mul3A_39 = arith.mulf %mul3A_38, %log3A : vector<1000x1xf32>
    %exp3A = math.exp %mul3A_39 : vector<1000x1xf32>
    %jit3A = arith.constant 0.000000e+00 : f32
    %broadcast_in_dim3A = vector.broadcast %jit3A : f32 to vector<1000x1xf32>
    %select_n3A = arith.select %gt3A_35, %exp3A, %broadcast_in_dim3A : vector<1000x1xi1>, vector<1000x1xf32>
    %mul3A_40 = vector.broadcast %get3A_0 : f32 to vector<1000x1xf32>
    %mul3A_41 = arith.mulf %mul3A_40, %select_n3A : vector<1000x1xf32>
    %mul3A_42 = vector.broadcast %mul3A_41 : vector<1000x1xf32> to vector<1000x128xf32>
    %mul3A_43 = arith.mulf %mul3A_42, %get3A_21 : vector<1000x128xf32>
    %gt3A_44 = arith.constant 0.000000e+00 : f32
    %gt3A_45 = vector.broadcast %gt3A_44 : f32 to vector<1000x1xf32>
    %gt3A_46 = arith.cmpf ogt, %add3A_18, %gt3A_45 : vector<1000x1xf32>
    %max3A_47 = arith.constant 9.99999996E-13 : f32
    %max3A_48 = vector.broadcast %max3A_47 : f32 to vector<1000x1xf32>
    %max3A_49 = arith.maximumf %add3A_18, %max3A_48 : vector<1000x1xf32>
    %log3A_50 = math.log %max3A_49 : vector<1000x1xf32>
    %mul3A_51 = vector.broadcast %get3A_8 : f32 to vector<1000x1xf32>
    %mul3A_52 = arith.mulf %mul3A_51, %log3A_50 : vector<1000x1xf32>
    %exp3A_53 = math.exp %mul3A_52 : vector<1000x1xf32>
    %jit3A_54 = arith.constant 0.000000e+00 : f32
    %broadcast_in_dim3A_55 = vector.broadcast %jit3A_54 : f32 to vector<1000x1xf32>
    %select_n3A_56 = arith.select %gt3A_46, %exp3A_53, %broadcast_in_dim3A_55 : vector<1000x1xi1>, vector<1000x1xf32>
    %mul3A_57 = vector.broadcast %select_n3A_56 : vector<1000x1xf32> to vector<1000x128xf32>
    %mul3A_58 = arith.mulf %mul3A_57, %add3A_33 : vector<1000x128xf32>
    %mul3A_59 = vector.broadcast %get3A_2 : f32 to vector<1000x128xf32>
    %mul3A_60 = arith.mulf %mul3A_59, %mul3A_58 : vector<1000x128xf32>
    %add3A_61 = arith.addf %mul3A_43, %mul3A_60 : vector<1000x128xf32>
    %mul3A_62 = vector.broadcast %get3A_4 : f32 to vector<1000x128xf32>
    %mul3A_63 = arith.mulf %mul3A_62, %get3A_21 : vector<1000x128xf32>
    %add3A_64 = arith.addf %add3A_61, %mul3A_63 : vector<1000x128xf32>
    %max3A_65 = arith.constant 0.000000e+00 : f32
    %max3A_66 = vector.broadcast %max3A_65 : f32 to vector<1000x128xf32>
    %max3A_67 = arith.maximumf %add3A_64, %max3A_66 : vector<1000x128xf32>
    %get3A_68 = arith.constant 0 : index
    %get3A_69 = arith.constant 0 : index
    %get3A_70 = vector.load %arg9[%get3A_68, %get3A_69] : memref<128x128xf32, #tpu.memory_space<vmem>>, vector<128x128xf32>
    %dot_general3A = arith.constant dense<0.000000e+00> : vector<1000x128xf32>
    %dot_general3A_71 = tpu.matmul %max3A_67, %get3A_70, %dot_general3A {dimension_numbers = #tpu.dot_dimension_numbers<[1], [0], [0], [1], [0, 0, 1, 1], [], []>, transpose_lhs_hint = false} : vector<1000x128xf32>, vector<128x128xf32>, vector<1000x128xf32> -> vector<1000x128xf32>
    %get3A_72 = arith.constant 0 : index
    %get3A_73 = arith.constant 0 : index
    %get3A_74 = vector.load %arg10[%get3A_72, %get3A_73] : memref<1x128xf32, #tpu.memory_space<vmem>>, vector<1x128xf32>
    %add3A_75 = vector.broadcast %get3A_74 : vector<1x128xf32> to vector<1000x128xf32>
    %add3A_76 = arith.addf %dot_general3A_71, %add3A_75 : vector<1000x128xf32>
    %get3A_77 = arith.constant 6 : index
    %get3A_78 = memref.load %arg2[%get3A_77] : memref<7xf32, #tpu.memory_space<smem>>
    %add3A_79 = vector.broadcast %get3A_78 : f32 to vector<1000x1xf32>
    %add3A_80 = arith.addf %add3A, %add3A_79 : vector<1000x1xf32>
    %swap3A = arith.constant 0 : index
    %swap3A_81 = arith.constant 0 : index
    %swap3A_82 = vector.load %arg11[%swap3A, %swap3A_81] : memref<1000x128xf32, #tpu.memory_space<vmem>>, vector<1000x128xf32>
    tpu.vector_store %arg11[%swap3A, %swap3A_81], %add3A_76 {strides = array<i32>} : memref<1000x128xf32, #tpu.memory_space<vmem>>, vector<1000x128xf32>,
    %get3A_83 = arith.constant 5 : index
    %get3A_84 = memref.load %arg2[%get3A_83] : memref<7xf32, #tpu.memory_space<smem>>
    %gt3A_85 = arith.constant 0.000000e+00 : f32
    %gt3A_86 = vector.broadcast %gt3A_85 : f32 to vector<1000x1xf32>
    %gt3A_87 = arith.cmpf ogt, %add3A_80, %gt3A_86 : vector<1000x1xf32>
    %max3A_88 = arith.constant 9.99999996E-13 : f32
    %max3A_89 = vector.broadcast %max3A_88 : f32 to vector<1000x1xf32>
    %max3A_90 = arith.maximumf %add3A_80, %max3A_89 : vector<1000x1xf32>
    %log3A_91 = math.log %max3A_90 : vector<1000x1xf32>
    %mul3A_92 = vector.broadcast %get3A_84 : f32 to vector<1000x1xf32>
    %mul3A_93 = arith.mulf %mul3A_92, %log3A_91 : vector<1000x1xf32>
    %exp3A_94 = math.exp %mul3A_93 : vector<1000x1xf32>
    %jit3A_95 = arith.constant 0.000000e+00 : f32
    %broadcast_in_dim3A_96 = vector.broadcast %jit3A_95 : f32 to vector<1000x1xf32>
    %select_n3A_97 = arith.select %gt3A_87, %exp3A_94, %broadcast_in_dim3A_96 : vector<1000x1xi1>, vector<1000x1xf32>
    %mul3A_98 = vector.broadcast %select_n3A_97 : vector<1000x1xf32> to vector<1000x128xf32>
    %mul3A_99 = arith.mulf %add3A_76, %mul3A_98 : vector<1000x128xf32>
    %swap3A_100 = arith.constant 0 : index
    %swap3A_101 = arith.constant 0 : index
    %swap3A_102 = vector.load %arg12[%swap3A_100, %swap3A_101] : memref<1000x128xf32, #tpu.memory_space<vmem>>, vector<1000x128xf32>
    tpu.vector_store %arg12[%swap3A_100, %swap3A_101], %mul3A_99 {strides = array<i32>} : memref<1000x128xf32, #tpu.memory_space<vmem>>, vector<1000x128xf32>,
    return
  }
  func.func @transform_0(%arg0: i32) -> i32 {
    %c0_i32 = arith.constant 0 : i32
    %c0_i32_0 = arith.constant 0 : i32
    return %c0_i32 : i32
  }
  func.func @transform_1(%arg0: i32) -> i32 {
    %c0_i32 = arith.constant 0 : i32
    %c0_i32_0 = arith.constant 0 : i32
    return %c0_i32 : i32
  }
  func.func @transform_2(%arg0: i32) -> (i32, i32) {
    %c0_i32 = arith.constant 0 : i32
    %c0_i32_0 = arith.constant 0 : i32
    return %arg0, %c0_i32 : i32, i32
  }
  func.func @transform_3(%arg0: i32) -> (i32, i32) {
    %c0_i32 = arith.constant 0 : i32
    %c0_i32_0 = arith.constant 0 : i32
    return %arg0, %c0_i32 : i32, i32
  }
  func.func @transform_4(%arg0: i32) -> (i32, i32) {
    %c0_i32 = arith.constant 0 : i32
    %c0_i32_0 = arith.constant 0 : i32
    return %arg0, %c0_i32 : i32, i32
  }
  func.func @transform_5(%arg0: i32) -> (i32, i32) {
    %c0_i32 = arith.constant 0 : i32
    %c0_i32_0 = arith.constant 0 : i32
    return %arg0, %c0_i32 : i32, i32
  }
  func.func @transform_6(%arg0: i32) -> (i32, i32) {
    %c0_i32 = arith.constant 0 : i32
    %c0_i32_0 = arith.constant 0 : i32
    return %arg0, %c0_i32 : i32, i32
  }
  func.func @transform_7(%arg0: i32) -> (i32, i32) {
    %c0_i32 = arith.constant 0 : i32
    %c0_i32_0 = arith.constant 0 : i32
    return %arg0, %c0_i32 : i32, i32
  }
  func.func @transform_8(%arg0: i32) -> (i32, i32) {
    %c0_i32 = arith.constant 0 : i32
    %c0_i32_0 = arith.constant 0 : i32
    %c0_i32_1 = arith.constant 0 : i32
    return %c0_i32, %c0_i32_0 : i32, i32
  }
  func.func @transform_9(%arg0: i32) -> (i32, i32) {
    %c0_i32 = arith.constant 0 : i32
    %c0_i32_0 = arith.constant 0 : i32
    %c0_i32_1 = arith.constant 0 : i32
    return %c0_i32, %c0_i32_0 : i32, i32
  }
  func.func @transform_10(%arg0: i32) -> (i32, i32) {
    %c0_i32 = arith.constant 0 : i32
    %c0_i32_0 = arith.constant 0 : i32
    return %arg0, %c0_i32 : i32, i32
  }
  func.func @transform_11(%arg0: i32) -> (i32, i32) {
    %c0_i32 = arith.constant 0 : i32
    %c0_i32_0 = arith.constant 0 : i32
    return %arg0, %c0_i32 : i32, i32
  }
}

module attributes {stable_mosaic.version = 14 : i64} {
  func.func @_fin_body(%arg0: i32, %arg1: memref<7xf32, #tpu.memory_space<smem>>, %arg2: memref<1000x128xf32, #tpu.memory_space<vmem>>, %arg3: memref<1000x128xf32, #tpu.memory_space<vmem>>, %arg4: memref<1000x128xf32, #tpu.memory_space<vmem>>, %arg5: memref<1000x128xf32, #tpu.memory_space<vmem>>, %arg6: memref<1000x1xf32, #tpu.memory_space<vmem>>, %arg7: memref<1000x1xf32, #tpu.memory_space<vmem>>, %arg8: memref<1000x128xf32, #tpu.memory_space<vmem>>) attributes {dimension_semantics = [#tpu.dimension_semantics<arbitrary>], iteration_bounds = array<i64: 10>, scalar_prefetch = 0 : i64, scratch_operands = 0 : i64, tpu.core_type = #tpu.core_type<tc>, window_params = [{transform_indices = @transform_0, window_bounds = array<i64: 7>}, {transform_indices = @transform_1, window_bounds = array<i64: 1000, 128>}, {transform_indices = @transform_2, window_bounds = array<i64: 1000, 128>}, {transform_indices = @transform_3, window_bounds = array<i64: 1000, 128>}, {transform_indices = @transform_4, window_bounds = array<i64: 1000, 128>}, {transform_indices = @transform_5, window_bounds = array<i64: 1000, 1>}, {transform_indices = @transform_6, window_bounds = array<i64: 1000, 1>}, {transform_indices = @transform_7, window_bounds = array<i64: 1000, 128>}]} {
    %get3A = arith.constant 0 : index
    %get3A_0 = memref.load %arg1[%get3A] : memref<7xf32, #tpu.memory_space<smem>>
    %get3A_1 = arith.constant 1 : index
    %get3A_2 = memref.load %arg1[%get3A_1] : memref<7xf32, #tpu.memory_space<smem>>
    %get3A_3 = arith.constant 2 : index
    %get3A_4 = memref.load %arg1[%get3A_3] : memref<7xf32, #tpu.memory_space<smem>>
    %get3A_5 = arith.constant 3 : index
    %get3A_6 = memref.load %arg1[%get3A_5] : memref<7xf32, #tpu.memory_space<smem>>
    %get3A_7 = arith.constant 4 : index
    %get3A_8 = memref.load %arg1[%get3A_7] : memref<7xf32, #tpu.memory_space<smem>>
    %get3A_9 = arith.constant 6 : index
    %get3A_10 = memref.load %arg1[%get3A_9] : memref<7xf32, #tpu.memory_space<smem>>
    %get3A_11 = arith.constant 0 : index
    %get3A_12 = arith.constant 0 : index
    %get3A_13 = vector.load %arg6[%get3A_11, %get3A_12] : memref<1000x1xf32, #tpu.memory_space<vmem>>, vector<1000x1xf32>
    %get3A_14 = arith.constant 0 : index
    %get3A_15 = arith.constant 0 : index
    %get3A_16 = vector.load %arg7[%get3A_14, %get3A_15] : memref<1000x1xf32, #tpu.memory_space<vmem>>, vector<1000x1xf32>
    %add3A = arith.addf %get3A_13, %get3A_16 : vector<1000x1xf32>
    %add3A_17 = vector.broadcast %get3A_10 : f32 to vector<1000x1xf32>
    %add3A_18 = arith.addf %add3A, %add3A_17 : vector<1000x1xf32>
    %get3A_19 = arith.constant 0 : index
    %get3A_20 = arith.constant 0 : index
    %get3A_21 = vector.load %arg2[%get3A_19, %get3A_20] : memref<1000x128xf32, #tpu.memory_space<vmem>>, vector<1000x128xf32>
    %get3A_22 = arith.constant 0 : index
    %get3A_23 = arith.constant 0 : index
    %get3A_24 = vector.load %arg4[%get3A_22, %get3A_23] : memref<1000x128xf32, #tpu.memory_space<vmem>>, vector<1000x128xf32>
    %get3A_25 = arith.constant 0 : index
    %get3A_26 = arith.constant 0 : index
    %get3A_27 = vector.load %arg5[%get3A_25, %get3A_26] : memref<1000x128xf32, #tpu.memory_space<vmem>>, vector<1000x128xf32>
    %add3A_28 = arith.addf %get3A_24, %get3A_27 : vector<1000x128xf32>
    %get3A_29 = arith.constant 0 : index
    %get3A_30 = arith.constant 0 : index
    %get3A_31 = vector.load %arg3[%get3A_29, %get3A_30] : memref<1000x128xf32, #tpu.memory_space<vmem>>, vector<1000x128xf32>
    %mul3A = vector.broadcast %get3A_10 : f32 to vector<1000x128xf32>
    %mul3A_32 = arith.mulf %mul3A, %get3A_31 : vector<1000x128xf32>
    %add3A_33 = arith.addf %add3A_28, %mul3A_32 : vector<1000x128xf32>
    %gt3A = arith.constant 0.000000e+00 : f32
    %gt3A_34 = vector.broadcast %gt3A : f32 to vector<1000x1xf32>
    %gt3A_35 = arith.cmpf ogt, %add3A_18, %gt3A_34 : vector<1000x1xf32>
    %max3A = arith.constant 9.99999996E-13 : f32
    %max3A_36 = vector.broadcast %max3A : f32 to vector<1000x1xf32>
    %max3A_37 = arith.maximumf %add3A_18, %max3A_36 : vector<1000x1xf32>
    %log3A = math.log %max3A_37 : vector<1000x1xf32>
    %mul3A_38 = vector.broadcast %get3A_6 : f32 to vector<1000x1xf32>
    %mul3A_39 = arith.mulf %mul3A_38, %log3A : vector<1000x1xf32>
    %exp3A = math.exp %mul3A_39 : vector<1000x1xf32>
    %jit3A = arith.constant 0.000000e+00 : f32
    %broadcast_in_dim3A = vector.broadcast %jit3A : f32 to vector<1000x1xf32>
    %select_n3A = arith.select %gt3A_35, %exp3A, %broadcast_in_dim3A : vector<1000x1xi1>, vector<1000x1xf32>
    %mul3A_40 = vector.broadcast %get3A_0 : f32 to vector<1000x1xf32>
    %mul3A_41 = arith.mulf %mul3A_40, %select_n3A : vector<1000x1xf32>
    %mul3A_42 = vector.broadcast %mul3A_41 : vector<1000x1xf32> to vector<1000x128xf32>
    %mul3A_43 = arith.mulf %mul3A_42, %get3A_21 : vector<1000x128xf32>
    %gt3A_44 = arith.constant 0.000000e+00 : f32
    %gt3A_45 = vector.broadcast %gt3A_44 : f32 to vector<1000x1xf32>
    %gt3A_46 = arith.cmpf ogt, %add3A_18, %gt3A_45 : vector<1000x1xf32>
    %max3A_47 = arith.constant 9.99999996E-13 : f32
    %max3A_48 = vector.broadcast %max3A_47 : f32 to vector<1000x1xf32>
    %max3A_49 = arith.maximumf %add3A_18, %max3A_48 : vector<1000x1xf32>
    %log3A_50 = math.log %max3A_49 : vector<1000x1xf32>
    %mul3A_51 = vector.broadcast %get3A_8 : f32 to vector<1000x1xf32>
    %mul3A_52 = arith.mulf %mul3A_51, %log3A_50 : vector<1000x1xf32>
    %exp3A_53 = math.exp %mul3A_52 : vector<1000x1xf32>
    %jit3A_54 = arith.constant 0.000000e+00 : f32
    %broadcast_in_dim3A_55 = vector.broadcast %jit3A_54 : f32 to vector<1000x1xf32>
    %select_n3A_56 = arith.select %gt3A_46, %exp3A_53, %broadcast_in_dim3A_55 : vector<1000x1xi1>, vector<1000x1xf32>
    %mul3A_57 = vector.broadcast %select_n3A_56 : vector<1000x1xf32> to vector<1000x128xf32>
    %mul3A_58 = arith.mulf %mul3A_57, %add3A_33 : vector<1000x128xf32>
    %mul3A_59 = vector.broadcast %get3A_2 : f32 to vector<1000x128xf32>
    %mul3A_60 = arith.mulf %mul3A_59, %mul3A_58 : vector<1000x128xf32>
    %add3A_61 = arith.addf %mul3A_43, %mul3A_60 : vector<1000x128xf32>
    %mul3A_62 = vector.broadcast %get3A_4 : f32 to vector<1000x128xf32>
    %mul3A_63 = arith.mulf %mul3A_62, %get3A_21 : vector<1000x128xf32>
    %add3A_64 = arith.addf %add3A_61, %mul3A_63 : vector<1000x128xf32>
    %swap3A = arith.constant 0 : index
    %swap3A_65 = arith.constant 0 : index
    %swap3A_66 = vector.load %arg8[%swap3A, %swap3A_65] : memref<1000x128xf32, #tpu.memory_space<vmem>>, vector<1000x128xf32>
    tpu.vector_store %arg8[%swap3A, %swap3A_65], %add3A_64 {strides = array<i32>} : memref<1000x128xf32, #tpu.memory_space<vmem>>, vector<1000x128xf32>,
    return
  }
  func.func @transform_0(%arg0: i32) -> i32 {
    %c0_i32 = arith.constant 0 : i32
    %c0_i32_0 = arith.constant 0 : i32
    return %c0_i32 : i32
  }
  func.func @transform_1(%arg0: i32) -> (i32, i32) {
    %c0_i32 = arith.constant 0 : i32
    %c0_i32_0 = arith.constant 0 : i32
    return %arg0, %c0_i32 : i32, i32
  }
  func.func @transform_2(%arg0: i32) -> (i32, i32) {
    %c0_i32 = arith.constant 0 : i32
    %c0_i32_0 = arith.constant 0 : i32
    return %arg0, %c0_i32 : i32, i32
  }
  func.func @transform_3(%arg0: i32) -> (i32, i32) {
    %c0_i32 = arith.constant 0 : i32
    %c0_i32_0 = arith.constant 0 : i32
    return %arg0, %c0_i32 : i32, i32
  }
  func.func @transform_4(%arg0: i32) -> (i32, i32) {
    %c0_i32 = arith.constant 0 : i32
    %c0_i32_0 = arith.constant 0 : i32
    return %arg0, %c0_i32 : i32, i32
  }
  func.func @transform_5(%arg0: i32) -> (i32, i32) {
    %c0_i32 = arith.constant 0 : i32
    %c0_i32_0 = arith.constant 0 : i32
    return %arg0, %c0_i32 : i32, i32
  }
  func.func @transform_6(%arg0: i32) -> (i32, i32) {
    %c0_i32 = arith.constant 0 : i32
    %c0_i32_0 = arith.constant 0 : i32
    return %arg0, %c0_i32 : i32, i32
  }
  func.func @transform_7(%arg0: i32) -> (i32, i32) {
    %c0_i32 = arith.constant 0 : i32
    %c0_i32_0 = arith.constant 0 : i32
    return %arg0, %c0_i32 : i32, i32
  }
}

</mosaic_0001>

<sc_bundles>
// kernel: kernel.11.cloned.1.call-start
scs
__scs_entry_jumppad:
0x0: {  	(pc) =	sbr.rel $0x88, $3  }
0x1: {  	(tag) =	ssettag $0x0;
	lr =	simm.s32 $0x1  }
0x2: {  	[smem:$0x3F99] =	sst lr;
	_ =	strace $0xD0000000  }
0x3: {  	_ = 	snop  }
0x4: {  	_ = 	snop  }
0x5: {  	_ = 	snop  }
0x6: {  	_ = 	snop  }
0x7: {  	_ = 	snop  }
__scs_overlays_trampoline_lowered:
0x8: {  	[smem:$0x3FA8] =	sst s0  }
0x9: {  	[smem:$0x3FA9] =	sst s1  }
0xa: {  	[smem:$0x3FAA] =	sst s2  }
0xb: {  	[smem:$0x3FAB] =	sst s3  }
0xc: {  	[smem:$0x3FAC] =	sst s4  }
0xd: {  	[smem:$0x3FAD] =	sst s5  }
0xe: {  	[smem:$0x3FAE] =	sst s6  }
0xf: {  	[smem:$0x3FAF] =	sst s7  }
0x10: {  	[smem:$0x3FB0] =	sst s8  }
0x11: {  	[smem:$0x3FB1] =	sst s9;
	s0 =	simm.s32 @!p0 $0x0  }
0x12: {  	s1 =	sld [smem:$0x3F97];
	s0 =	simm.s32 @p0 $0x1  }
0x13: {  	[smem:$0x3FB2] =	sst s0;
	s0 =	simm.s32 @!p1 $0x0  }
0x14: {  	s2 =	sld [smem:$0x3F96];
	s0 =	simm.s32 @p1 $0x1  }
0x15: {  	[smem:$0x3FB3] =	sst s0;
	s0 =	simm.s32 @!p2 $0x0  }
0x16: {  	s3 =	sld [smem:$0x3FDB];
	s0 =	simm.s32 @p2 $0x1  }
0x17: {  	s4 =	simm.s32 $0x1BF5;
	[smem:$0x3FB5] =	sst s0  }
0x18: {  	s0 =	sld [smem:$0x3F98];
	_ =	swait.ge [sflag:s4], $0x0  }
0x19: {  	s7 =	sld [smem:$0x3F99]  }
0x1a: {  	s8 =	sadd.s32 $0xFFFFE003, lr  }
0x1b: {  	s9 =	sadd.s32 $0xFFFFFEF7, lr;
	s5 =	simm.s32 $0xFFFFFFFF;
	p2 =	slt.u32 s8, $0xFFFFF086  }
0x1c: {  	p1 =	slt.u32 s9, $0xF7A;
	s5 =	simm.s32 @!p2 $0x0  }
0x1d: {  	s5 =	simm.s32 @p1 $0x1;
	p0 =	seq.s32 s7, s2  }
0x1e: {  	s7 =	smul.u32 @!p0 $0xF7A, s2;
	p2 =	seq.s32 @!p0 s5, $0x0  }
0x1f: {  	s9 =	smul.u32 $0xF7A, s1;
	s8 =	simm.s32 @!p0 $0x1BF5;
	p2 =	por !p2, p0  }
0x20: {  	[sflag:s8] =	ssyncset.s32 @!p0 $0xFFFFF086;
	s6 =	sadd.s32 @!p0 s3, s7;
	s7 =	simm.s32 @!p0 $0x108  }
0x21: {  	s3 =	sadd.s32 s3, s9;
	s6 =	sadd.s32 @!p0 $0x88, s6;
	s7 =	simm.s32 @p2 $0x1082  }
0x22: {  	[simem:s7], [sflag:s8] =	dma.local @!p0 [hbm:s6], $0xF7A  }
0x23: {  	s9 =	sor.u32 $0xD0000000, s2;
	s6 =	simm.s32 $0x108;
	_ =	swait.ge @!p0 [sflag:s8], $0x0  }
0x24: {  	s3 =	sadd.s32 $0x88, s3;
	s6 =	simm.s32 @!p1 $0x1082;
	[sflag:s4] =	ssyncset.s32 $0xFFFFF086  }
0x25: {  	[simem:s6], [sflag:s4] =	dma.local [hbm:s3], $0xF7A  }
0x26: {  	[smem:$0x3F99] =	sst s1;
	(tag) =	ssettag s2;
	_ =	strace s9  }
0x27: {  	s1 =	sld [smem:$0x3FA9]  }
0x28: {  	s2 =	sld [smem:$0x3FAA]  }
0x29: {  	s4 =	sld [smem:$0x3FAC]  }
0x2a: {  	p0 =	seq.s32 s5, $0x0;
	s5 =	sld [smem:$0x3FAD]  }
0x2b: {  	s6 =	sld [smem:$0x3FAE]  }
0x2c: {  	s7 =	sld [smem:$0x3FAF]  }
0x2d: {  	s3 =	simm.s32 $0x108;
	s8 =	sld [smem:$0x3FB0]  }
0x2e: {  	s3 =	simm.s32 @!p0 $0x1082;
	s9 =	sld [smem:$0x3FB1]  }
0x2f: {  	lr =	sadd.s32 s0, s3;
	s0 =	sld [smem:$0x3FA8]  }
0x30: {  	s3 =	sld [smem:$0x3FAB]  }
0x31: {  	[smem:$0x3FB4] =	sst s10  }
0x32: {  	s10 =	sld [smem:$0x3FB2];
	_ =	sdelay $0x3  }
0x33: {  	p0 =	seq.s32 s10, $0x1;
	s10 =	sld [smem:$0x3FB4];
	_ =	sdelay $0x3  }
0x34: {  	[smem:$0x3FB4] =	sst s10  }
0x35: {  	s10 =	sld [smem:$0x3FB3];
	_ =	sdelay $0x3  }
0x36: {  	p1 =	seq.s32 s10, $0x1;
	s10 =	sld [smem:$0x3FB4];
	_ =	sdelay $0x3  }
0x37: {  	[smem:$0x3FB4] =	sst s10  }
0x38: {  	s10 =	sld [smem:$0x3FB5]  }
0x39: {  	_ = 	snop;
	(pc) =	sbr.ind lr, $3  }
0x3a: {  	_ = 	snop  }
0x3b: {  	_ = 	snop  }
0x3c: {  	p2 =	seq.s32 s10, $0x1;
	s10 =	sld [smem:$0x3FB4]  }
0x3d: {  	_ =	shalt  }
0x3e: {  	_ =	shalt  }
0x3f: {  	_ =	shalt  }
0x40: {  	_ =	shalt  }
0x41: {  	_ =	shalt  }
0x42: {  	_ =	shalt  }
0x43: {  	_ =	shalt  }
0x44: {  	_ =	shalt  }
0x45: {  	_ =	shalt  }
0x46: {  	_ =	shalt  }
0x47: {  	_ =	shalt  }
0x48: {  	_ =	shalt  }
0x49: {  	_ =	shalt  }
0x4a: {  	_ =	shalt  }
0x4b: {  	_ =	shalt  }
0x4c: {  	_ =	shalt  }
0x4d: {  	_ =	shalt  }
0x4e: {  	_ =	shalt  }
0x4f: {  	_ =	shalt  }
0x50: {  	_ =	shalt  }
0x51: {  	_ =	shalt  }
0x52: {  	_ =	shalt  }
0x53: {  	_ =	shalt  }
0x54: {  	_ =	shalt  }
0x55: {  	_ =	shalt  }
0x56: {  	_ =	shalt  }
0x57: {  	_ =	shalt  }
0x58: {  	_ =	shalt  }
0x59: {  	_ =	shalt  }
0x5a: {  	_ =	shalt  }
0x5b: {  	_ =	shalt  }
0x5c: {  	_ =	shalt  }
0x5d: {  	_ =	shalt  }
0x5e: {  	_ =	shalt  }
0x5f: {  	_ =	shalt  }
0x60: {  	_ =	shalt  }
0x61: {  	_ =	shalt  }
0x62: {  	_ =	shalt  }
0x63: {  	_ =	shalt  }
0x64: {  	_ =	shalt  }
0x65: {  	_ =	shalt  }
0x66: {  	_ =	shalt  }
0x67: {  	_ =	shalt  }
0x68: {  	_ =	shalt  }
0x69: {  	_ =	shalt  }
0x6a: {  	_ =	shalt  }
0x6b: {  	_ =	shalt  }
0x6c: {  	_ =	shalt  }
0x6d: {  	_ =	shalt  }
0x6e: {  	_ =	shalt  }
0x6f: {  	_ =	shalt  }
0x70: {  	_ =	shalt  }
0x71: {  	_ =	shalt  }
0x72: {  	_ =	shalt  }
0x73: {  	_ =	shalt  }
0x74: {  	_ =	shalt  }
0x75: {  	_ =	shalt  }
0x76: {  	_ =	shalt  }
0x77: {  	_ =	shalt  }
0x78: {  	_ =	shalt  }
0x79: {  	_ =	shalt  }
0x7a: {  	_ =	shalt  }
0x7b: {  	_ =	shalt  }
0x7c: {  	_ =	shalt  }
0x7d: {  	_ =	shalt  }
0x7e: {  	_ =	shalt  }
0x7f: {  	_ =	shalt  }
0x80: {  	_ =	shalt  }
0x81: {  	_ =	shalt  }
0x82: {  	_ =	shalt  }
0x83: {  	_ =	shalt  }
0x84: {  	_ =	shalt  }
0x85: {  	_ =	shalt  }
0x86: {  	_ =	shalt  }
0x87: {  	_ =	shalt  }
.Lfunc_end0:
.L_simem_size_0:
called_computation.1_lowered:
.L_overlay_start_0:
0x88: {  	s2 =	sld [smem:$0x3FD9]  }
0x89: {  	s3 =	sld [smem:$0x3FFE];
	_ =	sdelay $0x1  }
0x8a: {  	s1 =	srdreg.scid  }
0x8b: {  	s0 =	sand.u32 $0x1, s1  }
0x8c: {  	s17 =	sshll.u32 s0, $0xA;
	s2 =	sadd.s32 s3, s2  }
0x8d: {  	s2 =	sadd.s32 s2, s17  }
0x8e: {  	[smem:$0x3FC0] =	sst s2  }
0x8f: {  	_ = 	snop  }
0x90: {  	s2 =	sld [smem:$0x3FD0];
	(tm) =	ssettm $0x1  }
0x91: {  	s18 =	sld [smem:$0x3FFB];
	_ =	sdelay $0x3  }
0x92: {  	_ =	strace s18  }
0x93: {  	s3 =	sld [smem:$0x3FFC];
	_ =	sdelay $0x3  }
0x94: {  	_ =	strace s3  }
0x95: {  	s3 =	sld [smem:$0x3FFD];
	_ =	sdelay $0x3  }
0x96: {  	_ =	strace s3  }
0x97: {  	_ =	strace $0x8FFFFFFF  }
0x98: {  	s19 =	sld [smem:$0x3FDB];
	_ =	sdelay $0x1  }
0x99: {  	s4 =	simm.s32 $_scs_section_size  }
0x9a: {  	s5 =	simm.s32 $_size__tile_overlayer_lowered;
	s6 =	simm.s32 $_tile_overlayer_lowered  }
0x9b: {  	s22 =	simm.s32 $0x1BFF;
	s21 =	sshll.u32 s6, $0x1;
	s3 =	sadd.s32 s4, s19  }
0x9c: {  	s7 =	simm.s32 $0x0;
	s20 =	sshll.u32 s5, $0x1;
	s5 =	sadd.s32 s21, s3  }
0x9d: {  	[timem:s7], [sflag:s22] =	dma.local [hbm:s5], s20  }
0x9e: {  	_ =	swait.ge [sflag:s22], s20  }
0x9f: {  	s4 =	ssub.s32 $0x0, s20;
	[sflag:s22] =	ssyncset.done $0x0  }
0xa0: {  	[sflag:s22] =	ssyncadd.s32 s4;
	_ =	sdelay $0x1  }
0xa1: {  	s23 =	simm.s32 $0x1B8B  }
0xa2: {  	_ =	swait.ge [sflag:s23], $0x1  }
0xa3: {  	[sflag:s23] =	ssyncset.done $0x0  }
0xa4: {  	s25 =	simm.s32 $0x1B8E;
	s24 =	sld [smem:$0x3FFE];
	[sflag:s23] =	ssyncadd.s32 $0xFFFFFFFF  }
0xa5: {  	s26 =	simm.s32 $execute0_lowered;
	[smem:$0x3FD2] =	sst s25  }
0xa6: {  	s5 =	sshll.u32 s26, $0x1;
	_ =	strace $0x80000049;
	[dreg:$0x1] =	wrdreg $0xFFFFFFFF  }
0xa7: {  	s28 =	simm.s32 $_size_execute0_lowered;
	s3 =	sadd.s32 s3, s5;
	[dreg:$0x0] =	wrdreg $0x0  }
0xa8: {  	s5 =	sshll.u32 s28, $0x1;
	[dreg:$0x2] =	wrdreg s3  }
0xa9: {  	[dreg:$0x3] =	wrdreg s5  }
0xaa: {  	[dreg:$0x4] =	wrdreg $0xC0  }
0xab: {  	_ =	task [dreg:s7], $0x5FFFF  }
0xac: {  	[dreg:$0x1] =	wrdreg $0xFFFFFFFF  }
0xad: {  	[dreg:$0x0] =	wrdreg $0x60  }
0xae: {  	[dreg:$0x2] =	wrdreg s2  }
0xaf: {  	[dreg:$0x3] =	wrdreg s24  }
0xb0: {  	[dreg:$0x4] =	wrdreg $0xA9000  }
0xb1: {  	[dreg:$0x5] =	wrdreg $0x9  }
0xb2: {  	_ =	task.clear_ibuf [dreg:s7], $0x6FFFF;
	_ =	strace $0x90000049  }
0xb3: {  	s29 =	simm.s32 $0x9;
	_ =	strace $0x8000004B  }
0xb4: {  	_ =	swait.ge [sflag:s29], $0x1  }
0xb5: {  	[sflag:s29] =	ssyncadd.s32 $0xFFFFFFFF  }
0xb6: {  	_ =	strace $0x9000004B  }
0xb7: {  	_ =	sfence  }
0xb8: {  	s30 =	sld [smem:$0x0];
	_ =	sdelay $0x2  }
0xb9: {  	s31 =	sshll.u32 s1, $0xD;
	s1 =	sshrl.u32 s1, $0x2  }
0xba: {  	s3 =	sand.u32 $0x4000, s31;
	s1 =	sadd.s32 s1, s30  }
0xbb: {  	s0 =	sor.u32 s3, s0;
	s1 =	sshll.u32 s1, $0x11  }
0xbc: {  	s0 =	sor.u32 s1, s0  }
0xbd: {  	s0 =	sadd.s32 $0x8F2B, s0  }
0xbe: {  	[sflag:s0] =	ssyncadd.remote.s32 $0x1  }
0xbf: {  	_ =	sfence.sel $0xFFFF  }
0xc0: {  	[dreg:$0x0] =	wrdreg $0xFFFFFFFF;
	(pc) =	sbr.abs _section_cstart, $3  }
0xc1: {  	[dreg:$0x1] =	wrdreg $0xFFFFFFFF  }
0xc2: {  	_ =	task.clear_ibuf [dreg:s7], $0x2FFFF;
	_ =	strace $0x9FFFFFFF  }
0xc3: {  	(tm) =	ssettm $0x7FFFFFFF  }
tec
execute0_lowered:
.L_overlay_start_1:
0x0: {  	(tag) =	ssettag $0x1  }
0x1: {  	s2 =	rddreg [dreg:$0x0]  }
0x2: {  	s0 =	rddreg [dreg:$0x1]  }
0x3: {  	s3 =	rddreg [dreg:$0x2]  }
0x4: {  	s11 =	stileid.u32;
	s4 =	simm.s32 $0x0;
	s5 =	srdreg.scid  }
0x5: {  	s16 =	simm.s32 $0x5;
	s17 =	simm.s32 $0x80;
	s18 =	simm.s32 $0x2900  }
0x6: {  	s19 =	simm.s32 $0x2800;
	s20 =	simm.s32 $0x6900;
	s1 =	smul.u32 $0x50, s11  }
0x7: {  	s21 =	simm.s32 $0x2880;
	s6 =	sand.u32 $0x1, s5;
	s5 =	smul.u32 $0x500, s11  }
0x8: {  	s22 =	simm.s32 $0x1;
	s28 =	simm.s32 $0x0;
	s23 =	smul.u32 $0x13C00, s11  }
0x9: {  	[smem:$0x7FF] =	sst s4;
	s10 =	sadd.s32 $0x67C00, s0;
	s25 =	smul.u32 $0x4F000, s11  }
0xa: {  	s29 =	sshll.u32 s11, $0x6;
	p0 =	seq.s32 s6, $0x0;
	s9 =	smul.u32 $0x13C000, s6  }
0xb: {  	_ =	strace $0x8000004A;
	[dreg:$0x4] =	wrdreg s10;
	s6 =	ssub.s32 $0x2, s6  }
0xc: {  	s7 =	sadd.s32 $0x500, s1;
	s24 =	sshrl.u32 s6, $0x1;
	s26 =	sshrl.u32 s25, $0x2  }
0xd: {  	s25 =	simm.s32 $0x4;
	s8 =	sshll.u32 s7, $0x4;
	s6 =	ssub.s32 s6, s24  }
0xe: {  	s1 =	smov.u32 @p0 s7;
	s30 =	sadd.s32 s26, s3;
	s24 =	simm.s32 $0x2  }
0xf: {  	s5 =	smov.u32 @p0 s8;
	s8 =	sadd.s32 s23, s9;
	s7 =	sshll.u32 s1, $0x4  }
0x10: {  	s31 =	smax.u32 s6, $0x1;
	s15 =	sshrl.u32 s30, $0x3;
	s23 =	simm.s32 $0x3  }
0x11: {  	s13 =	sadd.s32 s5, s0;
	s5 =	sadd.s32 $0x3C00, s0;
	s8 =	sshrl.u32 s8, $0x3  }
0x12: {  	[dreg:$0x6] =	wrdreg s31;
	s0 =	sadd.s32 s8, s0;
	s8 =	sor.u32 $0x1C05, s29  }
0x13: {  	s9 =	sadd.s32 s5, s7;
	s13 =	sadd.s32 $0xDC00, s13;
	s0 =	sadd.s32 $0x6A400, s0  }
0x14: {  	s12 =	sadd.s32 $0x4F0, s9;
	s14 =	sadd.s32 $0x20, s9;
	[dreg:$0x5] =	wrdreg s0  }
.LBB2_1:
0x15: {  	s0 =	rddreg [dreg:$0x4]  }
0x16: {  	[spmem:s15], [sflag:s8] =	dma.local [hbm:s0], $0x2780  }
0x17: {  	_ =	swait.ge [sflag:s16], $0x2780  }
0x18: {  	[sflag:s16] =	ssyncset.done $0x0  }
0x19: {  	[sflag:s16] =	ssyncadd.s32 $0xFFFFD880  }
0x1a: {  	[tilespmem:s4], [sflag:$0x5] =	stream.linear.gather [hbm4b:s13+s4], $0x2800, $0x38;
	[tilespmem:$0x1E500] =	vst v63  }
0x1b: {  	_ =	swait.ge [sflag:s16], $0x2800  }
0x1c: {  	[sflag:s16] =	ssyncset.done $0x0  }
0x1d: {  	[sflag:s16] =	ssyncadd.s32 $0xFFFFD800  }
0x1e: {  	s10 =	sadd.s32 $0x0, s7;
	s1 =	sand.u32 $0x60, s4;
	[bflag:$0x0] =	sbarrier.arrive $0xFFFF  }
0x1f: {  	[tilespmem:s18], [sflag:$0x1] =	stream.indirect.gather [hbm4b:s2+s17], $0x80, s4, s17, $0xb8;
	[tilespmem:$0x1E500] =	vst v63  }
0x20: {  	s0 =	sand.u32 $0xFFFFF80, s10;
	s1 =	sadd.s32 s1, s5  }
0x21: {  	[tilespmem:s19], [sflag:$0x3] =	stream.linear.gather [hbm4b:s9+s4], $0x80, $0x38;
	[tilespmem:$0x1E500] =	vst v63  }
0x22: {  	s6 =	simm.s32 $0x80;
	s0 =	sadd.s32 s0, s1  }
0x23: {  	[tilespmem:s20], [sflag:$0x2] =	stream.indirect.gather [hbm4b:s2+s17], $0x80, s6, s17, $0xb8;
	[tilespmem:$0x1E500] =	vst v63  }
0x24: {  	s0 =	sadd.s32 $0x10, s0  }
0x25: {  	[tilespmem:s21], [sflag:$0x4] =	stream.linear.gather [hbm4b:s0+s4], $0x80, $0x38;
	[tilespmem:$0x1E500] =	vst v63  }
0x26: {  	_ =	swait.ge [sflag:s22], $0x4000  }
0x27: {  	[sflag:s22] =	ssyncset.done $0x0  }
0x28: {  	[sflag:s22] =	ssyncadd.s32 $0xFFFFC000  }
0x29: {  	_ =	swait.ge [sflag:s23], $0x80  }
0x2a: {  	[sflag:s23] =	ssyncset.done $0x0  }
0x2b: {  	[sflag:s23] =	ssyncadd.s32 $0xFFFFFF80  }
0x2c: {  	[spmem:s3] =	stream.indirect.scatter.add.f32 [tilespmem:s18], [sflag:$0x5], $0x80, s19, s17, $0xb8;
	[tilespmem:$0x1E500] =	vst v63  }
0x2d: {  	_ =	swait.ge [sflag:s16], $0x4000  }
0x2e: {  	[sflag:s16] =	ssyncset.done $0x0  }
0x2f: {  	s11 =	simm.s32 $0x100;
	[sflag:s16] =	ssyncadd.s32 $0xFFFFC000  }
0x30: {  	[tilespmem:s18], [sflag:$0x1] =	stream.indirect.gather [hbm4b:s2+s17], $0x80, s11, s17, $0xb8;
	[tilespmem:$0x1E500] =	vst v63  }
0x31: {  	s26 =	sadd.s32 $0x0, s14  }
0x32: {  	[tilespmem:s19], [sflag:$0x3] =	stream.linear.gather [hbm4b:s26+s4], $0x80, $0x38;
	[tilespmem:$0x1E500] =	vst v63  }
0x33: {  	_ =	swait.ge [sflag:s24], $0x4000  }
0x34: {  	[sflag:s24] =	ssyncset.done $0x0  }
0x35: {  	[sflag:s24] =	ssyncadd.s32 $0xFFFFC000  }
0x36: {  	s29 =	simm.s32 $0x20;
	_ =	swait.ge [sflag:s25], $0x80  }
0x37: {  	s30 =	simm.s32 $0x200;
	s31 =	simm.s32 $0x40;
	[sflag:s25] =	ssyncset.done $0x0  }
0x38: {  	s1 =	simm.s32 $0x180;
	s6 =	sand.u32 $0x60, s29;
	[sflag:s25] =	ssyncadd.s32 $0xFFFFFF80  }
0x39: {  	[spmem:s3] =	stream.indirect.scatter.add.f32 [tilespmem:s20], [sflag:$0x5], $0x80, s21, s17, $0xb8;
	[tilespmem:$0x1E500] =	vst v63  }
0x3a: {  	s0 =	simm.s32 $0x300;
	s26 =	sadd.s32 $0x20, s7;
	_ =	swait.ge [sflag:s16], $0x4000  }
.LBB2_2:
0x3b: {  	s26 =	sand.u32 $0xFFFFF80, s26  }
0x3c: {  	s6 =	sadd.s32 s6, s5;
	[sflag:s16] =	ssyncset.done $0x0;
	s10 =	smov.u32 s31  }
0x3d: {  	s11 =	sadd.s32 $0xFFFFFF80, s0;
	s6 =	sadd.s32 s26, s6;
	[sflag:s16] =	ssyncadd.s32 $0xFFFFC000  }
0x3e: {  	[tilespmem:s20], [sflag:$0x2] =	stream.indirect.gather [hbm4b:s2+s17], $0x80, s1, s17, $0xb8;
	[tilespmem:$0x1E500] =	vst v63  }
0x3f: {  	p0 =	sne.s32 s31, $0x4C0;
	s31 =	sadd.s32 $0x20, s31;
	s1 =	sadd.s32 $0x10, s6  }
0x40: {  	[tilespmem:s21], [sflag:$0x4] =	stream.linear.gather [hbm4b:s1+s4], $0x80, $0x38;
	[tilespmem:$0x1E500] =	vst v63  }
0x41: {  	s1 =	smov.u32 s11;
	_ =	swait.ge [sflag:s22], $0x4000  }
0x42: {  	[sflag:s22] =	ssyncset.done $0x0  }
0x43: {  	[sflag:s22] =	ssyncadd.s32 $0xFFFFC000  }
0x44: {  	_ =	swait.ge [sflag:s23], $0x80  }
0x45: {  	[sflag:s23] =	ssyncset.done $0x0  }
0x46: {  	[sflag:s23] =	ssyncadd.s32 $0xFFFFFF80  }
0x47: {  	[spmem:s3] =	stream.indirect.scatter.add.f32 [tilespmem:s18], [sflag:$0x5], $0x80, s19, s17, $0xb8;
	[tilespmem:$0x1E500] =	vst v63  }
0x48: {  	_ =	swait.ge [sflag:s16], $0x4000  }
0x49: {  	[sflag:s16] =	ssyncset.done $0x0  }
0x4a: {  	s6 =	sadd.s32 s29, s14;
	s29 =	smov.u32 s10;
	[sflag:s16] =	ssyncadd.s32 $0xFFFFC000  }
0x4b: {  	[tilespmem:s18], [sflag:$0x1] =	stream.indirect.gather [hbm4b:s2+s17], $0x80, s30, s17, $0xb8;
	[tilespmem:$0x1E500] =	vst v63  }
0x4c: {  	s30 =	smov.u32 s0  }
0x4d: {  	[tilespmem:s19], [sflag:$0x3] =	stream.linear.gather [hbm4b:s6+s4], $0x80, $0x38;
	[tilespmem:$0x1E500] =	vst v63  }
0x4e: {  	_ =	swait.ge [sflag:s24], $0x4000  }
0x4f: {  	[sflag:s24] =	ssyncset.done $0x0  }
0x50: {  	[sflag:s24] =	ssyncadd.s32 $0xFFFFC000  }
.Ltmp0:
0x51: {  	_ =	swait.ge [sflag:s25], $0x80;
	(pc) =	sbr.rel @p0 .LBB2_2-.Ltmp0, $4  }
0x52: {  	[sflag:s25] =	ssyncset.done $0x0  }
0x53: {  	s0 =	sadd.s32 $0x100, s0;
	[sflag:s25] =	ssyncadd.s32 $0xFFFFFF80  }
0x54: {  	[spmem:s3] =	stream.indirect.scatter.add.f32 [tilespmem:s20], [sflag:$0x5], $0x80, s21, s17, $0xb8;
	[tilespmem:$0x1E500] =	vst v63  }
0x55: {  	s26 =	sadd.s32 s29, s7;
	s6 =	sand.u32 $0x60, s29;
	_ =	swait.ge [sflag:s16], $0x4000  }
0x56: {  	s0 =	sand.u32 $0xFFFFF80, s26;
	s6 =	sadd.s32 s6, s5;
	[sflag:s16] =	ssyncset.done $0x0  }
0x57: {  	s0 =	sadd.s32 s0, s6;
	[sflag:s16] =	ssyncadd.s32 $0xFFFFC000  }
0x58: {  	[tilespmem:s20], [sflag:$0x2] =	stream.indirect.gather [hbm4b:s2+s17], $0x80, s1, s17, $0xb8;
	[tilespmem:$0x1E500] =	vst v63  }
0x59: {  	s0 =	sadd.s32 $0x10, s0  }
0x5a: {  	[tilespmem:s21], [sflag:$0x4] =	stream.linear.gather [hbm4b:s0+s4], $0x80, $0x38;
	[tilespmem:$0x1E500] =	vst v63  }
0x5b: {  	_ =	swait.ge [sflag:s22], $0x4000  }
0x5c: {  	[sflag:s22] =	ssyncset.done $0x0  }
0x5d: {  	[sflag:s22] =	ssyncadd.s32 $0xFFFFC000  }
0x5e: {  	_ =	swait.ge [sflag:s23], $0x80  }
0x5f: {  	[sflag:s23] =	ssyncset.done $0x0  }
0x60: {  	[sflag:s23] =	ssyncadd.s32 $0xFFFFFF80  }
0x61: {  	[spmem:s3] =	stream.indirect.scatter.add.f32 [tilespmem:s18], [sflag:$0x5], $0x80, s19, s17, $0xb8;
	[tilespmem:$0x1E500] =	vst v63  }
0x62: {  	_ =	swait.ge [sflag:s16], $0x4000  }
0x63: {  	[sflag:s16] =	ssyncset.done $0x0  }
0x64: {  	[sflag:s16] =	ssyncadd.s32 $0xFFFFC000  }
0x65: {  	[tilespmem:s18], [sflag:$0x1] =	stream.indirect.gather [hbm4b:s2+s17], $0x80, s30, s17, $0xb8;
	[tilespmem:$0x1E500] =	vst v63  }
0x66: {  	s26 =	sadd.s32 s29, s14  }
0x67: {  	[tilespmem:s19], [sflag:$0x3] =	stream.linear.gather [hbm4b:s26+s4], $0x80, $0x38;
	[tilespmem:$0x1E500] =	vst v63  }
0x68: {  	_ =	swait.ge [sflag:s24], $0x4000  }
0x69: {  	[sflag:s24] =	ssyncset.done $0x0  }
0x6a: {  	[sflag:s24] =	ssyncadd.s32 $0xFFFFC000  }
0x6b: {  	_ =	swait.ge [sflag:s25], $0x80  }
0x6c: {  	[sflag:s25] =	ssyncset.done $0x0  }
0x6d: {  	[sflag:s25] =	ssyncadd.s32 $0xFFFFFF80  }
0x6e: {  	[spmem:s3] =	stream.indirect.scatter.add.f32 [tilespmem:s20], [sflag:$0x5], $0x80, s21, s17, $0xb8;
	[tilespmem:$0x1E500] =	vst v63  }
0x6f: {  	_ =	swait.ge [sflag:s16], $0x4000  }
0x70: {  	[sflag:s16] =	ssyncset.done $0x0  }
0x71: {  	s29 =	simm.s32 $0x2780;
	[sflag:s16] =	ssyncadd.s32 $0xFFFFC000  }
0x72: {  	[tilespmem:s20], [sflag:$0x2] =	stream.indirect.gather [hbm4b:s2+s17], $0x80, s29, s17, $0xb8;
	[tilespmem:$0x1E500] =	vst v63  }
0x73: {  	_ = 	snop  }
0x74: {  	[tilespmem:s21], [sflag:$0x4] =	stream.linear.gather [hbm4b:s12+s4], $0x80, $0x38;
	[tilespmem:$0x1E500] =	vst v63  }
0x75: {  	_ =	swait.ge [sflag:s22], $0x4000  }
0x76: {  	[sflag:s22] =	ssyncset.done $0x0  }
0x77: {  	[sflag:s22] =	ssyncadd.s32 $0xFFFFC000  }
0x78: {  	_ =	swait.ge [sflag:s23], $0x80  }
0x79: {  	[sflag:s23] =	ssyncset.done $0x0  }
0x7a: {  	[sflag:s23] =	ssyncadd.s32 $0xFFFFFF80  }
0x7b: {  	[spmem:s3] =	stream.indirect.scatter.add.f32 [tilespmem:s18], [sflag:$0x5], $0x80, s19, s17, $0xb8;
	[tilespmem:$0x1E500] =	vst v63  }
0x7c: {  	_ =	swait.ge [sflag:s16], $0x4000  }
0x7d: {  	[sflag:s16] =	ssyncset.done $0x0  }
0x7e: {  	[sflag:s16] =	ssyncadd.s32 $0xFFFFC000  }
0x7f: {  	_ =	swait.ge [sflag:s24], $0x4000  }
0x80: {  	[sflag:s24] =	ssyncset.done $0x0  }
0x81: {  	[sflag:s24] =	ssyncadd.s32 $0xFFFFC000  }
0x82: {  	_ =	swait.ge [sflag:s25], $0x80  }
0x83: {  	[sflag:s25] =	ssyncset.done $0x0  }
0x84: {  	[sflag:s25] =	ssyncadd.s32 $0xFFFFFF80  }
0x85: {  	[spmem:s3] =	stream.indirect.scatter.add.f32 [tilespmem:s20], [sflag:$0x5], $0x80, s21, s17, $0xb8;
	[tilespmem:$0x1E500] =	vst v63  }
0x86: {  	_ =	swait.ge [sflag:s16], $0x4000  }
0x87: {  	[sflag:s16] =	ssyncset.done $0x0  }
0x88: {  	[sflag:s16] =	ssyncadd.s32 $0xFFFFC000  }
0x89: {  	[bflag:$0x0] =	sbarrier.arrive $0xFFFF  }
0x8a: {  	s30 =	rddreg [dreg:$0x5]  }
0x8b: {  	[hbm:s30], [sflag:s8] =	dma.local [spmem:s15], $0x2780  }
0x8c: {  	_ =	swait.ge [sflag:s16], $0x2780  }
0x8d: {  	s28 =	sadd.s32 $0x1, s28;
	s31 =	rddreg [dreg:$0x6]  }
0x8e: {  	p0 =	sne.s32 s28, s31  }
.Ltmp1:
0x8f: {  	_ = 	snop;
	(pc) =	sbr.rel @p0 .LBB2_1-.Ltmp1, $3  }
0x90: {  	_ =	sdelay $0x1  }
0x91: {  	[sflag:s16] =	ssyncset.done $0x0  }
0x92: {  	[sflag:s16] =	ssyncadd.s32 $0xFFFFD880  }
0x93: {  	_ =	sfence.sel $0x180000  }
0x94: {  	[bflag:$0x0] =	sbarrier.arrive $0xFFFF  }
0x95: {  	_ =	strace $0x9000004A  }
0x96: {  	s0 =	stileid.u32;
	[bflag:$0x2] =	sbarrier.arrive $0xFFFF  }
0x97: {  	p0 =	sne.s32 s0, $0x0;
	s0 =	rddreg [dreg:$0x3]  }
0x98: {  	s0 =	sadd.s32 @!p0 $0x100000, s0  }
0x99: {  	[sflag:s0] =	ssyncadd.tile.s32 @!p0 $0x1;
	_ =	shalt  }
.Lfunc_end2:
_tile_overlayer_lowered:
.L_overlay_start_2:
0x9a: {  	(tag) =	ssettag $0x2  }
0x9b: {  	s0 =	rddreg [dreg:$0x0];
	s2 =	stileid.u32  }
0x9c: {  	s1 =	rddreg [dreg:$0x1];
	p0 =	sne.s32 s2, $0x0  }
0x9d: {  	s3 =	rddreg [dreg:$0x2];
	[bflag:$0x3] =	sbarrier.arrive $0xFFFF;
	s2 =	simm.s32 @!p0 $0x1C05  }
0x9e: {  	[timem:s3], [sflag:s2] =	dma.local @!p0 [hbm:s0], s1  }
0x9f: {  	s0 =	simm.s32 @!p0 $0x5  }
0xa0: {  	_ =	swait.ge @!p0 [sflag:s0], s1  }
0xa1: {  	s1 =	ssub.s32 @!p0 $0x0, s1;
	[sflag:s0] =	ssyncset.done @!p0 $0x0  }
0xa2: {  	[sflag:s0] =	ssyncadd.s32 @!p0 s1  }
0xa3: {  	[bflag:$0x3] =	sbarrier.arrive $0xFFFF  }
0xa4: {  	_ =	shalt  }

// kernel: kernel.14.cloned.1.call-start
scs
__scs_entry_jumppad:
0x0: {  	(pc) =	sbr.rel $0x88, $3  }
0x1: {  	(tag) =	ssettag $0x0;
	lr =	simm.s32 $0x1  }
0x2: {  	[smem:$0x3F99] =	sst lr;
	_ =	strace $0xD0000000  }
0x3: {  	_ = 	snop  }
0x4: {  	_ = 	snop  }
0x5: {  	_ = 	snop  }
0x6: {  	_ = 	snop  }
0x7: {  	_ = 	snop  }
__scs_overlays_trampoline_lowered:
0x8: {  	[smem:$0x3FA8] =	sst s0  }
0x9: {  	[smem:$0x3FA9] =	sst s1  }
0xa: {  	[smem:$0x3FAA] =	sst s2  }
0xb: {  	[smem:$0x3FAB] =	sst s3  }
0xc: {  	[smem:$0x3FAC] =	sst s4  }
0xd: {  	[smem:$0x3FAD] =	sst s5  }
0xe: {  	[smem:$0x3FAE] =	sst s6  }
0xf: {  	[smem:$0x3FAF] =	sst s7  }
0x10: {  	[smem:$0x3FB0] =	sst s8  }
0x11: {  	[smem:$0x3FB1] =	sst s9;
	s0 =	simm.s32 @!p0 $0x0  }
0x12: {  	s1 =	sld [smem:$0x3F97];
	s0 =	simm.s32 @p0 $0x1  }
0x13: {  	[smem:$0x3FB2] =	sst s0;
	s0 =	simm.s32 @!p1 $0x0  }
0x14: {  	s2 =	sld [smem:$0x3F96];
	s0 =	simm.s32 @p1 $0x1  }
0x15: {  	[smem:$0x3FB3] =	sst s0;
	s0 =	simm.s32 @!p2 $0x0  }
0x16: {  	s3 =	sld [smem:$0x3FDB];
	s0 =	simm.s32 @p2 $0x1  }
0x17: {  	s4 =	simm.s32 $0x1BF5;
	[smem:$0x3FB5] =	sst s0  }
0x18: {  	s0 =	sld [smem:$0x3F98];
	_ =	swait.ge [sflag:s4], $0x0  }
0x19: {  	s7 =	sld [smem:$0x3F99]  }
0x1a: {  	s8 =	sadd.s32 $0xFFFFE003, lr  }
0x1b: {  	s9 =	sadd.s32 $0xFFFFFEF7, lr;
	s5 =	simm.s32 $0xFFFFFFFF;
	p2 =	slt.u32 s8, $0xFFFFF086  }
0x1c: {  	p1 =	slt.u32 s9, $0xF7A;
	s5 =	simm.s32 @!p2 $0x0  }
0x1d: {  	s5 =	simm.s32 @p1 $0x1;
	p0 =	seq.s32 s7, s2  }
0x1e: {  	s7 =	smul.u32 @!p0 $0xF7A, s2;
	p2 =	seq.s32 @!p0 s5, $0x0  }
0x1f: {  	s9 =	smul.u32 $0xF7A, s1;
	s8 =	simm.s32 @!p0 $0x1BF5;
	p2 =	por !p2, p0  }
0x20: {  	[sflag:s8] =	ssyncset.s32 @!p0 $0xFFFFF086;
	s6 =	sadd.s32 @!p0 s3, s7;
	s7 =	simm.s32 @!p0 $0x108  }
0x21: {  	s3 =	sadd.s32 s3, s9;
	s6 =	sadd.s32 @!p0 $0x88, s6;
	s7 =	simm.s32 @p2 $0x1082  }
0x22: {  	[simem:s7], [sflag:s8] =	dma.local @!p0 [hbm:s6], $0xF7A  }
0x23: {  	s9 =	sor.u32 $0xD0000000, s2;
	s6 =	simm.s32 $0x108;
	_ =	swait.ge @!p0 [sflag:s8], $0x0  }
0x24: {  	s3 =	sadd.s32 $0x88, s3;
	s6 =	simm.s32 @!p1 $0x1082;
	[sflag:s4] =	ssyncset.s32 $0xFFFFF086  }
0x25: {  	[simem:s6], [sflag:s4] =	dma.local [hbm:s3], $0xF7A  }
0x26: {  	[smem:$0x3F99] =	sst s1;
	(tag) =	ssettag s2;
	_ =	strace s9  }
0x27: {  	s1 =	sld [smem:$0x3FA9]  }
0x28: {  	s2 =	sld [smem:$0x3FAA]  }
0x29: {  	s4 =	sld [smem:$0x3FAC]  }
0x2a: {  	p0 =	seq.s32 s5, $0x0;
	s5 =	sld [smem:$0x3FAD]  }
0x2b: {  	s6 =	sld [smem:$0x3FAE]  }
0x2c: {  	s7 =	sld [smem:$0x3FAF]  }
0x2d: {  	s3 =	simm.s32 $0x108;
	s8 =	sld [smem:$0x3FB0]  }
0x2e: {  	s3 =	simm.s32 @!p0 $0x1082;
	s9 =	sld [smem:$0x3FB1]  }
0x2f: {  	lr =	sadd.s32 s0, s3;
	s0 =	sld [smem:$0x3FA8]  }
0x30: {  	s3 =	sld [smem:$0x3FAB]  }
0x31: {  	[smem:$0x3FB4] =	sst s10  }
0x32: {  	s10 =	sld [smem:$0x3FB2];
	_ =	sdelay $0x3  }
0x33: {  	p0 =	seq.s32 s10, $0x1;
	s10 =	sld [smem:$0x3FB4];
	_ =	sdelay $0x3  }
0x34: {  	[smem:$0x3FB4] =	sst s10  }
0x35: {  	s10 =	sld [smem:$0x3FB3];
	_ =	sdelay $0x3  }
0x36: {  	p1 =	seq.s32 s10, $0x1;
	s10 =	sld [smem:$0x3FB4];
	_ =	sdelay $0x3  }
0x37: {  	[smem:$0x3FB4] =	sst s10  }
0x38: {  	s10 =	sld [smem:$0x3FB5]  }
0x39: {  	_ = 	snop;
	(pc) =	sbr.ind lr, $3  }
0x3a: {  	_ = 	snop  }
0x3b: {  	_ = 	snop  }
0x3c: {  	p2 =	seq.s32 s10, $0x1;
	s10 =	sld [smem:$0x3FB4]  }
0x3d: {  	_ =	shalt  }
0x3e: {  	_ =	shalt  }
0x3f: {  	_ =	shalt  }
0x40: {  	_ =	shalt  }
0x41: {  	_ =	shalt  }
0x42: {  	_ =	shalt  }
0x43: {  	_ =	shalt  }
0x44: {  	_ =	shalt  }
0x45: {  	_ =	shalt  }
0x46: {  	_ =	shalt  }
0x47: {  	_ =	shalt  }
0x48: {  	_ =	shalt  }
0x49: {  	_ =	shalt  }
0x4a: {  	_ =	shalt  }
0x4b: {  	_ =	shalt  }
0x4c: {  	_ =	shalt  }
0x4d: {  	_ =	shalt  }
0x4e: {  	_ =	shalt  }
0x4f: {  	_ =	shalt  }
0x50: {  	_ =	shalt  }
0x51: {  	_ =	shalt  }
0x52: {  	_ =	shalt  }
0x53: {  	_ =	shalt  }
0x54: {  	_ =	shalt  }
0x55: {  	_ =	shalt  }
0x56: {  	_ =	shalt  }
0x57: {  	_ =	shalt  }
0x58: {  	_ =	shalt  }
0x59: {  	_ =	shalt  }
0x5a: {  	_ =	shalt  }
0x5b: {  	_ =	shalt  }
0x5c: {  	_ =	shalt  }
0x5d: {  	_ =	shalt  }
0x5e: {  	_ =	shalt  }
0x5f: {  	_ =	shalt  }
0x60: {  	_ =	shalt  }
0x61: {  	_ =	shalt  }
0x62: {  	_ =	shalt  }
0x63: {  	_ =	shalt  }
0x64: {  	_ =	shalt  }
0x65: {  	_ =	shalt  }
0x66: {  	_ =	shalt  }
0x67: {  	_ =	shalt  }
0x68: {  	_ =	shalt  }
0x69: {  	_ =	shalt  }
0x6a: {  	_ =	shalt  }
0x6b: {  	_ =	shalt  }
0x6c: {  	_ =	shalt  }
0x6d: {  	_ =	shalt  }
0x6e: {  	_ =	shalt  }
0x6f: {  	_ =	shalt  }
0x70: {  	_ =	shalt  }
0x71: {  	_ =	shalt  }
0x72: {  	_ =	shalt  }
0x73: {  	_ =	shalt  }
0x74: {  	_ =	shalt  }
0x75: {  	_ =	shalt  }
0x76: {  	_ =	shalt  }
0x77: {  	_ =	shalt  }
0x78: {  	_ =	shalt  }
0x79: {  	_ =	shalt  }
0x7a: {  	_ =	shalt  }
0x7b: {  	_ =	shalt  }
0x7c: {  	_ =	shalt  }
0x7d: {  	_ =	shalt  }
0x7e: {  	_ =	shalt  }
0x7f: {  	_ =	shalt  }
0x80: {  	_ =	shalt  }
0x81: {  	_ =	shalt  }
0x82: {  	_ =	shalt  }
0x83: {  	_ =	shalt  }
0x84: {  	_ =	shalt  }
0x85: {  	_ =	shalt  }
0x86: {  	_ =	shalt  }
0x87: {  	_ =	shalt  }
.Lfunc_end0:
.L_simem_size_0:
called_computation.2_lowered:
.L_overlay_start_0:
0x88: {  	s2 =	sld [smem:$0x3FD9]  }
0x89: {  	s3 =	sld [smem:$0x3FFE];
	_ =	sdelay $0x1  }
0x8a: {  	s1 =	srdreg.scid  }
0x8b: {  	s0 =	sand.u32 $0x1, s1  }
0x8c: {  	s17 =	sshll.u32 s0, $0xA;
	s2 =	sadd.s32 s3, s2  }
0x8d: {  	s2 =	sadd.s32 s2, s17  }
0x8e: {  	[smem:$0x3FC0] =	sst s2  }
0x8f: {  	_ = 	snop  }
0x90: {  	s2 =	sld [smem:$0x3FD0];
	(tm) =	ssettm $0x1  }
0x91: {  	s18 =	sld [smem:$0x3FFB];
	_ =	sdelay $0x3  }
0x92: {  	_ =	strace s18  }
0x93: {  	s3 =	sld [smem:$0x3FFC];
	_ =	sdelay $0x3  }
0x94: {  	_ =	strace s3  }
0x95: {  	s3 =	sld [smem:$0x3FFD];
	_ =	sdelay $0x3  }
0x96: {  	_ =	strace s3  }
0x97: {  	_ =	strace $0x8FFFFFFF  }
0x98: {  	s19 =	sld [smem:$0x3FDB];
	_ =	sdelay $0x1  }
0x99: {  	s4 =	simm.s32 $_scs_section_size  }
0x9a: {  	s5 =	simm.s32 $_size__tile_overlayer_lowered;
	s6 =	simm.s32 $_tile_overlayer_lowered  }
0x9b: {  	s22 =	simm.s32 $0x1BFF;
	s21 =	sshll.u32 s6, $0x1;
	s3 =	sadd.s32 s4, s19  }
0x9c: {  	s7 =	simm.s32 $0x0;
	s20 =	sshll.u32 s5, $0x1;
	s5 =	sadd.s32 s21, s3  }
0x9d: {  	[timem:s7], [sflag:s22] =	dma.local [hbm:s5], s20  }
0x9e: {  	_ =	swait.ge [sflag:s22], s20  }
0x9f: {  	s4 =	ssub.s32 $0x0, s20;
	[sflag:s22] =	ssyncset.done $0x0  }
0xa0: {  	[sflag:s22] =	ssyncadd.s32 s4;
	_ =	sdelay $0x1  }
0xa1: {  	s23 =	simm.s32 $0x1B8B  }
0xa2: {  	_ =	swait.ge [sflag:s23], $0x1  }
0xa3: {  	[sflag:s23] =	ssyncset.done $0x0  }
0xa4: {  	s25 =	simm.s32 $0x1B8E;
	s24 =	sld [smem:$0x3FFE];
	[sflag:s23] =	ssyncadd.s32 $0xFFFFFFFF  }
0xa5: {  	s26 =	simm.s32 $execute0_lowered;
	[smem:$0x3FD2] =	sst s25  }
0xa6: {  	s5 =	sshll.u32 s26, $0x1;
	_ =	strace $0x8000004C;
	[dreg:$0x1] =	wrdreg $0xFFFFFFFF  }
0xa7: {  	s28 =	simm.s32 $_size_execute0_lowered;
	s3 =	sadd.s32 s3, s5;
	[dreg:$0x0] =	wrdreg $0x0  }
0xa8: {  	s5 =	sshll.u32 s28, $0x1;
	[dreg:$0x2] =	wrdreg s3  }
0xa9: {  	[dreg:$0x3] =	wrdreg s5  }
0xaa: {  	[dreg:$0x4] =	wrdreg $0xC0  }
0xab: {  	_ =	task [dreg:s7], $0x5FFFF  }
0xac: {  	[dreg:$0x1] =	wrdreg $0xFFFFFFFF  }
0xad: {  	[dreg:$0x0] =	wrdreg $0x60  }
0xae: {  	[dreg:$0x2] =	wrdreg s2  }
0xaf: {  	[dreg:$0x3] =	wrdreg s24  }
0xb0: {  	[dreg:$0x4] =	wrdreg $0xA9000  }
0xb1: {  	[dreg:$0x5] =	wrdreg $0x9  }
0xb2: {  	_ =	task.clear_ibuf [dreg:s7], $0x6FFFF;
	_ =	strace $0x9000004C  }
0xb3: {  	s29 =	simm.s32 $0x9;
	_ =	strace $0x8000004E  }
0xb4: {  	_ =	swait.ge [sflag:s29], $0x1  }
0xb5: {  	[sflag:s29] =	ssyncadd.s32 $0xFFFFFFFF  }
0xb6: {  	_ =	strace $0x9000004E  }
0xb7: {  	_ =	sfence  }
0xb8: {  	s30 =	sld [smem:$0x0];
	_ =	sdelay $0x2  }
0xb9: {  	s31 =	sshll.u32 s1, $0xD;
	s1 =	sshrl.u32 s1, $0x2  }
0xba: {  	s3 =	sand.u32 $0x4000, s31;
	s1 =	sadd.s32 s1, s30  }
0xbb: {  	s0 =	sor.u32 s3, s0;
	s1 =	sshll.u32 s1, $0x11  }
0xbc: {  	s0 =	sor.u32 s1, s0  }
0xbd: {  	s0 =	sadd.s32 $0x8F2B, s0  }
0xbe: {  	[sflag:s0] =	ssyncadd.remote.s32 $0x1  }
0xbf: {  	_ =	sfence.sel $0xFFFF  }
0xc0: {  	[dreg:$0x0] =	wrdreg $0xFFFFFFFF;
	(pc) =	sbr.abs _section_cstart, $3  }
0xc1: {  	[dreg:$0x1] =	wrdreg $0xFFFFFFFF  }
0xc2: {  	_ =	task.clear_ibuf [dreg:s7], $0x2FFFF;
	_ =	strace $0x9FFFFFFF  }
0xc3: {  	(tm) =	ssettm $0x7FFFFFFF  }
tec
execute0_lowered:
.L_overlay_start_1:
0x0: {  	(tag) =	ssettag $0x1  }
0x1: {  	s2 =	rddreg [dreg:$0x0]  }
0x2: {  	s0 =	rddreg [dreg:$0x1]  }
0x3: {  	s3 =	rddreg [dreg:$0x2]  }
0x4: {  	s11 =	stileid.u32;
	s4 =	simm.s32 $0x0;
	s5 =	srdreg.scid  }
0x5: {  	s16 =	simm.s32 $0x5;
	s17 =	simm.s32 $0x80;
	s18 =	simm.s32 $0x2900  }
0x6: {  	s19 =	simm.s32 $0x2800;
	s20 =	simm.s32 $0x6900;
	s1 =	smul.u32 $0x50, s11  }
0x7: {  	s21 =	simm.s32 $0x2880;
	s6 =	sand.u32 $0x1, s5;
	s5 =	smul.u32 $0x500, s11  }
0x8: {  	s22 =	simm.s32 $0x1;
	s28 =	simm.s32 $0x0;
	s23 =	smul.u32 $0x13C00, s11  }
0x9: {  	[smem:$0x7FF] =	sst s4;
	s10 =	sadd.s32 $0x67C00, s0;
	s25 =	smul.u32 $0x4F000, s11  }
0xa: {  	s29 =	sshll.u32 s11, $0x6;
	p0 =	seq.s32 s6, $0x0;
	s9 =	smul.u32 $0x13C000, s6  }
0xb: {  	_ =	strace $0x8000004D;
	[dreg:$0x4] =	wrdreg s10;
	s6 =	ssub.s32 $0x2, s6  }
0xc: {  	s7 =	sadd.s32 $0x500, s1;
	s24 =	sshrl.u32 s6, $0x1;
	s26 =	sshrl.u32 s25, $0x2  }
0xd: {  	s25 =	simm.s32 $0x4;
	s8 =	sshll.u32 s7, $0x4;
	s6 =	ssub.s32 s6, s24  }
0xe: {  	s1 =	smov.u32 @p0 s7;
	s30 =	sadd.s32 s26, s3;
	s24 =	simm.s32 $0x2  }
0xf: {  	s5 =	smov.u32 @p0 s8;
	s8 =	sadd.s32 s23, s9;
	s7 =	sshll.u32 s1, $0x4  }
0x10: {  	s31 =	smax.u32 s6, $0x1;
	s15 =	sshrl.u32 s30, $0x3;
	s23 =	simm.s32 $0x3  }
0x11: {  	s13 =	sadd.s32 s5, s0;
	s5 =	sadd.s32 $0x3C00, s0;
	s8 =	sshrl.u32 s8, $0x3  }
0x12: {  	[dreg:$0x6] =	wrdreg s31;
	s0 =	sadd.s32 s8, s0;
	s8 =	sor.u32 $0x1C05, s29  }
0x13: {  	s9 =	sadd.s32 s5, s7;
	s13 =	sadd.s32 $0xDC00, s13;
	s0 =	sadd.s32 $0x6A400, s0  }
0x14: {  	s12 =	sadd.s32 $0x4F0, s9;
	s14 =	sadd.s32 $0x20, s9;
	[dreg:$0x5] =	wrdreg s0  }
.LBB2_1:
0x15: {  	s0 =	rddreg [dreg:$0x4]  }
0x16: {  	[spmem:s15], [sflag:s8] =	dma.local [hbm:s0], $0x2780  }
0x17: {  	_ =	swait.ge [sflag:s16], $0x2780  }
0x18: {  	[sflag:s16] =	ssyncset.done $0x0  }
0x19: {  	[sflag:s16] =	ssyncadd.s32 $0xFFFFD880  }
0x1a: {  	[tilespmem:s4], [sflag:$0x5] =	stream.linear.gather [hbm4b:s13+s4], $0x2800, $0x38;
	[tilespmem:$0x1E500] =	vst v63  }
0x1b: {  	_ =	swait.ge [sflag:s16], $0x2800  }
0x1c: {  	[sflag:s16] =	ssyncset.done $0x0  }
0x1d: {  	[sflag:s16] =	ssyncadd.s32 $0xFFFFD800  }
0x1e: {  	s10 =	sadd.s32 $0x0, s7;
	s1 =	sand.u32 $0x60, s4;
	[bflag:$0x0] =	sbarrier.arrive $0xFFFF  }
0x1f: {  	[tilespmem:s18], [sflag:$0x1] =	stream.indirect.gather [hbm4b:s2+s17], $0x80, s4, s17, $0xb8;
	[tilespmem:$0x1E500] =	vst v63  }
0x20: {  	s0 =	sand.u32 $0xFFFFF80, s10;
	s1 =	sadd.s32 s1, s5  }
0x21: {  	[tilespmem:s19], [sflag:$0x3] =	stream.linear.gather [hbm4b:s9+s4], $0x80, $0x38;
	[tilespmem:$0x1E500] =	vst v63  }
0x22: {  	s6 =	simm.s32 $0x80;
	s0 =	sadd.s32 s0, s1  }
0x23: {  	[tilespmem:s20], [sflag:$0x2] =	stream.indirect.gather [hbm4b:s2+s17], $0x80, s6, s17, $0xb8;
	[tilespmem:$0x1E500] =	vst v63  }
0x24: {  	s0 =	sadd.s32 $0x10, s0  }
0x25: {  	[tilespmem:s21], [sflag:$0x4] =	stream.linear.gather [hbm4b:s0+s4], $0x80, $0x38;
	[tilespmem:$0x1E500] =	vst v63  }
0x26: {  	_ =	swait.ge [sflag:s22], $0x4000  }
0x27: {  	[sflag:s22] =	ssyncset.done $0x0  }
0x28: {  	[sflag:s22] =	ssyncadd.s32 $0xFFFFC000  }
0x29: {  	_ =	swait.ge [sflag:s23], $0x80  }
0x2a: {  	[sflag:s23] =	ssyncset.done $0x0  }
0x2b: {  	[sflag:s23] =	ssyncadd.s32 $0xFFFFFF80  }
0x2c: {  	[spmem:s3] =	stream.indirect.scatter.add.f32 [tilespmem:s18], [sflag:$0x5], $0x80, s19, s17, $0xb8;
	[tilespmem:$0x1E500] =	vst v63  }
0x2d: {  	_ =	swait.ge [sflag:s16], $0x4000  }
0x2e: {  	[sflag:s16] =	ssyncset.done $0x0  }
0x2f: {  	s11 =	simm.s32 $0x100;
	[sflag:s16] =	ssyncadd.s32 $0xFFFFC000  }
0x30: {  	[tilespmem:s18], [sflag:$0x1] =	stream.indirect.gather [hbm4b:s2+s17], $0x80, s11, s17, $0xb8;
	[tilespmem:$0x1E500] =	vst v63  }
0x31: {  	s26 =	sadd.s32 $0x0, s14  }
0x32: {  	[tilespmem:s19], [sflag:$0x3] =	stream.linear.gather [hbm4b:s26+s4], $0x80, $0x38;
	[tilespmem:$0x1E500] =	vst v63  }
0x33: {  	_ =	swait.ge [sflag:s24], $0x4000  }
0x34: {  	[sflag:s24] =	ssyncset.done $0x0  }
0x35: {  	[sflag:s24] =	ssyncadd.s32 $0xFFFFC000  }
0x36: {  	s29 =	simm.s32 $0x20;
	_ =	swait.ge [sflag:s25], $0x80  }
0x37: {  	s30 =	simm.s32 $0x200;
	s31 =	simm.s32 $0x40;
	[sflag:s25] =	ssyncset.done $0x0  }
0x38: {  	s1 =	simm.s32 $0x180;
	s6 =	sand.u32 $0x60, s29;
	[sflag:s25] =	ssyncadd.s32 $0xFFFFFF80  }
0x39: {  	[spmem:s3] =	stream.indirect.scatter.add.f32 [tilespmem:s20], [sflag:$0x5], $0x80, s21, s17, $0xb8;
	[tilespmem:$0x1E500] =	vst v63  }
0x3a: {  	s0 =	simm.s32 $0x300;
	s26 =	sadd.s32 $0x20, s7;
	_ =	swait.ge [sflag:s16], $0x4000  }
.LBB2_2:
0x3b: {  	s26 =	sand.u32 $0xFFFFF80, s26  }
0x3c: {  	s6 =	sadd.s32 s6, s5;
	[sflag:s16] =	ssyncset.done $0x0;
	s10 =	smov.u32 s31  }
0x3d: {  	s11 =	sadd.s32 $0xFFFFFF80, s0;
	s6 =	sadd.s32 s26, s6;
	[sflag:s16] =	ssyncadd.s32 $0xFFFFC000  }
0x3e: {  	[tilespmem:s20], [sflag:$0x2] =	stream.indirect.gather [hbm4b:s2+s17], $0x80, s1, s17, $0xb8;
	[tilespmem:$0x1E500] =	vst v63  }
0x3f: {  	p0 =	sne.s32 s31, $0x4C0;
	s31 =	sadd.s32 $0x20, s31;
	s1 =	sadd.s32 $0x10, s6  }
0x40: {  	[tilespmem:s21], [sflag:$0x4] =	stream.linear.gather [hbm4b:s1+s4], $0x80, $0x38;
	[tilespmem:$0x1E500] =	vst v63  }
0x41: {  	s1 =	smov.u32 s11;
	_ =	swait.ge [sflag:s22], $0x4000  }
0x42: {  	[sflag:s22] =	ssyncset.done $0x0  }
0x43: {  	[sflag:s22] =	ssyncadd.s32 $0xFFFFC000  }
0x44: {  	_ =	swait.ge [sflag:s23], $0x80  }
0x45: {  	[sflag:s23] =	ssyncset.done $0x0  }
0x46: {  	[sflag:s23] =	ssyncadd.s32 $0xFFFFFF80  }
0x47: {  	[spmem:s3] =	stream.indirect.scatter.add.f32 [tilespmem:s18], [sflag:$0x5], $0x80, s19, s17, $0xb8;
	[tilespmem:$0x1E500] =	vst v63  }
0x48: {  	_ =	swait.ge [sflag:s16], $0x4000  }
0x49: {  	[sflag:s16] =	ssyncset.done $0x0  }
0x4a: {  	s6 =	sadd.s32 s29, s14;
	s29 =	smov.u32 s10;
	[sflag:s16] =	ssyncadd.s32 $0xFFFFC000  }
0x4b: {  	[tilespmem:s18], [sflag:$0x1] =	stream.indirect.gather [hbm4b:s2+s17], $0x80, s30, s17, $0xb8;
	[tilespmem:$0x1E500] =	vst v63  }
0x4c: {  	s30 =	smov.u32 s0  }
0x4d: {  	[tilespmem:s19], [sflag:$0x3] =	stream.linear.gather [hbm4b:s6+s4], $0x80, $0x38;
	[tilespmem:$0x1E500] =	vst v63  }
0x4e: {  	_ =	swait.ge [sflag:s24], $0x4000  }
0x4f: {  	[sflag:s24] =	ssyncset.done $0x0  }
0x50: {  	[sflag:s24] =	ssyncadd.s32 $0xFFFFC000  }
.Ltmp0:
0x51: {  	_ =	swait.ge [sflag:s25], $0x80;
	(pc) =	sbr.rel @p0 .LBB2_2-.Ltmp0, $4  }
0x52: {  	[sflag:s25] =	ssyncset.done $0x0  }
0x53: {  	s0 =	sadd.s32 $0x100, s0;
	[sflag:s25] =	ssyncadd.s32 $0xFFFFFF80  }
0x54: {  	[spmem:s3] =	stream.indirect.scatter.add.f32 [tilespmem:s20], [sflag:$0x5], $0x80, s21, s17, $0xb8;
	[tilespmem:$0x1E500] =	vst v63  }
0x55: {  	s26 =	sadd.s32 s29, s7;
	s6 =	sand.u32 $0x60, s29;
	_ =	swait.ge [sflag:s16], $0x4000  }
0x56: {  	s0 =	sand.u32 $0xFFFFF80, s26;
	s6 =	sadd.s32 s6, s5;
	[sflag:s16] =	ssyncset.done $0x0  }
0x57: {  	s0 =	sadd.s32 s0, s6;
	[sflag:s16] =	ssyncadd.s32 $0xFFFFC000  }
0x58: {  	[tilespmem:s20], [sflag:$0x2] =	stream.indirect.gather [hbm4b:s2+s17], $0x80, s1, s17, $0xb8;
	[tilespmem:$0x1E500] =	vst v63  }
0x59: {  	s0 =	sadd.s32 $0x10, s0  }
0x5a: {  	[tilespmem:s21], [sflag:$0x4] =	stream.linear.gather [hbm4b:s0+s4], $0x80, $0x38;
	[tilespmem:$0x1E500] =	vst v63  }
0x5b: {  	_ =	swait.ge [sflag:s22], $0x4000  }
0x5c: {  	[sflag:s22] =	ssyncset.done $0x0  }
0x5d: {  	[sflag:s22] =	ssyncadd.s32 $0xFFFFC000  }
0x5e: {  	_ =	swait.ge [sflag:s23], $0x80  }
0x5f: {  	[sflag:s23] =	ssyncset.done $0x0  }
0x60: {  	[sflag:s23] =	ssyncadd.s32 $0xFFFFFF80  }
0x61: {  	[spmem:s3] =	stream.indirect.scatter.add.f32 [tilespmem:s18], [sflag:$0x5], $0x80, s19, s17, $0xb8;
	[tilespmem:$0x1E500] =	vst v63  }
0x62: {  	_ =	swait.ge [sflag:s16], $0x4000  }
0x63: {  	[sflag:s16] =	ssyncset.done $0x0  }
0x64: {  	[sflag:s16] =	ssyncadd.s32 $0xFFFFC000  }
0x65: {  	[tilespmem:s18], [sflag:$0x1] =	stream.indirect.gather [hbm4b:s2+s17], $0x80, s30, s17, $0xb8;
	[tilespmem:$0x1E500] =	vst v63  }
0x66: {  	s26 =	sadd.s32 s29, s14  }
0x67: {  	[tilespmem:s19], [sflag:$0x3] =	stream.linear.gather [hbm4b:s26+s4], $0x80, $0x38;
	[tilespmem:$0x1E500] =	vst v63  }
0x68: {  	_ =	swait.ge [sflag:s24], $0x4000  }
0x69: {  	[sflag:s24] =	ssyncset.done $0x0  }
0x6a: {  	[sflag:s24] =	ssyncadd.s32 $0xFFFFC000  }
0x6b: {  	_ =	swait.ge [sflag:s25], $0x80  }
0x6c: {  	[sflag:s25] =	ssyncset.done $0x0  }
0x6d: {  	[sflag:s25] =	ssyncadd.s32 $0xFFFFFF80  }
0x6e: {  	[spmem:s3] =	stream.indirect.scatter.add.f32 [tilespmem:s20], [sflag:$0x5], $0x80, s21, s17, $0xb8;
	[tilespmem:$0x1E500] =	vst v63  }
0x6f: {  	_ =	swait.ge [sflag:s16], $0x4000  }
0x70: {  	[sflag:s16] =	ssyncset.done $0x0  }
0x71: {  	s29 =	simm.s32 $0x2780;
	[sflag:s16] =	ssyncadd.s32 $0xFFFFC000  }
0x72: {  	[tilespmem:s20], [sflag:$0x2] =	stream.indirect.gather [hbm4b:s2+s17], $0x80, s29, s17, $0xb8;
	[tilespmem:$0x1E500] =	vst v63  }
0x73: {  	_ = 	snop  }
0x74: {  	[tilespmem:s21], [sflag:$0x4] =	stream.linear.gather [hbm4b:s12+s4], $0x80, $0x38;
	[tilespmem:$0x1E500] =	vst v63  }
0x75: {  	_ =	swait.ge [sflag:s22], $0x4000  }
0x76: {  	[sflag:s22] =	ssyncset.done $0x0  }
0x77: {  	[sflag:s22] =	ssyncadd.s32 $0xFFFFC000  }
0x78: {  	_ =	swait.ge [sflag:s23], $0x80  }
0x79: {  	[sflag:s23] =	ssyncset.done $0x0  }
0x7a: {  	[sflag:s23] =	ssyncadd.s32 $0xFFFFFF80  }
0x7b: {  	[spmem:s3] =	stream.indirect.scatter.add.f32 [tilespmem:s18], [sflag:$0x5], $0x80, s19, s17, $0xb8;
	[tilespmem:$0x1E500] =	vst v63  }
0x7c: {  	_ =	swait.ge [sflag:s16], $0x4000  }
0x7d: {  	[sflag:s16] =	ssyncset.done $0x0  }
0x7e: {  	[sflag:s16] =	ssyncadd.s32 $0xFFFFC000  }
0x7f: {  	_ =	swait.ge [sflag:s24], $0x4000  }
0x80: {  	[sflag:s24] =	ssyncset.done $0x0  }
0x81: {  	[sflag:s24] =	ssyncadd.s32 $0xFFFFC000  }
0x82: {  	_ =	swait.ge [sflag:s25], $0x80  }
0x83: {  	[sflag:s25] =	ssyncset.done $0x0  }
0x84: {  	[sflag:s25] =	ssyncadd.s32 $0xFFFFFF80  }
0x85: {  	[spmem:s3] =	stream.indirect.scatter.add.f32 [tilespmem:s20], [sflag:$0x5], $0x80, s21, s17, $0xb8;
	[tilespmem:$0x1E500] =	vst v63  }
0x86: {  	_ =	swait.ge [sflag:s16], $0x4000  }
0x87: {  	[sflag:s16] =	ssyncset.done $0x0  }
0x88: {  	[sflag:s16] =	ssyncadd.s32 $0xFFFFC000  }
0x89: {  	[bflag:$0x0] =	sbarrier.arrive $0xFFFF  }
0x8a: {  	s30 =	rddreg [dreg:$0x5]  }
0x8b: {  	[hbm:s30], [sflag:s8] =	dma.local [spmem:s15], $0x2780  }
0x8c: {  	_ =	swait.ge [sflag:s16], $0x2780  }
0x8d: {  	s28 =	sadd.s32 $0x1, s28;
	s31 =	rddreg [dreg:$0x6]  }
0x8e: {  	p0 =	sne.s32 s28, s31  }
.Ltmp1:
0x8f: {  	_ = 	snop;
	(pc) =	sbr.rel @p0 .LBB2_1-.Ltmp1, $3  }
0x90: {  	_ =	sdelay $0x1  }
0x91: {  	[sflag:s16] =	ssyncset.done $0x0  }
0x92: {  	[sflag:s16] =	ssyncadd.s32 $0xFFFFD880  }
0x93: {  	_ =	sfence.sel $0x180000  }
0x94: {  	[bflag:$0x0] =	sbarrier.arrive $0xFFFF  }
0x95: {  	_ =	strace $0x9000004D  }
0x96: {  	s0 =	stileid.u32;
	[bflag:$0x2] =	sbarrier.arrive $0xFFFF  }
0x97: {  	p0 =	sne.s32 s0, $0x0;
	s0 =	rddreg [dreg:$0x3]  }
0x98: {  	s0 =	sadd.s32 @!p0 $0x100000, s0  }
0x99: {  	[sflag:s0] =	ssyncadd.tile.s32 @!p0 $0x1;
	_ =	shalt  }
.Lfunc_end2:
_tile_overlayer_lowered:
.L_overlay_start_2:
0x9a: {  	(tag) =	ssettag $0x2  }
0x9b: {  	s0 =	rddreg [dreg:$0x0];
	s2 =	stileid.u32  }
0x9c: {  	s1 =	rddreg [dreg:$0x1];
	p0 =	sne.s32 s2, $0x0  }
0x9d: {  	s3 =	rddreg [dreg:$0x2];
	[bflag:$0x3] =	sbarrier.arrive $0xFFFF;
	s2 =	simm.s32 @!p0 $0x1C05  }
0x9e: {  	[timem:s3], [sflag:s2] =	dma.local @!p0 [hbm:s0], s1  }
0x9f: {  	s0 =	simm.s32 @!p0 $0x5  }
0xa0: {  	_ =	swait.ge @!p0 [sflag:s0], s1  }
0xa1: {  	s1 =	ssub.s32 @!p0 $0x0, s1;
	[sflag:s0] =	ssyncset.done @!p0 $0x0  }
0xa2: {  	[sflag:s0] =	ssyncadd.s32 @!p0 s1  }
0xa3: {  	[bflag:$0x3] =	sbarrier.arrive $0xFFFF  }
0xa4: {  	_ =	shalt  }

// kernel: kernel.8.cloned.1.call-start
scs
__scs_entry_jumppad:
0x0: {  	(pc) =	sbr.rel $0x88, $3  }
0x1: {  	(tag) =	ssettag $0x0;
	lr =	simm.s32 $0x1  }
0x2: {  	[smem:$0x3F99] =	sst lr;
	_ =	strace $0xD0000000  }
0x3: {  	_ = 	snop  }
0x4: {  	_ = 	snop  }
0x5: {  	_ = 	snop  }
0x6: {  	_ = 	snop  }
0x7: {  	_ = 	snop  }
__scs_overlays_trampoline_lowered:
0x8: {  	[smem:$0x3FA8] =	sst s0  }
0x9: {  	[smem:$0x3FA9] =	sst s1  }
0xa: {  	[smem:$0x3FAA] =	sst s2  }
0xb: {  	[smem:$0x3FAB] =	sst s3  }
0xc: {  	[smem:$0x3FAC] =	sst s4  }
0xd: {  	[smem:$0x3FAD] =	sst s5  }
0xe: {  	[smem:$0x3FAE] =	sst s6  }
0xf: {  	[smem:$0x3FAF] =	sst s7  }
0x10: {  	[smem:$0x3FB0] =	sst s8  }
0x11: {  	[smem:$0x3FB1] =	sst s9;
	s0 =	simm.s32 @!p0 $0x0  }
0x12: {  	s1 =	sld [smem:$0x3F97];
	s0 =	simm.s32 @p0 $0x1  }
0x13: {  	[smem:$0x3FB2] =	sst s0;
	s0 =	simm.s32 @!p1 $0x0  }
0x14: {  	s2 =	sld [smem:$0x3F96];
	s0 =	simm.s32 @p1 $0x1  }
0x15: {  	[smem:$0x3FB3] =	sst s0;
	s0 =	simm.s32 @!p2 $0x0  }
0x16: {  	s3 =	sld [smem:$0x3FDB];
	s0 =	simm.s32 @p2 $0x1  }
0x17: {  	s4 =	simm.s32 $0x1BF5;
	[smem:$0x3FB5] =	sst s0  }
0x18: {  	s0 =	sld [smem:$0x3F98];
	_ =	swait.ge [sflag:s4], $0x0  }
0x19: {  	s7 =	sld [smem:$0x3F99]  }
0x1a: {  	s8 =	sadd.s32 $0xFFFFE003, lr  }
0x1b: {  	s9 =	sadd.s32 $0xFFFFFEF7, lr;
	s5 =	simm.s32 $0xFFFFFFFF;
	p2 =	slt.u32 s8, $0xFFFFF086  }
0x1c: {  	p1 =	slt.u32 s9, $0xF7A;
	s5 =	simm.s32 @!p2 $0x0  }
0x1d: {  	s5 =	simm.s32 @p1 $0x1;
	p0 =	seq.s32 s7, s2  }
0x1e: {  	s7 =	smul.u32 @!p0 $0xF7A, s2;
	p2 =	seq.s32 @!p0 s5, $0x0  }
0x1f: {  	s9 =	smul.u32 $0xF7A, s1;
	s8 =	simm.s32 @!p0 $0x1BF5;
	p2 =	por !p2, p0  }
0x20: {  	[sflag:s8] =	ssyncset.s32 @!p0 $0xFFFFF086;
	s6 =	sadd.s32 @!p0 s3, s7;
	s7 =	simm.s32 @!p0 $0x108  }
0x21: {  	s3 =	sadd.s32 s3, s9;
	s6 =	sadd.s32 @!p0 $0x88, s6;
	s7 =	simm.s32 @p2 $0x1082  }
0x22: {  	[simem:s7], [sflag:s8] =	dma.local @!p0 [hbm:s6], $0xF7A  }
0x23: {  	s9 =	sor.u32 $0xD0000000, s2;
	s6 =	simm.s32 $0x108;
	_ =	swait.ge @!p0 [sflag:s8], $0x0  }
0x24: {  	s3 =	sadd.s32 $0x88, s3;
	s6 =	simm.s32 @!p1 $0x1082;
	[sflag:s4] =	ssyncset.s32 $0xFFFFF086  }
0x25: {  	[simem:s6], [sflag:s4] =	dma.local [hbm:s3], $0xF7A  }
0x26: {  	[smem:$0x3F99] =	sst s1;
	(tag) =	ssettag s2;
	_ =	strace s9  }
0x27: {  	s1 =	sld [smem:$0x3FA9]  }
0x28: {  	s2 =	sld [smem:$0x3FAA]  }
0x29: {  	s4 =	sld [smem:$0x3FAC]  }
0x2a: {  	p0 =	seq.s32 s5, $0x0;
	s5 =	sld [smem:$0x3FAD]  }
0x2b: {  	s6 =	sld [smem:$0x3FAE]  }
0x2c: {  	s7 =	sld [smem:$0x3FAF]  }
0x2d: {  	s3 =	simm.s32 $0x108;
	s8 =	sld [smem:$0x3FB0]  }
0x2e: {  	s3 =	simm.s32 @!p0 $0x1082;
	s9 =	sld [smem:$0x3FB1]  }
0x2f: {  	lr =	sadd.s32 s0, s3;
	s0 =	sld [smem:$0x3FA8]  }
0x30: {  	s3 =	sld [smem:$0x3FAB]  }
0x31: {  	[smem:$0x3FB4] =	sst s10  }
0x32: {  	s10 =	sld [smem:$0x3FB2];
	_ =	sdelay $0x3  }
0x33: {  	p0 =	seq.s32 s10, $0x1;
	s10 =	sld [smem:$0x3FB4];
	_ =	sdelay $0x3  }
0x34: {  	[smem:$0x3FB4] =	sst s10  }
0x35: {  	s10 =	sld [smem:$0x3FB3];
	_ =	sdelay $0x3  }
0x36: {  	p1 =	seq.s32 s10, $0x1;
	s10 =	sld [smem:$0x3FB4];
	_ =	sdelay $0x3  }
0x37: {  	[smem:$0x3FB4] =	sst s10  }
0x38: {  	s10 =	sld [smem:$0x3FB5]  }
0x39: {  	_ = 	snop;
	(pc) =	sbr.ind lr, $3  }
0x3a: {  	_ = 	snop  }
0x3b: {  	_ = 	snop  }
0x3c: {  	p2 =	seq.s32 s10, $0x1;
	s10 =	sld [smem:$0x3FB4]  }
0x3d: {  	_ =	shalt  }
0x3e: {  	_ =	shalt  }
0x3f: {  	_ =	shalt  }
0x40: {  	_ =	shalt  }
0x41: {  	_ =	shalt  }
0x42: {  	_ =	shalt  }
0x43: {  	_ =	shalt  }
0x44: {  	_ =	shalt  }
0x45: {  	_ =	shalt  }
0x46: {  	_ =	shalt  }
0x47: {  	_ =	shalt  }
0x48: {  	_ =	shalt  }
0x49: {  	_ =	shalt  }
0x4a: {  	_ =	shalt  }
0x4b: {  	_ =	shalt  }
0x4c: {  	_ =	shalt  }
0x4d: {  	_ =	shalt  }
0x4e: {  	_ =	shalt  }
0x4f: {  	_ =	shalt  }
0x50: {  	_ =	shalt  }
0x51: {  	_ =	shalt  }
0x52: {  	_ =	shalt  }
0x53: {  	_ =	shalt  }
0x54: {  	_ =	shalt  }
0x55: {  	_ =	shalt  }
0x56: {  	_ =	shalt  }
0x57: {  	_ =	shalt  }
0x58: {  	_ =	shalt  }
0x59: {  	_ =	shalt  }
0x5a: {  	_ =	shalt  }
0x5b: {  	_ =	shalt  }
0x5c: {  	_ =	shalt  }
0x5d: {  	_ =	shalt  }
0x5e: {  	_ =	shalt  }
0x5f: {  	_ =	shalt  }
0x60: {  	_ =	shalt  }
0x61: {  	_ =	shalt  }
0x62: {  	_ =	shalt  }
0x63: {  	_ =	shalt  }
0x64: {  	_ =	shalt  }
0x65: {  	_ =	shalt  }
0x66: {  	_ =	shalt  }
0x67: {  	_ =	shalt  }
0x68: {  	_ =	shalt  }
0x69: {  	_ =	shalt  }
0x6a: {  	_ =	shalt  }
0x6b: {  	_ =	shalt  }
0x6c: {  	_ =	shalt  }
0x6d: {  	_ =	shalt  }
0x6e: {  	_ =	shalt  }
0x6f: {  	_ =	shalt  }
0x70: {  	_ =	shalt  }
0x71: {  	_ =	shalt  }
0x72: {  	_ =	shalt  }
0x73: {  	_ =	shalt  }
0x74: {  	_ =	shalt  }
0x75: {  	_ =	shalt  }
0x76: {  	_ =	shalt  }
0x77: {  	_ =	shalt  }
0x78: {  	_ =	shalt  }
0x79: {  	_ =	shalt  }
0x7a: {  	_ =	shalt  }
0x7b: {  	_ =	shalt  }
0x7c: {  	_ =	shalt  }
0x7d: {  	_ =	shalt  }
0x7e: {  	_ =	shalt  }
0x7f: {  	_ =	shalt  }
0x80: {  	_ =	shalt  }
0x81: {  	_ =	shalt  }
0x82: {  	_ =	shalt  }
0x83: {  	_ =	shalt  }
0x84: {  	_ =	shalt  }
0x85: {  	_ =	shalt  }
0x86: {  	_ =	shalt  }
0x87: {  	_ =	shalt  }
.Lfunc_end0:
.L_simem_size_0:
called_computation_lowered:
.L_overlay_start_0:
0x88: {  	s2 =	sld [smem:$0x3FD9]  }
0x89: {  	s3 =	sld [smem:$0x3FFE];
	_ =	sdelay $0x1  }
0x8a: {  	s1 =	srdreg.scid  }
0x8b: {  	s0 =	sand.u32 $0x1, s1  }
0x8c: {  	s17 =	sshll.u32 s0, $0xA;
	s2 =	sadd.s32 s3, s2  }
0x8d: {  	s2 =	sadd.s32 s2, s17  }
0x8e: {  	[smem:$0x3FC0] =	sst s2  }
0x8f: {  	_ = 	snop  }
0x90: {  	s2 =	sld [smem:$0x3FD0];
	(tm) =	ssettm $0x1  }
0x91: {  	s18 =	sld [smem:$0x3FFB];
	_ =	sdelay $0x3  }
0x92: {  	_ =	strace s18  }
0x93: {  	s3 =	sld [smem:$0x3FFC];
	_ =	sdelay $0x3  }
0x94: {  	_ =	strace s3  }
0x95: {  	s3 =	sld [smem:$0x3FFD];
	_ =	sdelay $0x3  }
0x96: {  	_ =	strace s3  }
0x97: {  	_ =	strace $0x8FFFFFFF  }
0x98: {  	s19 =	sld [smem:$0x3FDB];
	_ =	sdelay $0x1  }
0x99: {  	s4 =	simm.s32 $_scs_section_size  }
0x9a: {  	s5 =	simm.s32 $_size__tile_overlayer_lowered;
	s6 =	simm.s32 $_tile_overlayer_lowered  }
0x9b: {  	s22 =	simm.s32 $0x1BFF;
	s21 =	sshll.u32 s6, $0x1;
	s3 =	sadd.s32 s4, s19  }
0x9c: {  	s7 =	simm.s32 $0x0;
	s20 =	sshll.u32 s5, $0x1;
	s5 =	sadd.s32 s21, s3  }
0x9d: {  	[timem:s7], [sflag:s22] =	dma.local [hbm:s5], s20  }
0x9e: {  	_ =	swait.ge [sflag:s22], s20  }
0x9f: {  	s4 =	ssub.s32 $0x0, s20;
	[sflag:s22] =	ssyncset.done $0x0  }
0xa0: {  	[sflag:s22] =	ssyncadd.s32 s4;
	_ =	sdelay $0x1  }
0xa1: {  	s23 =	simm.s32 $0x1B8B  }
0xa2: {  	_ =	swait.ge [sflag:s23], $0x1  }
0xa3: {  	[sflag:s23] =	ssyncset.done $0x0  }
0xa4: {  	s25 =	simm.s32 $0x1B8E;
	s24 =	sld [smem:$0x3FFE];
	[sflag:s23] =	ssyncadd.s32 $0xFFFFFFFF  }
0xa5: {  	s26 =	simm.s32 $execute0_lowered;
	[smem:$0x3FD2] =	sst s25  }
0xa6: {  	s5 =	sshll.u32 s26, $0x1;
	_ =	strace $0x80000046;
	[dreg:$0x1] =	wrdreg $0xFFFFFFFF  }
0xa7: {  	s28 =	simm.s32 $_size_execute0_lowered;
	s3 =	sadd.s32 s3, s5;
	[dreg:$0x0] =	wrdreg $0x0  }
0xa8: {  	s5 =	sshll.u32 s28, $0x1;
	[dreg:$0x2] =	wrdreg s3  }
0xa9: {  	[dreg:$0x3] =	wrdreg s5  }
0xaa: {  	[dreg:$0x4] =	wrdreg $0xC0  }
0xab: {  	_ =	task [dreg:s7], $0x5FFFF  }
0xac: {  	[dreg:$0x1] =	wrdreg $0xFFFFFFFF  }
0xad: {  	[dreg:$0x0] =	wrdreg $0x60  }
0xae: {  	[dreg:$0x2] =	wrdreg s2  }
0xaf: {  	[dreg:$0x3] =	wrdreg s24  }
0xb0: {  	[dreg:$0x4] =	wrdreg $0x2B000  }
0xb1: {  	[dreg:$0x5] =	wrdreg $0x9  }
0xb2: {  	_ =	task.clear_ibuf [dreg:s7], $0x6FFFF;
	_ =	strace $0x90000046  }
0xb3: {  	s29 =	simm.s32 $0x9;
	_ =	strace $0x80000048  }
0xb4: {  	_ =	swait.ge [sflag:s29], $0x1  }
0xb5: {  	[sflag:s29] =	ssyncadd.s32 $0xFFFFFFFF  }
0xb6: {  	_ =	strace $0x90000048  }
0xb7: {  	_ =	sfence  }
0xb8: {  	s30 =	sld [smem:$0x0];
	_ =	sdelay $0x2  }
0xb9: {  	s31 =	sshll.u32 s1, $0xD;
	s1 =	sshrl.u32 s1, $0x2  }
0xba: {  	s3 =	sand.u32 $0x4000, s31;
	s1 =	sadd.s32 s1, s30  }
0xbb: {  	s0 =	sor.u32 s3, s0;
	s1 =	sshll.u32 s1, $0x11  }
0xbc: {  	s0 =	sor.u32 s1, s0  }
0xbd: {  	s0 =	sadd.s32 $0x8F2B, s0  }
0xbe: {  	[sflag:s0] =	ssyncadd.remote.s32 $0x1  }
0xbf: {  	_ =	sfence.sel $0xFFFF  }
0xc0: {  	[dreg:$0x0] =	wrdreg $0xFFFFFFFF;
	(pc) =	sbr.abs _section_cstart, $3  }
0xc1: {  	[dreg:$0x1] =	wrdreg $0xFFFFFFFF  }
0xc2: {  	_ =	task.clear_ibuf [dreg:s7], $0x2FFFF;
	_ =	strace $0x9FFFFFFF  }
0xc3: {  	(tm) =	ssettm $0x7FFFFFFF  }
tec
execute0_lowered:
.L_overlay_start_1:
0x0: {  	(tag) =	ssettag $0x1  }
0x1: {  	s5 =	rddreg [dreg:$0x0]  }
0x2: {  	s4 =	rddreg [dreg:$0x1]  }
0x3: {  	s2 =	rddreg [dreg:$0x2]  }
0x4: {  	s0 =	rddreg [dreg:$0x3];
	s6 =	srdreg.scid  }
0x5: {  	s1 =	stileid.u32;
	s3 =	simm.s32 $0x0;
	s11 =	simm.s32 $0x2800  }
0x6: {  	s12 =	simm.s32 $0x1;
	s15 =	simm.s32 $0x20;
	s16 =	simm.s32 $0x10  }
0x7: {  	s17 =	simm.s32 $0x0;
	s6 =	sand.u32 $0x1, s6;
	s7 =	smul.u32 $0x500, s1  }
0x8: {  	[smem:$0x7FF] =	sst s3;
	s29 =	sshll.u32 s1, $0x1;
	s10 =	smul.u32 $0xA00, s1  }
0x9: {  	s13 =	sshll.u32 s1, $0x6;
	s8 =	sshll.u32 s6, $0x7;
	_ =	strace $0x80000047  }
0xa: {  	s9 =	ssub.s32 $0x2, s6;
	s6 =	sor.u32 s6, s29;
	s13 =	sor.u32 $0x1C02, s13  }
0xb: {  	s7 =	sor.u32 s8, s7;
	s30 =	sshrl.u32 s9, $0x1;
	s6 =	smul.u32 $0x500, s6  }
0xc: {  	s31 =	sshrl.u32 s10, $0x2;
	s10 =	simm.s32 $0x80;
	s7 =	sshrl.u32 s7, $0x3  }
0xd: {  	s8 =	ssub.s32 s9, s30;
	s9 =	simm.s32 $0x2;
	s7 =	sadd.s32 s7, s4  }
0xe: {  	s4 =	sadd.s32 s31, s2;
	s5 =	sadd.s32 s5, s6;
	s6 =	sadd.s32 $0x3200, s7  }
0xf: {  	v0 =	vimm.f32 $1.000000000e+00;
	v1 =	vimm.f32 $0.0e+00;
	s7 =	smax.u32 s8, $0x1;
	s8 =	simm.s32 $0x2880;
	s14 =	sshrl.u32 s4, $0x3  }
.LBB2_1:
0x10: {  	[tilespmem:$0x2800] =	vst v0  }
0x11: {  	[tilespmem:$0x2810] =	vst v0  }
0x12: {  	[tilespmem:$0x2820] =	vst v0  }
0x13: {  	[tilespmem:$0x2830] =	vst v0  }
0x14: {  	[tilespmem:$0x2840] =	vst v0  }
0x15: {  	[tilespmem:$0x2850] =	vst v0  }
0x16: {  	[tilespmem:$0x2860] =	vst v0  }
0x17: {  	[tilespmem:$0x2870] =	vst v0  }
0x18: {  	[tilespmem:$0x2880] =	vst v1  }
0x19: {  	[tilespmem:$0x2890] =	vst v1  }
0x1a: {  	[tilespmem:$0x28A0] =	vst v1  }
0x1b: {  	[tilespmem:$0x28B0] =	vst v1  }
0x1c: {  	[tilespmem:$0x28C0] =	vst v1  }
0x1d: {  	[tilespmem:$0x28D0] =	vst v1  }
0x1e: {  	[tilespmem:$0x28E0] =	vst v1  }
0x1f: {  	[tilespmem:$0x28F0] =	vst v1  }
0x20: {  	[tilespmem:$0x2900] =	vst v1  }
0x21: {  	[tilespmem:$0x2910] =	vst v1  }
0x22: {  	[tilespmem:$0x2920] =	vst v1  }
0x23: {  	[tilespmem:$0x2930] =	vst v1  }
0x24: {  	[tilespmem:$0x2940] =	vst v1  }
0x25: {  	[tilespmem:$0x2950] =	vst v1  }
0x26: {  	[tilespmem:$0x2960] =	vst v1  }
0x27: {  	[tilespmem:$0x2970] =	vst v1  }
0x28: {  	[tilespmem:$0x2980] =	vst v1  }
0x29: {  	[tilespmem:$0x2990] =	vst v1  }
0x2a: {  	[tilespmem:$0x29A0] =	vst v1  }
0x2b: {  	[tilespmem:$0x29B0] =	vst v1  }
0x2c: {  	[tilespmem:$0x29C0] =	vst v1  }
0x2d: {  	[tilespmem:$0x29D0] =	vst v1  }
0x2e: {  	[tilespmem:$0x29E0] =	vst v1  }
0x2f: {  	[tilespmem:$0x29F0] =	vst v1  }
0x30: {  	[tilespmem:$0x2A00] =	vst v1  }
0x31: {  	[tilespmem:$0x2A10] =	vst v1  }
0x32: {  	[tilespmem:$0x2A20] =	vst v1  }
0x33: {  	[tilespmem:$0x2A30] =	vst v1  }
0x34: {  	[tilespmem:$0x2A40] =	vst v1  }
0x35: {  	[tilespmem:$0x2A50] =	vst v1  }
0x36: {  	[tilespmem:$0x2A60] =	vst v1  }
0x37: {  	[tilespmem:$0x2A70] =	vst v1  }
0x38: {  	[tilespmem:$0x2A80] =	vst v1  }
0x39: {  	[tilespmem:$0x2A90] =	vst v1  }
0x3a: {  	[tilespmem:$0x2AA0] =	vst v1  }
0x3b: {  	[tilespmem:$0x2AB0] =	vst v1  }
0x3c: {  	[tilespmem:$0x2AC0] =	vst v1  }
0x3d: {  	[tilespmem:$0x2AD0] =	vst v1  }
0x3e: {  	[tilespmem:$0x2AE0] =	vst v1  }
0x3f: {  	[tilespmem:$0x2AF0] =	vst v1  }
0x40: {  	[spmem:s4] =	stream.linear.scatter [tilespmem:s8], [sflag:$0x2], $0x280, $0x38;
	[tilespmem:$0x2D80] =	vst v63  }
0x41: {  	_ =	swait.ge [sflag:s9], $0x280  }
0x42: {  	[sflag:s9] =	ssyncset.done $0x0  }
0x43: {  	[sflag:s9] =	ssyncadd.s32 $0xFFFFFD80  }
0x44: {  	[tilespmem:s3], [sflag:$0x2] =	stream.linear.gather [hbm4b:s5+s3], $0x2800, $0x38;
	[tilespmem:$0x2D80] =	vst v63  }
0x45: {  	_ =	swait.ge [sflag:s9], $0x2800  }
0x46: {  	[sflag:s9] =	ssyncset.done $0x0  }
0x47: {  	[sflag:s9] =	ssyncadd.s32 $0xFFFFD800  }
0x48: {  	s18 =	simm.s32 $0x0;
	[bflag:$0x0] =	sbarrier.arrive $0xFFFF  }
.LBB2_2:
0x49: {  	p0 =	sne.s32 s18, $0x9E00  }
.Ltmp0:
0x4a: {  	_ = 	snop;
	(pc) =	sbr.rel @p0 .LBB2_2-.Ltmp0, $3  }
0x4b: {  	_ =	sdelay $0x1  }
0x4c: {  	s19 =	sshra.s32 s18, $0x2;
	s18 =	sadd.s32 $0x200, s18  }
0x4d: {  	[spmem:s2] =	stream.indirect.scatter.add.f32 [tilespmem:s11], [sflag:$0x1], $0x1, s19, s10, $0xb8;
	[tilespmem:$0x2D80] =	vst v63  }
0x4e: {  	_ =	swait.ge [sflag:s12], $0x80  }
0x4f: {  	s18 =	simm.s32 $0x4F;
	[sflag:s12] =	ssyncset.done $0x0  }
.LBB2_4:
0x50: {  	p0 =	sne.s32 s18, $0x1;
	s18 =	sadd.s32 $0xFFFFFFFF, s18;
	[sflag:s12] =	ssyncadd.s32 $0xFFFFFF80  }
.Ltmp1:
0x51: {  	(pc) =	sbr.rel @p0 .LBB2_4-.Ltmp1, $3  }
0x52: {  	_ =	sdelay $0x1  }
0x53: {  	_ =	swait.ge [sflag:s12], $0x80  }
0x54: {  	[sflag:s12] =	ssyncset.done $0x0  }
0x55: {  	s17 =	sadd.s32 $0x1, s17  }
0x56: {  	[sflag:s12] =	ssyncadd.s32 $0xFFFFFF80;
	p0 =	sne.s32 s17, s7  }
.Ltmp2:
0x57: {  	[bflag:$0x0] =	sbarrier.arrive $0xFFFF;
	(pc) =	sbr.rel @p0 .LBB2_1-.Ltmp2, $4  }
0x58: {  	[hbm:s6@s15], [sflag:s13] =	dma.strided [spmem:s14@s16], $0x50, s12, $0x10   }
0x59: {  	_ =	swait.ge [sflag:s9], $0x50  }
0x5a: {  	[sflag:s9] =	ssyncset.done $0x0  }
0x5b: {  	[sflag:s9] =	ssyncadd.s32 $0xFFFFFFB0  }
0x5c: {  	_ =	sfence.sel $0x180000  }
0x5d: {  	[bflag:$0x0] =	sbarrier.arrive $0xFFFF  }
0x5e: {  	p0 =	sne.s32 s1, $0x0;
	_ =	strace $0x90000047  }
0x5f: {  	s0 =	sadd.s32 @!p0 $0x100000, s0;
	[bflag:$0x2] =	sbarrier.arrive $0xFFFF  }
0x60: {  	[sflag:s0] =	ssyncadd.tile.s32 @!p0 $0x1;
	_ =	shalt  }
.Lfunc_end2:
_tile_overlayer_lowered:
.L_overlay_start_2:
0x61: {  	(tag) =	ssettag $0x2  }
0x62: {  	s0 =	rddreg [dreg:$0x0];
	s2 =	stileid.u32  }
0x63: {  	s1 =	rddreg [dreg:$0x1];
	p0 =	sne.s32 s2, $0x0  }
0x64: {  	s3 =	rddreg [dreg:$0x2];
	[bflag:$0x3] =	sbarrier.arrive $0xFFFF;
	s2 =	simm.s32 @!p0 $0x1C02  }
0x65: {  	[timem:s3], [sflag:s2] =	dma.local @!p0 [hbm:s0], s1  }
0x66: {  	s0 =	simm.s32 @!p0 $0x2  }
0x67: {  	_ =	swait.ge @!p0 [sflag:s0], s1  }
0x68: {  	s1 =	ssub.s32 @!p0 $0x0, s1;
	[sflag:s0] =	ssyncset.done @!p0 $0x0  }
0x69: {  	[sflag:s0] =	ssyncadd.s32 @!p0 s1  }
0x6a: {  	[bflag:$0x3] =	sbarrier.arrive $0xFFFF  }
0x6b: {  	_ =	shalt  }

</sc_bundles>
